<compile_context>
chip_gen: v7x
topology: tpu7x:2x2x1
jax: 0.10.2.dev20260603
libtpu: 0.0.44.dev20260713+nightly
codegen_flags: <defaults>
</compile_context>

<pallas_src>
import functools

import jax
import jax.numpy as jnp
from jax import lax
from jax.experimental import pallas as pl
from jax.experimental.pallas import tpu as pltpu
from jax.experimental.pallas import tpu_sc as plsc

_BATCH = 4096
_SEQ = 50
_EMB = 32
_SEQP = 52
_TCOL = 13
_TOTAL = _BATCH * _SEQP

_NC = 2
_NS = 16
_NW = _NC * _NS
_ROWS_PER_W = _TOTAL // _NW
_IDX_MINOR = 128
_GRP_PER_W = _ROWS_PER_W // _IDX_MINOR
_GRP_PER_CHUNK = 13
_N_CHUNKS = _GRP_PER_W // _GRP_PER_CHUNK
_CHUNK_ROWS = _GRP_PER_CHUNK * _IDX_MINOR


def _sc_gather(idx3d, table):
    mesh = plsc.VectorSubcoreMesh(core_axis_name="c", subcore_axis_name="s")

    @functools.partial(
        pl.kernel,
        mesh=mesh,
        out_type=jax.ShapeDtypeStruct((_TOTAL, _EMB), jnp.float32),
        scratch_types=[
            pltpu.VMEM((_GRP_PER_W, _IDX_MINOR), jnp.int32),
            pltpu.VMEM((_CHUNK_ROWS, _EMB), jnp.float32),
            pltpu.SemaphoreType.DMA,
        ],
        compiler_params=pltpu.CompilerParams(use_tc_tiling_on_sc=False),
    )
    def gather_kernel(idx_hbm, table_hbm, out_hbm, idx_v, rows_v, sem):
        wid = lax.axis_index("s") * _NC + lax.axis_index("c")
        row_base = wid * _ROWS_PER_W
        pltpu.sync_copy(idx_hbm.at[wid], idx_v)
        for c in range(_N_CHUNKS):
            copies = []
            for j in range(_GRP_PER_CHUNK):
                copies.append(pltpu.async_copy(
                    table_hbm.at[idx_v.at[c * _GRP_PER_CHUNK + j]],
                    rows_v.at[pl.ds(j * _IDX_MINOR, _IDX_MINOR)],
                    sem,
                ))
            for cp in copies:
                cp.wait()
            pltpu.sync_copy(
                rows_v,
                out_hbm.at[pl.ds(row_base + c * _CHUNK_ROWS, _CHUNK_ROWS)],
            )

    return gather_kernel(idx3d, table)


def _mlp(x4, W1p, b1, W2, b2):
    gblk = 64
    rows = gblk * 8

    def body(x_ref, w1_ref, b1_ref, w2_ref, b2_ref, o_ref):
        acc = None
        for t in range(_TCOL):
            xt = x_ref[:, t].reshape(rows, _IDX_MINOR)
            p = jnp.dot(xt, w1_ref[t], preferred_element_type=jnp.float32)
            acc = p if acc is None else acc + p
        h = jnp.maximum(acc + b1_ref[...], 0.0)
        o = jnp.dot(h, w2_ref[...], preferred_element_type=jnp.float32)
        o_ref[...] = jnp.maximum(o + b2_ref[...], 0.0)

    return pl.pallas_call(
        body,
        grid=(_BATCH // rows,),
        in_specs=[
            pl.BlockSpec((gblk, _TCOL, 8, _IDX_MINOR), lambda i: (i, 0, 0, 0)),
            pl.BlockSpec((_TCOL, _IDX_MINOR, _EMB), lambda i: (0, 0, 0)),
            pl.BlockSpec((1, _EMB), lambda i: (0, 0)),
            pl.BlockSpec((_EMB, 1), lambda i: (0, 0)),
            pl.BlockSpec((1, 1), lambda i: (0, 0)),
        ],
        out_specs=pl.BlockSpec((rows, 1), lambda i: (i, 0)),
        out_shape=jax.ShapeDtypeStruct((_BATCH, 1), jnp.float32),
    )(x4, W1p, b1.reshape(1, _EMB), W2, b2.reshape(1, 1))


def kernel(indices, table, W1, b1, W2, b2):
    idx = indices.astype(jnp.int32)
    idxp = jnp.concatenate([idx, idx[:, : _SEQP - _SEQ]], axis=1)
    idx5 = (idxp.reshape(_NW, 16, 8, _TCOL, 4)
            .transpose(0, 1, 3, 2, 4)
            .reshape(_NW, _GRP_PER_W, _IDX_MINOR))
    gathered = _sc_gather(idx5, table)
    x4 = gathered.reshape(_BATCH // 8, _TCOL, 8, _IDX_MINOR)
    W1p = jnp.concatenate(
        [W1, jnp.zeros((_TCOL * _IDX_MINOR - _SEQ * _EMB, _EMB), W1.dtype)],
        axis=0).reshape(_TCOL, _IDX_MINOR, _EMB)
    return _mlp(x4, W1p, b1, W2, b2)

# --- scband reference (transcript-rebuilt; emitter-appended) ---
"""Pipeline reference for scband-test-model-6356551598319 (READ-ONLY COPY).

The authoritative reference and input builder live on the scoring server;
editing this copy changes nothing except your own understanding.
"""

import jax, jax.numpy as jnp
import numpy as np

BATCH = 4096
SEQ = 50
VOCAB = 1000000
EMB = 32

def setup_inputs(seed: int = 0) -> dict:
    key = jax.random.key(seed)
    k0, k1, k2, k3 = jax.random.split(key, 4)
    indices = jax.random.randint(k0, (BATCH, SEQ), 0, VOCAB, dtype=jnp.int64 if jax.config.jax_enable_x64 else jnp.int32)
    table = jax.random.normal(k1, (VOCAB, EMB), dtype=jnp.float32) * 0.05
    W1 = jax.random.normal(k2, (SEQ * EMB, EMB), dtype=jnp.float32) * 0.02
    b1 = jnp.zeros((EMB,), dtype=jnp.float32)
    W2 = jax.random.normal(k3, (EMB, 1), dtype=jnp.float32) * 0.02
    b2 = jnp.zeros((1,), dtype=jnp.float32)
    return {"indices": indices, "table": table, "W1": W1, "b1": b1, "W2": W2, "b2": b2}

def reference(indices, table, W1, b1, W2, b2):
    # Embedding lookup (gather) -> flatten -> dense(relu) -> dense(relu)
    emb = jnp.take(table, indices, axis=0)            # [B, S, E]
    flat = emb.reshape(emb.shape[0], -1)              # [B, S*E]
    h = jax.nn.relu(flat @ W1 + b1)                   # [B, E]
    out = jax.nn.relu(h @ W2 + b2)                    # [B, 1]
    return out

if __name__ == "__main__":
    import jax
    _d = setup_inputs()
    print(jax.jit(kernel)(*tuple(_d.values())))

</pallas_src>

<mosaic_0001>
#map = affine_map<(d0, d1) -> (0, 0, 0)>
#map1 = affine_map<(d0, d1) -> (0, 0)>
module attributes {stable_mosaic.version = 14 : i64} {
  func.func @gather_kernel(%arg0: i32, %arg1: i32, %arg2: memref<32x52x128xi32, #tpu.memory_space<hbm>>, %arg3: memref<1000000x32xf32, #tpu.memory_space<hbm>>, %arg4: memref<212992x32xf32, #tpu.memory_space<hbm>>, %arg5: memref<52x128xi32, #tpu.memory_space<vmem>>, %arg6: memref<1664x32xf32, #tpu.memory_space<vmem>>, %arg7: memref<!tpu.dma_semaphore, #tpu.memory_space<semaphore_mem>>) attributes {dimension_semantics = [#tpu.dimension_semantics<core_parallel>, #tpu.dimension_semantics<subcore_parallel>], iteration_bounds = array<i64: 2, 16>, scalar_prefetch = 0 : i64, scratch_operands = 3 : i64, tpu.core_type = #tpu.core_type<sc_vector_subcore>, window_params = [{transform_indices = #map}, {transform_indices = #map1}, {transform_indices = #map1}]} {
    %mul3A = arith.constant 2 : i32
    %mul3A_0 = arith.muli %arg1, %mul3A : i32
    %add3A = arith.addi %mul3A_0, %arg0 : i32
    %mul3A_1 = arith.constant 6656 : i32
    %mul3A_2 = arith.muli %add3A, %mul3A_1 : i32
    "tpu.region"() ({
      %run_scoped3A = tpu.sem_alloc : memref<!tpu.dma_semaphore, #tpu.memory_space<semaphore_mem>>
      %dma_start3A_1049 = arith.constant 0 : i32
      %dma_start3A_1050 = arith.constant 0 : i32
      %dma_start3A_1051 = tpu.memref_slice %arg2[%add3A, %dma_start3A_1049, %dma_start3A_1050] : memref<32x52x128xi32, #tpu.memory_space<hbm>> -> memref<1x52x128xi32, #tpu.memory_space<hbm>>
      %dma_start3A_1052 = tpu.memref_squeeze %dma_start3A_1051 : memref<1x52x128xi32, #tpu.memory_space<hbm>> -> memref<52x128xi32, #tpu.memory_space<hbm>>
      %dma_start3A_1053 = arith.constant 0 : i32
      %dma_start3A_1054 = arith.constant 0 : i32
      %dma_start3A_1055 = tpu.memref_slice %arg2[%add3A, %dma_start3A_1053, %dma_start3A_1054] : memref<32x52x128xi32, #tpu.memory_space<hbm>> -> memref<1x52x128xi32, #tpu.memory_space<hbm>>
      %dma_start3A_1056 = tpu.memref_squeeze %dma_start3A_1055 : memref<1x52x128xi32, #tpu.memory_space<hbm>> -> memref<52x128xi32, #tpu.memory_space<hbm>>
      tpu.enqueue_dma source(%dma_start3A_1056 : memref<52x128xi32, #tpu.memory_space<hbm>>) target(%arg5 : memref<52x128xi32, #tpu.memory_space<vmem>>) target_semaphore(%run_scoped3A : memref<!tpu.dma_semaphore, #tpu.memory_space<semaphore_mem>>)
      %dma_wait3A_1057 = arith.constant 0 : i32
      %dma_wait3A_1058 = arith.constant 0 : i32
      %dma_wait3A_1059 = tpu.memref_slice %arg2[%add3A, %dma_wait3A_1057, %dma_wait3A_1058] : memref<32x52x128xi32, #tpu.memory_space<hbm>> -> memref<1x52x128xi32, #tpu.memory_space<hbm>>
      %dma_wait3A_1060 = tpu.memref_squeeze %dma_wait3A_1059 : memref<1x52x128xi32, #tpu.memory_space<hbm>> -> memref<52x128xi32, #tpu.memory_space<hbm>>
      %dma_wait3A_1061 = arith.constant 0 : i32
      %dma_wait3A_1062 = arith.constant 0 : i32
      %dma_wait3A_1063 = tpu.memref_slice %arg2[%add3A, %dma_wait3A_1061, %dma_wait3A_1062] : memref<32x52x128xi32, #tpu.memory_space<hbm>> -> memref<1x52x128xi32, #tpu.memory_space<hbm>>
      %dma_wait3A_1064 = tpu.memref_squeeze %dma_wait3A_1063 : memref<1x52x128xi32, #tpu.memory_space<hbm>> -> memref<52x128xi32, #tpu.memory_space<hbm>>
      tpu.wait_dma2 semaphore(%run_scoped3A : memref<!tpu.dma_semaphore, #tpu.memory_space<semaphore_mem>>) src(%dma_wait3A_1064 : memref<52x128xi32, #tpu.memory_space<hbm>>) dst(%arg5 : memref<52x128xi32, #tpu.memory_space<vmem>>)
      tpu.yield
    }) : () -> ()
    %dma_start3A = arith.constant 0 : i32
    %dma_start3A_3 = arith.constant 0 : i32
    %dma_start3A_4 = arith.constant 0 : i32
    %dma_start3A_5 = tpu.memref_slice %arg6[%dma_start3A_3, %dma_start3A_4] : memref<1664x32xf32, #tpu.memory_space<vmem>> -> memref<128x32xf32, #tpu.memory_space<vmem>>
    %dma_start3A_6 = arith.constant 0 : i32
    %dma_start3A_7 = tpu.memref_slice %arg5[%dma_start3A, %dma_start3A_6] : memref<52x128xi32, #tpu.memory_space<vmem>> -> memref<1x128xi32, #tpu.memory_space<vmem>>
    %dma_start3A_8 = tpu.memref_squeeze %dma_start3A_7 : memref<1x128xi32, #tpu.memory_space<vmem>> -> memref<128xi32, #tpu.memory_space<vmem>>
    %dma_start3A_9 = arith.constant 0 : i32
    %dma_start3A_10 = arith.constant 0 : i32
    %dma_start3A_11 = tpu.memref_slice %arg3[%dma_start3A_9, %dma_start3A_10] : memref<1000000x32xf32, #tpu.memory_space<hbm>> -> memref<1000000x32xf32, #tpu.memory_space<hbm>>
    tpu.enqueue_indirect_dma source(%dma_start3A_11 : memref<1000000x32xf32, #tpu.memory_space<hbm>>) target(%dma_start3A_5 : memref<128x32xf32, #tpu.memory_space<vmem>>) offsets(%dma_start3A_8 : memref<128xi32, #tpu.memory_space<vmem>>) semaphore(%arg7 : memref<!tpu.dma_semaphore, #tpu.memory_space<semaphore_mem>>)
    %dma_start3A_12 = arith.constant 1 : i32
    %dma_start3A_13 = arith.constant 128 : i32
    %dma_start3A_14 = arith.constant 0 : i32
    %dma_start3A_15 = tpu.memref_slice %arg6[%dma_start3A_13, %dma_start3A_14] : memref<1664x32xf32, #tpu.memory_space<vmem>> -> memref<128x32xf32, #tpu.memory_space<vmem>>
    %dma_start3A_16 = arith.constant 0 : i32
    %dma_start3A_17 = tpu.memref_slice %arg5[%dma_start3A_12, %dma_start3A_16] : memref<52x128xi32, #tpu.memory_space<vmem>> -> memref<1x128xi32, #tpu.memory_space<vmem>>
    %dma_start3A_18 = tpu.memref_squeeze %dma_start3A_17 : memref<1x128xi32, #tpu.memory_space<vmem>> -> memref<128xi32, #tpu.memory_space<vmem>>
    %dma_start3A_19 = arith.constant 0 : i32
    %dma_start3A_20 = arith.constant 0 : i32
    %dma_start3A_21 = tpu.memref_slice %arg3[%dma_start3A_19, %dma_start3A_20] : memref<1000000x32xf32, #tpu.memory_space<hbm>> -> memref<1000000x32xf32, #tpu.memory_space<hbm>>
    tpu.enqueue_indirect_dma source(%dma_start3A_21 : memref<1000000x32xf32, #tpu.memory_space<hbm>>) target(%dma_start3A_15 : memref<128x32xf32, #tpu.memory_space<vmem>>) offsets(%dma_start3A_18 : memref<128xi32, #tpu.memory_space<vmem>>) semaphore(%arg7 : memref<!tpu.dma_semaphore, #tpu.memory_space<semaphore_mem>>)
    %dma_start3A_22 = arith.constant 2 : i32
    %dma_start3A_23 = arith.constant 256 : i32
    %dma_start3A_24 = arith.constant 0 : i32
    %dma_start3A_25 = tpu.memref_slice %arg6[%dma_start3A_23, %dma_start3A_24] : memref<1664x32xf32, #tpu.memory_space<vmem>> -> memref<128x32xf32, #tpu.memory_space<vmem>>
    %dma_start3A_26 = arith.constant 0 : i32
    %dma_start3A_27 = tpu.memref_slice %arg5[%dma_start3A_22, %dma_start3A_26] : memref<52x128xi32, #tpu.memory_space<vmem>> -> memref<1x128xi32, #tpu.memory_space<vmem>>
    %dma_start3A_28 = tpu.memref_squeeze %dma_start3A_27 : memref<1x128xi32, #tpu.memory_space<vmem>> -> memref<128xi32, #tpu.memory_space<vmem>>
    %dma_start3A_29 = arith.constant 0 : i32
    %dma_start3A_30 = arith.constant 0 : i32
    %dma_start3A_31 = tpu.memref_slice %arg3[%dma_start3A_29, %dma_start3A_30] : memref<1000000x32xf32, #tpu.memory_space<hbm>> -> memref<1000000x32xf32, #tpu.memory_space<hbm>>
    tpu.enqueue_indirect_dma source(%dma_start3A_31 : memref<1000000x32xf32, #tpu.memory_space<hbm>>) target(%dma_start3A_25 : memref<128x32xf32, #tpu.memory_space<vmem>>) offsets(%dma_start3A_28 : memref<128xi32, #tpu.memory_space<vmem>>) semaphore(%arg7 : memref<!tpu.dma_semaphore, #tpu.memory_space<semaphore_mem>>)
    %dma_start3A_32 = arith.constant 3 : i32
    %dma_start3A_33 = arith.constant 384 : i32
    %dma_start3A_34 = arith.constant 0 : i32
    %dma_start3A_35 = tpu.memref_slice %arg6[%dma_start3A_33, %dma_start3A_34] : memref<1664x32xf32, #tpu.memory_space<vmem>> -> memref<128x32xf32, #tpu.memory_space<vmem>>
    %dma_start3A_36 = arith.constant 0 : i32
    %dma_start3A_37 = tpu.memref_slice %arg5[%dma_start3A_32, %dma_start3A_36] : memref<52x128xi32, #tpu.memory_space<vmem>> -> memref<1x128xi32, #tpu.memory_space<vmem>>
    %dma_start3A_38 = tpu.memref_squeeze %dma_start3A_37 : memref<1x128xi32, #tpu.memory_space<vmem>> -> memref<128xi32, #tpu.memory_space<vmem>>
    %dma_start3A_39 = arith.constant 0 : i32
    %dma_start3A_40 = arith.constant 0 : i32
    %dma_start3A_41 = tpu.memref_slice %arg3[%dma_start3A_39, %dma_start3A_40] : memref<1000000x32xf32, #tpu.memory_space<hbm>> -> memref<1000000x32xf32, #tpu.memory_space<hbm>>
    tpu.enqueue_indirect_dma source(%dma_start3A_41 : memref<1000000x32xf32, #tpu.memory_space<hbm>>) target(%dma_start3A_35 : memref<128x32xf32, #tpu.memory_space<vmem>>) offsets(%dma_start3A_38 : memref<128xi32, #tpu.memory_space<vmem>>) semaphore(%arg7 : memref<!tpu.dma_semaphore, #tpu.memory_space<semaphore_mem>>)
    %dma_start3A_42 = arith.constant 4 : i32
    %dma_start3A_43 = arith.constant 512 : i32
    %dma_start3A_44 = arith.constant 0 : i32
    %dma_start3A_45 = tpu.memref_slice %arg6[%dma_start3A_43, %dma_start3A_44] : memref<1664x32xf32, #tpu.memory_space<vmem>> -> memref<128x32xf32, #tpu.memory_space<vmem>>
    %dma_start3A_46 = arith.constant 0 : i32
    %dma_start3A_47 = tpu.memref_slice %arg5[%dma_start3A_42, %dma_start3A_46] : memref<52x128xi32, #tpu.memory_space<vmem>> -> memref<1x128xi32, #tpu.memory_space<vmem>>
    %dma_start3A_48 = tpu.memref_squeeze %dma_start3A_47 : memref<1x128xi32, #tpu.memory_space<vmem>> -> memref<128xi32, #tpu.memory_space<vmem>>
    %dma_start3A_49 = arith.constant 0 : i32
    %dma_start3A_50 = arith.constant 0 : i32
    %dma_start3A_51 = tpu.memref_slice %arg3[%dma_start3A_49, %dma_start3A_50] : memref<1000000x32xf32, #tpu.memory_space<hbm>> -> memref<1000000x32xf32, #tpu.memory_space<hbm>>
    tpu.enqueue_indirect_dma source(%dma_start3A_51 : memref<1000000x32xf32, #tpu.memory_space<hbm>>) target(%dma_start3A_45 : memref<128x32xf32, #tpu.memory_space<vmem>>) offsets(%dma_start3A_48 : memref<128xi32, #tpu.memory_space<vmem>>) semaphore(%arg7 : memref<!tpu.dma_semaphore, #tpu.memory_space<semaphore_mem>>)
    %dma_start3A_52 = arith.constant 5 : i32
    %dma_start3A_53 = arith.constant 640 : i32
    %dma_start3A_54 = arith.constant 0 : i32
    %dma_start3A_55 = tpu.memref_slice %arg6[%dma_start3A_53, %dma_start3A_54] : memref<1664x32xf32, #tpu.memory_space<vmem>> -> memref<128x32xf32, #tpu.memory_space<vmem>>
    %dma_start3A_56 = arith.constant 0 : i32
    %dma_start3A_57 = tpu.memref_slice %arg5[%dma_start3A_52, %dma_start3A_56] : memref<52x128xi32, #tpu.memory_space<vmem>> -> memref<1x128xi32, #tpu.memory_space<vmem>>
    %dma_start3A_58 = tpu.memref_squeeze %dma_start3A_57 : memref<1x128xi32, #tpu.memory_space<vmem>> -> memref<128xi32, #tpu.memory_space<vmem>>
    %dma_start3A_59 = arith.constant 0 : i32
    %dma_start3A_60 = arith.constant 0 : i32
    %dma_start3A_61 = tpu.memref_slice %arg3[%dma_start3A_59, %dma_start3A_60] : memref<1000000x32xf32, #tpu.memory_space<hbm>> -> memref<1000000x32xf32, #tpu.memory_space<hbm>>
    tpu.enqueue_indirect_dma source(%dma_start3A_61 : memref<1000000x32xf32, #tpu.memory_space<hbm>>) target(%dma_start3A_55 : memref<128x32xf32, #tpu.memory_space<vmem>>) offsets(%dma_start3A_58 : memref<128xi32, #tpu.memory_space<vmem>>) semaphore(%arg7 : memref<!tpu.dma_semaphore, #tpu.memory_space<semaphore_mem>>)
    %dma_start3A_62 = arith.constant 6 : i32
    %dma_start3A_63 = arith.constant 768 : i32
    %dma_start3A_64 = arith.constant 0 : i32
    %dma_start3A_65 = tpu.memref_slice %arg6[%dma_start3A_63, %dma_start3A_64] : memref<1664x32xf32, #tpu.memory_space<vmem>> -> memref<128x32xf32, #tpu.memory_space<vmem>>
    %dma_start3A_66 = arith.constant 0 : i32
    %dma_start3A_67 = tpu.memref_slice %arg5[%dma_start3A_62, %dma_start3A_66] : memref<52x128xi32, #tpu.memory_space<vmem>> -> memref<1x128xi32, #tpu.memory_space<vmem>>
    %dma_start3A_68 = tpu.memref_squeeze %dma_start3A_67 : memref<1x128xi32, #tpu.memory_space<vmem>> -> memref<128xi32, #tpu.memory_space<vmem>>
    %dma_start3A_69 = arith.constant 0 : i32
    %dma_start3A_70 = arith.constant 0 : i32
    %dma_start3A_71 = tpu.memref_slice %arg3[%dma_start3A_69, %dma_start3A_70] : memref<1000000x32xf32, #tpu.memory_space<hbm>> -> memref<1000000x32xf32, #tpu.memory_space<hbm>>
    tpu.enqueue_indirect_dma source(%dma_start3A_71 : memref<1000000x32xf32, #tpu.memory_space<hbm>>) target(%dma_start3A_65 : memref<128x32xf32, #tpu.memory_space<vmem>>) offsets(%dma_start3A_68 : memref<128xi32, #tpu.memory_space<vmem>>) semaphore(%arg7 : memref<!tpu.dma_semaphore, #tpu.memory_space<semaphore_mem>>)
    %dma_start3A_72 = arith.constant 7 : i32
    %dma_start3A_73 = arith.constant 896 : i32
    %dma_start3A_74 = arith.constant 0 : i32
    %dma_start3A_75 = tpu.memref_slice %arg6[%dma_start3A_73, %dma_start3A_74] : memref<1664x32xf32, #tpu.memory_space<vmem>> -> memref<128x32xf32, #tpu.memory_space<vmem>>
    %dma_start3A_76 = arith.constant 0 : i32
    %dma_start3A_77 = tpu.memref_slice %arg5[%dma_start3A_72, %dma_start3A_76] : memref<52x128xi32, #tpu.memory_space<vmem>> -> memref<1x128xi32, #tpu.memory_space<vmem>>
    %dma_start3A_78 = tpu.memref_squeeze %dma_start3A_77 : memref<1x128xi32, #tpu.memory_space<vmem>> -> memref<128xi32, #tpu.memory_space<vmem>>
    %dma_start3A_79 = arith.constant 0 : i32
    %dma_start3A_80 = arith.constant 0 : i32
    %dma_start3A_81 = tpu.memref_slice %arg3[%dma_start3A_79, %dma_start3A_80] : memref<1000000x32xf32, #tpu.memory_space<hbm>> -> memref<1000000x32xf32, #tpu.memory_space<hbm>>
    tpu.enqueue_indirect_dma source(%dma_start3A_81 : memref<1000000x32xf32, #tpu.memory_space<hbm>>) target(%dma_start3A_75 : memref<128x32xf32, #tpu.memory_space<vmem>>) offsets(%dma_start3A_78 : memref<128xi32, #tpu.memory_space<vmem>>) semaphore(%arg7 : memref<!tpu.dma_semaphore, #tpu.memory_space<semaphore_mem>>)
    %dma_start3A_82 = arith.constant 8 : i32
    %dma_start3A_83 = arith.constant 1024 : i32
    %dma_start3A_84 = arith.constant 0 : i32
    %dma_start3A_85 = tpu.memref_slice %arg6[%dma_start3A_83, %dma_start3A_84] : memref<1664x32xf32, #tpu.memory_space<vmem>> -> memref<128x32xf32, #tpu.memory_space<vmem>>
    %dma_start3A_86 = arith.constant 0 : i32
    %dma_start3A_87 = tpu.memref_slice %arg5[%dma_start3A_82, %dma_start3A_86] : memref<52x128xi32, #tpu.memory_space<vmem>> -> memref<1x128xi32, #tpu.memory_space<vmem>>
    %dma_start3A_88 = tpu.memref_squeeze %dma_start3A_87 : memref<1x128xi32, #tpu.memory_space<vmem>> -> memref<128xi32, #tpu.memory_space<vmem>>
    %dma_start3A_89 = arith.constant 0 : i32
    %dma_start3A_90 = arith.constant 0 : i32
    %dma_start3A_91 = tpu.memref_slice %arg3[%dma_start3A_89, %dma_start3A_90] : memref<1000000x32xf32, #tpu.memory_space<hbm>> -> memref<1000000x32xf32, #tpu.memory_space<hbm>>
    tpu.enqueue_indirect_dma source(%dma_start3A_91 : memref<1000000x32xf32, #tpu.memory_space<hbm>>) target(%dma_start3A_85 : memref<128x32xf32, #tpu.memory_space<vmem>>) offsets(%dma_start3A_88 : memref<128xi32, #tpu.memory_space<vmem>>) semaphore(%arg7 : memref<!tpu.dma_semaphore, #tpu.memory_space<semaphore_mem>>)
    %dma_start3A_92 = arith.constant 9 : i32
    %dma_start3A_93 = arith.constant 1152 : i32
    %dma_start3A_94 = arith.constant 0 : i32
    %dma_start3A_95 = tpu.memref_slice %arg6[%dma_start3A_93, %dma_start3A_94] : memref<1664x32xf32, #tpu.memory_space<vmem>> -> memref<128x32xf32, #tpu.memory_space<vmem>>
    %dma_start3A_96 = arith.constant 0 : i32
    %dma_start3A_97 = tpu.memref_slice %arg5[%dma_start3A_92, %dma_start3A_96] : memref<52x128xi32, #tpu.memory_space<vmem>> -> memref<1x128xi32, #tpu.memory_space<vmem>>
    %dma_start3A_98 = tpu.memref_squeeze %dma_start3A_97 : memref<1x128xi32, #tpu.memory_space<vmem>> -> memref<128xi32, #tpu.memory_space<vmem>>
    %dma_start3A_99 = arith.constant 0 : i32
    %dma_start3A_100 = arith.constant 0 : i32
    %dma_start3A_101 = tpu.memref_slice %arg3[%dma_start3A_99, %dma_start3A_100] : memref<1000000x32xf32, #tpu.memory_space<hbm>> -> memref<1000000x32xf32, #tpu.memory_space<hbm>>
    tpu.enqueue_indirect_dma source(%dma_start3A_101 : memref<1000000x32xf32, #tpu.memory_space<hbm>>) target(%dma_start3A_95 : memref<128x32xf32, #tpu.memory_space<vmem>>) offsets(%dma_start3A_98 : memref<128xi32, #tpu.memory_space<vmem>>) semaphore(%arg7 : memref<!tpu.dma_semaphore, #tpu.memory_space<semaphore_mem>>)
    %dma_start3A_102 = arith.constant 10 : i32
    %dma_start3A_103 = arith.constant 1280 : i32
    %dma_start3A_104 = arith.constant 0 : i32
    %dma_start3A_105 = tpu.memref_slice %arg6[%dma_start3A_103, %dma_start3A_104] : memref<1664x32xf32, #tpu.memory_space<vmem>> -> memref<128x32xf32, #tpu.memory_space<vmem>>
    %dma_start3A_106 = arith.constant 0 : i32
    %dma_start3A_107 = tpu.memref_slice %arg5[%dma_start3A_102, %dma_start3A_106] : memref<52x128xi32, #tpu.memory_space<vmem>> -> memref<1x128xi32, #tpu.memory_space<vmem>>
    %dma_start3A_108 = tpu.memref_squeeze %dma_start3A_107 : memref<1x128xi32, #tpu.memory_space<vmem>> -> memref<128xi32, #tpu.memory_space<vmem>>
    %dma_start3A_109 = arith.constant 0 : i32
    %dma_start3A_110 = arith.constant 0 : i32
    %dma_start3A_111 = tpu.memref_slice %arg3[%dma_start3A_109, %dma_start3A_110] : memref<1000000x32xf32, #tpu.memory_space<hbm>> -> memref<1000000x32xf32, #tpu.memory_space<hbm>>
    tpu.enqueue_indirect_dma source(%dma_start3A_111 : memref<1000000x32xf32, #tpu.memory_space<hbm>>) target(%dma_start3A_105 : memref<128x32xf32, #tpu.memory_space<vmem>>) offsets(%dma_start3A_108 : memref<128xi32, #tpu.memory_space<vmem>>) semaphore(%arg7 : memref<!tpu.dma_semaphore, #tpu.memory_space<semaphore_mem>>)
    %dma_start3A_112 = arith.constant 11 : i32
    %dma_start3A_113 = arith.constant 1408 : i32
    %dma_start3A_114 = arith.constant 0 : i32
    %dma_start3A_115 = tpu.memref_slice %arg6[%dma_start3A_113, %dma_start3A_114] : memref<1664x32xf32, #tpu.memory_space<vmem>> -> memref<128x32xf32, #tpu.memory_space<vmem>>
    %dma_start3A_116 = arith.constant 0 : i32
    %dma_start3A_117 = tpu.memref_slice %arg5[%dma_start3A_112, %dma_start3A_116] : memref<52x128xi32, #tpu.memory_space<vmem>> -> memref<1x128xi32, #tpu.memory_space<vmem>>
    %dma_start3A_118 = tpu.memref_squeeze %dma_start3A_117 : memref<1x128xi32, #tpu.memory_space<vmem>> -> memref<128xi32, #tpu.memory_space<vmem>>
    %dma_start3A_119 = arith.constant 0 : i32
    %dma_start3A_120 = arith.constant 0 : i32
    %dma_start3A_121 = tpu.memref_slice %arg3[%dma_start3A_119, %dma_start3A_120] : memref<1000000x32xf32, #tpu.memory_space<hbm>> -> memref<1000000x32xf32, #tpu.memory_space<hbm>>
    tpu.enqueue_indirect_dma source(%dma_start3A_121 : memref<1000000x32xf32, #tpu.memory_space<hbm>>) target(%dma_start3A_115 : memref<128x32xf32, #tpu.memory_space<vmem>>) offsets(%dma_start3A_118 : memref<128xi32, #tpu.memory_space<vmem>>) semaphore(%arg7 : memref<!tpu.dma_semaphore, #tpu.memory_space<semaphore_mem>>)
    %dma_start3A_122 = arith.constant 12 : i32
    %dma_start3A_123 = arith.constant 1536 : i32
    %dma_start3A_124 = arith.constant 0 : i32
    %dma_start3A_125 = tpu.memref_slice %arg6[%dma_start3A_123, %dma_start3A_124] : memref<1664x32xf32, #tpu.memory_space<vmem>> -> memref<128x32xf32, #tpu.memory_space<vmem>>
    %dma_start3A_126 = arith.constant 0 : i32
    %dma_start3A_127 = tpu.memref_slice %arg5[%dma_start3A_122, %dma_start3A_126] : memref<52x128xi32, #tpu.memory_space<vmem>> -> memref<1x128xi32, #tpu.memory_space<vmem>>
    %dma_start3A_128 = tpu.memref_squeeze %dma_start3A_127 : memref<1x128xi32, #tpu.memory_space<vmem>> -> memref<128xi32, #tpu.memory_space<vmem>>
    %dma_start3A_129 = arith.constant 0 : i32
    %dma_start3A_130 = arith.constant 0 : i32
    %dma_start3A_131 = tpu.memref_slice %arg3[%dma_start3A_129, %dma_start3A_130] : memref<1000000x32xf32, #tpu.memory_space<hbm>> -> memref<1000000x32xf32, #tpu.memory_space<hbm>>
    tpu.enqueue_indirect_dma source(%dma_start3A_131 : memref<1000000x32xf32, #tpu.memory_space<hbm>>) target(%dma_start3A_125 : memref<128x32xf32, #tpu.memory_space<vmem>>) offsets(%dma_start3A_128 : memref<128xi32, #tpu.memory_space<vmem>>) semaphore(%arg7 : memref<!tpu.dma_semaphore, #tpu.memory_space<semaphore_mem>>)
    %dma_wait3A = arith.constant 0 : i32
    %dma_wait3A_132 = arith.constant 0 : i32
    %dma_wait3A_133 = arith.constant 0 : i32
    %dma_wait3A_134 = tpu.memref_slice %arg6[%dma_wait3A_132, %dma_wait3A_133] : memref<1664x32xf32, #tpu.memory_space<vmem>> -> memref<128x32xf32, #tpu.memory_space<vmem>>
    %dma_wait3A_135 = arith.constant 0 : i32
    %dma_wait3A_136 = tpu.memref_slice %arg5[%dma_wait3A, %dma_wait3A_135] : memref<52x128xi32, #tpu.memory_space<vmem>> -> memref<1x128xi32, #tpu.memory_space<vmem>>
    %dma_wait3A_137 = tpu.memref_squeeze %dma_wait3A_136 : memref<1x128xi32, #tpu.memory_space<vmem>> -> memref<128xi32, #tpu.memory_space<vmem>>
    %dma_wait3A_138 = arith.constant 0 : i32
    %dma_wait3A_139 = arith.constant 0 : i32
    %dma_wait3A_140 = tpu.memref_slice %arg3[%dma_wait3A_138, %dma_wait3A_139] : memref<1000000x32xf32, #tpu.memory_space<hbm>> -> memref<1000000x32xf32, #tpu.memory_space<hbm>>
    tpu.wait_indirect_dma semaphore(%arg7 : memref<!tpu.dma_semaphore, #tpu.memory_space<semaphore_mem>>) src(%dma_wait3A_140 : memref<1000000x32xf32, #tpu.memory_space<hbm>>) dst(%dma_wait3A_134 : memref<128x32xf32, #tpu.memory_space<vmem>>)
    %dma_wait3A_141 = arith.constant 1 : i32
    %dma_wait3A_142 = arith.constant 128 : i32
    %dma_wait3A_143 = arith.constant 0 : i32
    %dma_wait3A_144 = tpu.memref_slice %arg6[%dma_wait3A_142, %dma_wait3A_143] : memref<1664x32xf32, #tpu.memory_space<vmem>> -> memref<128x32xf32, #tpu.memory_space<vmem>>
    %dma_wait3A_145 = arith.constant 0 : i32
    %dma_wait3A_146 = tpu.memref_slice %arg5[%dma_wait3A_141, %dma_wait3A_145] : memref<52x128xi32, #tpu.memory_space<vmem>> -> memref<1x128xi32, #tpu.memory_space<vmem>>
    %dma_wait3A_147 = tpu.memref_squeeze %dma_wait3A_146 : memref<1x128xi32, #tpu.memory_space<vmem>> -> memref<128xi32, #tpu.memory_space<vmem>>
    %dma_wait3A_148 = arith.constant 0 : i32
    %dma_wait3A_149 = arith.constant 0 : i32
    %dma_wait3A_150 = tpu.memref_slice %arg3[%dma_wait3A_148, %dma_wait3A_149] : memref<1000000x32xf32, #tpu.memory_space<hbm>> -> memref<1000000x32xf32, #tpu.memory_space<hbm>>
    tpu.wait_indirect_dma semaphore(%arg7 : memref<!tpu.dma_semaphore, #tpu.memory_space<semaphore_mem>>) src(%dma_wait3A_150 : memref<1000000x32xf32, #tpu.memory_space<hbm>>) dst(%dma_wait3A_144 : memref<128x32xf32, #tpu.memory_space<vmem>>)
    %dma_wait3A_151 = arith.constant 2 : i32
    %dma_wait3A_152 = arith.constant 256 : i32
    %dma_wait3A_153 = arith.constant 0 : i32
    %dma_wait3A_154 = tpu.memref_slice %arg6[%dma_wait3A_152, %dma_wait3A_153] : memref<1664x32xf32, #tpu.memory_space<vmem>> -> memref<128x32xf32, #tpu.memory_space<vmem>>
    %dma_wait3A_155 = arith.constant 0 : i32
    %dma_wait3A_156 = tpu.memref_slice %arg5[%dma_wait3A_151, %dma_wait3A_155] : memref<52x128xi32, #tpu.memory_space<vmem>> -> memref<1x128xi32, #tpu.memory_space<vmem>>
    %dma_wait3A_157 = tpu.memref_squeeze %dma_wait3A_156 : memref<1x128xi32, #tpu.memory_space<vmem>> -> memref<128xi32, #tpu.memory_space<vmem>>
    %dma_wait3A_158 = arith.constant 0 : i32
    %dma_wait3A_159 = arith.constant 0 : i32
    %dma_wait3A_160 = tpu.memref_slice %arg3[%dma_wait3A_158, %dma_wait3A_159] : memref<1000000x32xf32, #tpu.memory_space<hbm>> -> memref<1000000x32xf32, #tpu.memory_space<hbm>>
    tpu.wait_indirect_dma semaphore(%arg7 : memref<!tpu.dma_semaphore, #tpu.memory_space<semaphore_mem>>) src(%dma_wait3A_160 : memref<1000000x32xf32, #tpu.memory_space<hbm>>) dst(%dma_wait3A_154 : memref<128x32xf32, #tpu.memory_space<vmem>>)
    %dma_wait3A_161 = arith.constant 3 : i32
    %dma_wait3A_162 = arith.constant 384 : i32
    %dma_wait3A_163 = arith.constant 0 : i32
    %dma_wait3A_164 = tpu.memref_slice %arg6[%dma_wait3A_162, %dma_wait3A_163] : memref<1664x32xf32, #tpu.memory_space<vmem>> -> memref<128x32xf32, #tpu.memory_space<vmem>>
    %dma_wait3A_165 = arith.constant 0 : i32
    %dma_wait3A_166 = tpu.memref_slice %arg5[%dma_wait3A_161, %dma_wait3A_165] : memref<52x128xi32, #tpu.memory_space<vmem>> -> memref<1x128xi32, #tpu.memory_space<vmem>>
    %dma_wait3A_167 = tpu.memref_squeeze %dma_wait3A_166 : memref<1x128xi32, #tpu.memory_space<vmem>> -> memref<128xi32, #tpu.memory_space<vmem>>
    %dma_wait3A_168 = arith.constant 0 : i32
    %dma_wait3A_169 = arith.constant 0 : i32
    %dma_wait3A_170 = tpu.memref_slice %arg3[%dma_wait3A_168, %dma_wait3A_169] : memref<1000000x32xf32, #tpu.memory_space<hbm>> -> memref<1000000x32xf32, #tpu.memory_space<hbm>>
    tpu.wait_indirect_dma semaphore(%arg7 : memref<!tpu.dma_semaphore, #tpu.memory_space<semaphore_mem>>) src(%dma_wait3A_170 : memref<1000000x32xf32, #tpu.memory_space<hbm>>) dst(%dma_wait3A_164 : memref<128x32xf32, #tpu.memory_space<vmem>>)
    %dma_wait3A_171 = arith.constant 4 : i32
    %dma_wait3A_172 = arith.constant 512 : i32
    %dma_wait3A_173 = arith.constant 0 : i32
    %dma_wait3A_174 = tpu.memref_slice %arg6[%dma_wait3A_172, %dma_wait3A_173] : memref<1664x32xf32, #tpu.memory_space<vmem>> -> memref<128x32xf32, #tpu.memory_space<vmem>>
    %dma_wait3A_175 = arith.constant 0 : i32
    %dma_wait3A_176 = tpu.memref_slice %arg5[%dma_wait3A_171, %dma_wait3A_175] : memref<52x128xi32, #tpu.memory_space<vmem>> -> memref<1x128xi32, #tpu.memory_space<vmem>>
    %dma_wait3A_177 = tpu.memref_squeeze %dma_wait3A_176 : memref<1x128xi32, #tpu.memory_space<vmem>> -> memref<128xi32, #tpu.memory_space<vmem>>
    %dma_wait3A_178 = arith.constant 0 : i32
    %dma_wait3A_179 = arith.constant 0 : i32
    %dma_wait3A_180 = tpu.memref_slice %arg3[%dma_wait3A_178, %dma_wait3A_179] : memref<1000000x32xf32, #tpu.memory_space<hbm>> -> memref<1000000x32xf32, #tpu.memory_space<hbm>>
    tpu.wait_indirect_dma semaphore(%arg7 : memref<!tpu.dma_semaphore, #tpu.memory_space<semaphore_mem>>) src(%dma_wait3A_180 : memref<1000000x32xf32, #tpu.memory_space<hbm>>) dst(%dma_wait3A_174 : memref<128x32xf32, #tpu.memory_space<vmem>>)
    %dma_wait3A_181 = arith.constant 5 : i32
    %dma_wait3A_182 = arith.constant 640 : i32
    %dma_wait3A_183 = arith.constant 0 : i32
    %dma_wait3A_184 = tpu.memref_slice %arg6[%dma_wait3A_182, %dma_wait3A_183] : memref<1664x32xf32, #tpu.memory_space<vmem>> -> memref<128x32xf32, #tpu.memory_space<vmem>>
    %dma_wait3A_185 = arith.constant 0 : i32
    %dma_wait3A_186 = tpu.memref_slice %arg5[%dma_wait3A_181, %dma_wait3A_185] : memref<52x128xi32, #tpu.memory_space<vmem>> -> memref<1x128xi32, #tpu.memory_space<vmem>>
    %dma_wait3A_187 = tpu.memref_squeeze %dma_wait3A_186 : memref<1x128xi32, #tpu.memory_space<vmem>> -> memref<128xi32, #tpu.memory_space<vmem>>
    %dma_wait3A_188 = arith.constant 0 : i32
    %dma_wait3A_189 = arith.constant 0 : i32
    %dma_wait3A_190 = tpu.memref_slice %arg3[%dma_wait3A_188, %dma_wait3A_189] : memref<1000000x32xf32, #tpu.memory_space<hbm>> -> memref<1000000x32xf32, #tpu.memory_space<hbm>>
    tpu.wait_indirect_dma semaphore(%arg7 : memref<!tpu.dma_semaphore, #tpu.memory_space<semaphore_mem>>) src(%dma_wait3A_190 : memref<1000000x32xf32, #tpu.memory_space<hbm>>) dst(%dma_wait3A_184 : memref<128x32xf32, #tpu.memory_space<vmem>>)
    %dma_wait3A_191 = arith.constant 6 : i32
    %dma_wait3A_192 = arith.constant 768 : i32
    %dma_wait3A_193 = arith.constant 0 : i32
    %dma_wait3A_194 = tpu.memref_slice %arg6[%dma_wait3A_192, %dma_wait3A_193] : memref<1664x32xf32, #tpu.memory_space<vmem>> -> memref<128x32xf32, #tpu.memory_space<vmem>>
    %dma_wait3A_195 = arith.constant 0 : i32
    %dma_wait3A_196 = tpu.memref_slice %arg5[%dma_wait3A_191, %dma_wait3A_195] : memref<52x128xi32, #tpu.memory_space<vmem>> -> memref<1x128xi32, #tpu.memory_space<vmem>>
    %dma_wait3A_197 = tpu.memref_squeeze %dma_wait3A_196 : memref<1x128xi32, #tpu.memory_space<vmem>> -> memref<128xi32, #tpu.memory_space<vmem>>
    %dma_wait3A_198 = arith.constant 0 : i32
    %dma_wait3A_199 = arith.constant 0 : i32
    %dma_wait3A_200 = tpu.memref_slice %arg3[%dma_wait3A_198, %dma_wait3A_199] : memref<1000000x32xf32, #tpu.memory_space<hbm>> -> memref<1000000x32xf32, #tpu.memory_space<hbm>>
    tpu.wait_indirect_dma semaphore(%arg7 : memref<!tpu.dma_semaphore, #tpu.memory_space<semaphore_mem>>) src(%dma_wait3A_200 : memref<1000000x32xf32, #tpu.memory_space<hbm>>) dst(%dma_wait3A_194 : memref<128x32xf32, #tpu.memory_space<vmem>>)
    %dma_wait3A_201 = arith.constant 7 : i32
    %dma_wait3A_202 = arith.constant 896 : i32
    %dma_wait3A_203 = arith.constant 0 : i32
    %dma_wait3A_204 = tpu.memref_slice %arg6[%dma_wait3A_202, %dma_wait3A_203] : memref<1664x32xf32, #tpu.memory_space<vmem>> -> memref<128x32xf32, #tpu.memory_space<vmem>>
    %dma_wait3A_205 = arith.constant 0 : i32
    %dma_wait3A_206 = tpu.memref_slice %arg5[%dma_wait3A_201, %dma_wait3A_205] : memref<52x128xi32, #tpu.memory_space<vmem>> -> memref<1x128xi32, #tpu.memory_space<vmem>>
    %dma_wait3A_207 = tpu.memref_squeeze %dma_wait3A_206 : memref<1x128xi32, #tpu.memory_space<vmem>> -> memref<128xi32, #tpu.memory_space<vmem>>
    %dma_wait3A_208 = arith.constant 0 : i32
    %dma_wait3A_209 = arith.constant 0 : i32
    %dma_wait3A_210 = tpu.memref_slice %arg3[%dma_wait3A_208, %dma_wait3A_209] : memref<1000000x32xf32, #tpu.memory_space<hbm>> -> memref<1000000x32xf32, #tpu.memory_space<hbm>>
    tpu.wait_indirect_dma semaphore(%arg7 : memref<!tpu.dma_semaphore, #tpu.memory_space<semaphore_mem>>) src(%dma_wait3A_210 : memref<1000000x32xf32, #tpu.memory_space<hbm>>) dst(%dma_wait3A_204 : memref<128x32xf32, #tpu.memory_space<vmem>>)
    %dma_wait3A_211 = arith.constant 8 : i32
    %dma_wait3A_212 = arith.constant 1024 : i32
    %dma_wait3A_213 = arith.constant 0 : i32
    %dma_wait3A_214 = tpu.memref_slice %arg6[%dma_wait3A_212, %dma_wait3A_213] : memref<1664x32xf32, #tpu.memory_space<vmem>> -> memref<128x32xf32, #tpu.memory_space<vmem>>
    %dma_wait3A_215 = arith.constant 0 : i32
    %dma_wait3A_216 = tpu.memref_slice %arg5[%dma_wait3A_211, %dma_wait3A_215] : memref<52x128xi32, #tpu.memory_space<vmem>> -> memref<1x128xi32, #tpu.memory_space<vmem>>
    %dma_wait3A_217 = tpu.memref_squeeze %dma_wait3A_216 : memref<1x128xi32, #tpu.memory_space<vmem>> -> memref<128xi32, #tpu.memory_space<vmem>>
    %dma_wait3A_218 = arith.constant 0 : i32
    %dma_wait3A_219 = arith.constant 0 : i32
    %dma_wait3A_220 = tpu.memref_slice %arg3[%dma_wait3A_218, %dma_wait3A_219] : memref<1000000x32xf32, #tpu.memory_space<hbm>> -> memref<1000000x32xf32, #tpu.memory_space<hbm>>
    tpu.wait_indirect_dma semaphore(%arg7 : memref<!tpu.dma_semaphore, #tpu.memory_space<semaphore_mem>>) src(%dma_wait3A_220 : memref<1000000x32xf32, #tpu.memory_space<hbm>>) dst(%dma_wait3A_214 : memref<128x32xf32, #tpu.memory_space<vmem>>)
    %dma_wait3A_221 = arith.constant 9 : i32
    %dma_wait3A_222 = arith.constant 1152 : i32
    %dma_wait3A_223 = arith.constant 0 : i32
    %dma_wait3A_224 = tpu.memref_slice %arg6[%dma_wait3A_222, %dma_wait3A_223] : memref<1664x32xf32, #tpu.memory_space<vmem>> -> memref<128x32xf32, #tpu.memory_space<vmem>>
    %dma_wait3A_225 = arith.constant 0 : i32
    %dma_wait3A_226 = tpu.memref_slice %arg5[%dma_wait3A_221, %dma_wait3A_225] : memref<52x128xi32, #tpu.memory_space<vmem>> -> memref<1x128xi32, #tpu.memory_space<vmem>>
    %dma_wait3A_227 = tpu.memref_squeeze %dma_wait3A_226 : memref<1x128xi32, #tpu.memory_space<vmem>> -> memref<128xi32, #tpu.memory_space<vmem>>
    %dma_wait3A_228 = arith.constant 0 : i32
    %dma_wait3A_229 = arith.constant 0 : i32
    %dma_wait3A_230 = tpu.memref_slice %arg3[%dma_wait3A_228, %dma_wait3A_229] : memref<1000000x32xf32, #tpu.memory_space<hbm>> -> memref<1000000x32xf32, #tpu.memory_space<hbm>>
    tpu.wait_indirect_dma semaphore(%arg7 : memref<!tpu.dma_semaphore, #tpu.memory_space<semaphore_mem>>) src(%dma_wait3A_230 : memref<1000000x32xf32, #tpu.memory_space<hbm>>) dst(%dma_wait3A_224 : memref<128x32xf32, #tpu.memory_space<vmem>>)
    %dma_wait3A_231 = arith.constant 10 : i32
    %dma_wait3A_232 = arith.constant 1280 : i32
    %dma_wait3A_233 = arith.constant 0 : i32
    %dma_wait3A_234 = tpu.memref_slice %arg6[%dma_wait3A_232, %dma_wait3A_233] : memref<1664x32xf32, #tpu.memory_space<vmem>> -> memref<128x32xf32, #tpu.memory_space<vmem>>
    %dma_wait3A_235 = arith.constant 0 : i32
    %dma_wait3A_236 = tpu.memref_slice %arg5[%dma_wait3A_231, %dma_wait3A_235] : memref<52x128xi32, #tpu.memory_space<vmem>> -> memref<1x128xi32, #tpu.memory_space<vmem>>
    %dma_wait3A_237 = tpu.memref_squeeze %dma_wait3A_236 : memref<1x128xi32, #tpu.memory_space<vmem>> -> memref<128xi32, #tpu.memory_space<vmem>>
    %dma_wait3A_238 = arith.constant 0 : i32
    %dma_wait3A_239 = arith.constant 0 : i32
    %dma_wait3A_240 = tpu.memref_slice %arg3[%dma_wait3A_238, %dma_wait3A_239] : memref<1000000x32xf32, #tpu.memory_space<hbm>> -> memref<1000000x32xf32, #tpu.memory_space<hbm>>
    tpu.wait_indirect_dma semaphore(%arg7 : memref<!tpu.dma_semaphore, #tpu.memory_space<semaphore_mem>>) src(%dma_wait3A_240 : memref<1000000x32xf32, #tpu.memory_space<hbm>>) dst(%dma_wait3A_234 : memref<128x32xf32, #tpu.memory_space<vmem>>)
    %dma_wait3A_241 = arith.constant 11 : i32
    %dma_wait3A_242 = arith.constant 1408 : i32
    %dma_wait3A_243 = arith.constant 0 : i32
    %dma_wait3A_244 = tpu.memref_slice %arg6[%dma_wait3A_242, %dma_wait3A_243] : memref<1664x32xf32, #tpu.memory_space<vmem>> -> memref<128x32xf32, #tpu.memory_space<vmem>>
    %dma_wait3A_245 = arith.constant 0 : i32
    %dma_wait3A_246 = tpu.memref_slice %arg5[%dma_wait3A_241, %dma_wait3A_245] : memref<52x128xi32, #tpu.memory_space<vmem>> -> memref<1x128xi32, #tpu.memory_space<vmem>>
    %dma_wait3A_247 = tpu.memref_squeeze %dma_wait3A_246 : memref<1x128xi32, #tpu.memory_space<vmem>> -> memref<128xi32, #tpu.memory_space<vmem>>
    %dma_wait3A_248 = arith.constant 0 : i32
    %dma_wait3A_249 = arith.constant 0 : i32
    %dma_wait3A_250 = tpu.memref_slice %arg3[%dma_wait3A_248, %dma_wait3A_249] : memref<1000000x32xf32, #tpu.memory_space<hbm>> -> memref<1000000x32xf32, #tpu.memory_space<hbm>>
    tpu.wait_indirect_dma semaphore(%arg7 : memref<!tpu.dma_semaphore, #tpu.memory_space<semaphore_mem>>) src(%dma_wait3A_250 : memref<1000000x32xf32, #tpu.memory_space<hbm>>) dst(%dma_wait3A_244 : memref<128x32xf32, #tpu.memory_space<vmem>>)
    %dma_wait3A_251 = arith.constant 12 : i32
    %dma_wait3A_252 = arith.constant 1536 : i32
    %dma_wait3A_253 = arith.constant 0 : i32
    %dma_wait3A_254 = tpu.memref_slice %arg6[%dma_wait3A_252, %dma_wait3A_253] : memref<1664x32xf32, #tpu.memory_space<vmem>> -> memref<128x32xf32, #tpu.memory_space<vmem>>
    %dma_wait3A_255 = arith.constant 0 : i32
    %dma_wait3A_256 = tpu.memref_slice %arg5[%dma_wait3A_251, %dma_wait3A_255] : memref<52x128xi32, #tpu.memory_space<vmem>> -> memref<1x128xi32, #tpu.memory_space<vmem>>
    %dma_wait3A_257 = tpu.memref_squeeze %dma_wait3A_256 : memref<1x128xi32, #tpu.memory_space<vmem>> -> memref<128xi32, #tpu.memory_space<vmem>>
    %dma_wait3A_258 = arith.constant 0 : i32
    %dma_wait3A_259 = arith.constant 0 : i32
    %dma_wait3A_260 = tpu.memref_slice %arg3[%dma_wait3A_258, %dma_wait3A_259] : memref<1000000x32xf32, #tpu.memory_space<hbm>> -> memref<1000000x32xf32, #tpu.memory_space<hbm>>
    tpu.wait_indirect_dma semaphore(%arg7 : memref<!tpu.dma_semaphore, #tpu.memory_space<semaphore_mem>>) src(%dma_wait3A_260 : memref<1000000x32xf32, #tpu.memory_space<hbm>>) dst(%dma_wait3A_254 : memref<128x32xf32, #tpu.memory_space<vmem>>)
    %add3A_261 = arith.constant 0 : i32
    %add3A_262 = arith.addi %mul3A_2, %add3A_261 : i32
    "tpu.region"() ({
      %run_scoped3A = tpu.sem_alloc : memref<!tpu.dma_semaphore, #tpu.memory_space<semaphore_mem>>
      %dma_start3A_1049 = arith.constant 0 : i32
      %dma_start3A_1050 = tpu.memref_slice %arg4[%add3A_262, %dma_start3A_1049] : memref<212992x32xf32, #tpu.memory_space<hbm>> -> memref<1664x32xf32, #tpu.memory_space<hbm>>
      %dma_start3A_1051 = arith.constant 0 : i32
      %dma_start3A_1052 = tpu.memref_slice %arg4[%add3A_262, %dma_start3A_1051] : memref<212992x32xf32, #tpu.memory_space<hbm>> -> memref<1664x32xf32, #tpu.memory_space<hbm>>
      tpu.enqueue_dma source(%arg6 : memref<1664x32xf32, #tpu.memory_space<vmem>>) target(%dma_start3A_1052 : memref<1664x32xf32, #tpu.memory_space<hbm>>) target_semaphore(%run_scoped3A : memref<!tpu.dma_semaphore, #tpu.memory_space<semaphore_mem>>)
      %dma_wait3A_1053 = arith.constant 0 : i32
      %dma_wait3A_1054 = tpu.memref_slice %arg4[%add3A_262, %dma_wait3A_1053] : memref<212992x32xf32, #tpu.memory_space<hbm>> -> memref<1664x32xf32, #tpu.memory_space<hbm>>
      %dma_wait3A_1055 = arith.constant 0 : i32
      %dma_wait3A_1056 = tpu.memref_slice %arg4[%add3A_262, %dma_wait3A_1055] : memref<212992x32xf32, #tpu.memory_space<hbm>> -> memref<1664x32xf32, #tpu.memory_space<hbm>>
      tpu.wait_dma2 semaphore(%run_scoped3A : memref<!tpu.dma_semaphore, #tpu.memory_space<semaphore_mem>>) src(%arg6 : memref<1664x32xf32, #tpu.memory_space<vmem>>) dst(%dma_wait3A_1056 : memref<1664x32xf32, #tpu.memory_space<hbm>>)
      tpu.yield
    }) : () -> ()
    %dma_start3A_263 = arith.constant 13 : i32
    %dma_start3A_264 = arith.constant 0 : i32
    %dma_start3A_265 = arith.constant 0 : i32
    %dma_start3A_266 = tpu.memref_slice %arg6[%dma_start3A_264, %dma_start3A_265] : memref<1664x32xf32, #tpu.memory_space<vmem>> -> memref<128x32xf32, #tpu.memory_space<vmem>>
    %dma_start3A_267 = arith.constant 0 : i32
    %dma_start3A_268 = tpu.memref_slice %arg5[%dma_start3A_263, %dma_start3A_267] : memref<52x128xi32, #tpu.memory_space<vmem>> -> memref<1x128xi32, #tpu.memory_space<vmem>>
    %dma_start3A_269 = tpu.memref_squeeze %dma_start3A_268 : memref<1x128xi32, #tpu.memory_space<vmem>> -> memref<128xi32, #tpu.memory_space<vmem>>
    %dma_start3A_270 = arith.constant 0 : i32
    %dma_start3A_271 = arith.constant 0 : i32
    %dma_start3A_272 = tpu.memref_slice %arg3[%dma_start3A_270, %dma_start3A_271] : memref<1000000x32xf32, #tpu.memory_space<hbm>> -> memref<1000000x32xf32, #tpu.memory_space<hbm>>
    tpu.enqueue_indirect_dma source(%dma_start3A_272 : memref<1000000x32xf32, #tpu.memory_space<hbm>>) target(%dma_start3A_266 : memref<128x32xf32, #tpu.memory_space<vmem>>) offsets(%dma_start3A_269 : memref<128xi32, #tpu.memory_space<vmem>>) semaphore(%arg7 : memref<!tpu.dma_semaphore, #tpu.memory_space<semaphore_mem>>)
    %dma_start3A_273 = arith.constant 14 : i32
    %dma_start3A_274 = arith.constant 128 : i32
    %dma_start3A_275 = arith.constant 0 : i32
    %dma_start3A_276 = tpu.memref_slice %arg6[%dma_start3A_274, %dma_start3A_275] : memref<1664x32xf32, #tpu.memory_space<vmem>> -> memref<128x32xf32, #tpu.memory_space<vmem>>
    %dma_start3A_277 = arith.constant 0 : i32
    %dma_start3A_278 = tpu.memref_slice %arg5[%dma_start3A_273, %dma_start3A_277] : memref<52x128xi32, #tpu.memory_space<vmem>> -> memref<1x128xi32, #tpu.memory_space<vmem>>
    %dma_start3A_279 = tpu.memref_squeeze %dma_start3A_278 : memref<1x128xi32, #tpu.memory_space<vmem>> -> memref<128xi32, #tpu.memory_space<vmem>>
    %dma_start3A_280 = arith.constant 0 : i32
    %dma_start3A_281 = arith.constant 0 : i32
    %dma_start3A_282 = tpu.memref_slice %arg3[%dma_start3A_280, %dma_start3A_281] : memref<1000000x32xf32, #tpu.memory_space<hbm>> -> memref<1000000x32xf32, #tpu.memory_space<hbm>>
    tpu.enqueue_indirect_dma source(%dma_start3A_282 : memref<1000000x32xf32, #tpu.memory_space<hbm>>) target(%dma_start3A_276 : memref<128x32xf32, #tpu.memory_space<vmem>>) offsets(%dma_start3A_279 : memref<128xi32, #tpu.memory_space<vmem>>) semaphore(%arg7 : memref<!tpu.dma_semaphore, #tpu.memory_space<semaphore_mem>>)
    %dma_start3A_283 = arith.constant 15 : i32
    %dma_start3A_284 = arith.constant 256 : i32
    %dma_start3A_285 = arith.constant 0 : i32
    %dma_start3A_286 = tpu.memref_slice %arg6[%dma_start3A_284, %dma_start3A_285] : memref<1664x32xf32, #tpu.memory_space<vmem>> -> memref<128x32xf32, #tpu.memory_space<vmem>>
    %dma_start3A_287 = arith.constant 0 : i32
    %dma_start3A_288 = tpu.memref_slice %arg5[%dma_start3A_283, %dma_start3A_287] : memref<52x128xi32, #tpu.memory_space<vmem>> -> memref<1x128xi32, #tpu.memory_space<vmem>>
    %dma_start3A_289 = tpu.memref_squeeze %dma_start3A_288 : memref<1x128xi32, #tpu.memory_space<vmem>> -> memref<128xi32, #tpu.memory_space<vmem>>
    %dma_start3A_290 = arith.constant 0 : i32
    %dma_start3A_291 = arith.constant 0 : i32
    %dma_start3A_292 = tpu.memref_slice %arg3[%dma_start3A_290, %dma_start3A_291] : memref<1000000x32xf32, #tpu.memory_space<hbm>> -> memref<1000000x32xf32, #tpu.memory_space<hbm>>
    tpu.enqueue_indirect_dma source(%dma_start3A_292 : memref<1000000x32xf32, #tpu.memory_space<hbm>>) target(%dma_start3A_286 : memref<128x32xf32, #tpu.memory_space<vmem>>) offsets(%dma_start3A_289 : memref<128xi32, #tpu.memory_space<vmem>>) semaphore(%arg7 : memref<!tpu.dma_semaphore, #tpu.memory_space<semaphore_mem>>)
    %dma_start3A_293 = arith.constant 16 : i32
    %dma_start3A_294 = arith.constant 384 : i32
    %dma_start3A_295 = arith.constant 0 : i32
    %dma_start3A_296 = tpu.memref_slice %arg6[%dma_start3A_294, %dma_start3A_295] : memref<1664x32xf32, #tpu.memory_space<vmem>> -> memref<128x32xf32, #tpu.memory_space<vmem>>
    %dma_start3A_297 = arith.constant 0 : i32
    %dma_start3A_298 = tpu.memref_slice %arg5[%dma_start3A_293, %dma_start3A_297] : memref<52x128xi32, #tpu.memory_space<vmem>> -> memref<1x128xi32, #tpu.memory_space<vmem>>
    %dma_start3A_299 = tpu.memref_squeeze %dma_start3A_298 : memref<1x128xi32, #tpu.memory_space<vmem>> -> memref<128xi32, #tpu.memory_space<vmem>>
    %dma_start3A_300 = arith.constant 0 : i32
    %dma_start3A_301 = arith.constant 0 : i32
    %dma_start3A_302 = tpu.memref_slice %arg3[%dma_start3A_300, %dma_start3A_301] : memref<1000000x32xf32, #tpu.memory_space<hbm>> -> memref<1000000x32xf32, #tpu.memory_space<hbm>>
    tpu.enqueue_indirect_dma source(%dma_start3A_302 : memref<1000000x32xf32, #tpu.memory_space<hbm>>) target(%dma_start3A_296 : memref<128x32xf32, #tpu.memory_space<vmem>>) offsets(%dma_start3A_299 : memref<128xi32, #tpu.memory_space<vmem>>) semaphore(%arg7 : memref<!tpu.dma_semaphore, #tpu.memory_space<semaphore_mem>>)
    %dma_start3A_303 = arith.constant 17 : i32
    %dma_start3A_304 = arith.constant 512 : i32
    %dma_start3A_305 = arith.constant 0 : i32
    %dma_start3A_306 = tpu.memref_slice %arg6[%dma_start3A_304, %dma_start3A_305] : memref<1664x32xf32, #tpu.memory_space<vmem>> -> memref<128x32xf32, #tpu.memory_space<vmem>>
    %dma_start3A_307 = arith.constant 0 : i32
    %dma_start3A_308 = tpu.memref_slice %arg5[%dma_start3A_303, %dma_start3A_307] : memref<52x128xi32, #tpu.memory_space<vmem>> -> memref<1x128xi32, #tpu.memory_space<vmem>>
    %dma_start3A_309 = tpu.memref_squeeze %dma_start3A_308 : memref<1x128xi32, #tpu.memory_space<vmem>> -> memref<128xi32, #tpu.memory_space<vmem>>
    %dma_start3A_310 = arith.constant 0 : i32
    %dma_start3A_311 = arith.constant 0 : i32
    %dma_start3A_312 = tpu.memref_slice %arg3[%dma_start3A_310, %dma_start3A_311] : memref<1000000x32xf32, #tpu.memory_space<hbm>> -> memref<1000000x32xf32, #tpu.memory_space<hbm>>
    tpu.enqueue_indirect_dma source(%dma_start3A_312 : memref<1000000x32xf32, #tpu.memory_space<hbm>>) target(%dma_start3A_306 : memref<128x32xf32, #tpu.memory_space<vmem>>) offsets(%dma_start3A_309 : memref<128xi32, #tpu.memory_space<vmem>>) semaphore(%arg7 : memref<!tpu.dma_semaphore, #tpu.memory_space<semaphore_mem>>)
    %dma_start3A_313 = arith.constant 18 : i32
    %dma_start3A_314 = arith.constant 640 : i32
    %dma_start3A_315 = arith.constant 0 : i32
    %dma_start3A_316 = tpu.memref_slice %arg6[%dma_start3A_314, %dma_start3A_315] : memref<1664x32xf32, #tpu.memory_space<vmem>> -> memref<128x32xf32, #tpu.memory_space<vmem>>
    %dma_start3A_317 = arith.constant 0 : i32
    %dma_start3A_318 = tpu.memref_slice %arg5[%dma_start3A_313, %dma_start3A_317] : memref<52x128xi32, #tpu.memory_space<vmem>> -> memref<1x128xi32, #tpu.memory_space<vmem>>
    %dma_start3A_319 = tpu.memref_squeeze %dma_start3A_318 : memref<1x128xi32, #tpu.memory_space<vmem>> -> memref<128xi32, #tpu.memory_space<vmem>>
    %dma_start3A_320 = arith.constant 0 : i32
    %dma_start3A_321 = arith.constant 0 : i32
    %dma_start3A_322 = tpu.memref_slice %arg3[%dma_start3A_320, %dma_start3A_321] : memref<1000000x32xf32, #tpu.memory_space<hbm>> -> memref<1000000x32xf32, #tpu.memory_space<hbm>>
    tpu.enqueue_indirect_dma source(%dma_start3A_322 : memref<1000000x32xf32, #tpu.memory_space<hbm>>) target(%dma_start3A_316 : memref<128x32xf32, #tpu.memory_space<vmem>>) offsets(%dma_start3A_319 : memref<128xi32, #tpu.memory_space<vmem>>) semaphore(%arg7 : memref<!tpu.dma_semaphore, #tpu.memory_space<semaphore_mem>>)
    %dma_start3A_323 = arith.constant 19 : i32
    %dma_start3A_324 = arith.constant 768 : i32
    %dma_start3A_325 = arith.constant 0 : i32
    %dma_start3A_326 = tpu.memref_slice %arg6[%dma_start3A_324, %dma_start3A_325] : memref<1664x32xf32, #tpu.memory_space<vmem>> -> memref<128x32xf32, #tpu.memory_space<vmem>>
    %dma_start3A_327 = arith.constant 0 : i32
    %dma_start3A_328 = tpu.memref_slice %arg5[%dma_start3A_323, %dma_start3A_327] : memref<52x128xi32, #tpu.memory_space<vmem>> -> memref<1x128xi32, #tpu.memory_space<vmem>>
    %dma_start3A_329 = tpu.memref_squeeze %dma_start3A_328 : memref<1x128xi32, #tpu.memory_space<vmem>> -> memref<128xi32, #tpu.memory_space<vmem>>
    %dma_start3A_330 = arith.constant 0 : i32
    %dma_start3A_331 = arith.constant 0 : i32
    %dma_start3A_332 = tpu.memref_slice %arg3[%dma_start3A_330, %dma_start3A_331] : memref<1000000x32xf32, #tpu.memory_space<hbm>> -> memref<1000000x32xf32, #tpu.memory_space<hbm>>
    tpu.enqueue_indirect_dma source(%dma_start3A_332 : memref<1000000x32xf32, #tpu.memory_space<hbm>>) target(%dma_start3A_326 : memref<128x32xf32, #tpu.memory_space<vmem>>) offsets(%dma_start3A_329 : memref<128xi32, #tpu.memory_space<vmem>>) semaphore(%arg7 : memref<!tpu.dma_semaphore, #tpu.memory_space<semaphore_mem>>)
    %dma_start3A_333 = arith.constant 20 : i32
    %dma_start3A_334 = arith.constant 896 : i32
    %dma_start3A_335 = arith.constant 0 : i32
    %dma_start3A_336 = tpu.memref_slice %arg6[%dma_start3A_334, %dma_start3A_335] : memref<1664x32xf32, #tpu.memory_space<vmem>> -> memref<128x32xf32, #tpu.memory_space<vmem>>
    %dma_start3A_337 = arith.constant 0 : i32
    %dma_start3A_338 = tpu.memref_slice %arg5[%dma_start3A_333, %dma_start3A_337] : memref<52x128xi32, #tpu.memory_space<vmem>> -> memref<1x128xi32, #tpu.memory_space<vmem>>
    %dma_start3A_339 = tpu.memref_squeeze %dma_start3A_338 : memref<1x128xi32, #tpu.memory_space<vmem>> -> memref<128xi32, #tpu.memory_space<vmem>>
    %dma_start3A_340 = arith.constant 0 : i32
    %dma_start3A_341 = arith.constant 0 : i32
    %dma_start3A_342 = tpu.memref_slice %arg3[%dma_start3A_340, %dma_start3A_341] : memref<1000000x32xf32, #tpu.memory_space<hbm>> -> memref<1000000x32xf32, #tpu.memory_space<hbm>>
    tpu.enqueue_indirect_dma source(%dma_start3A_342 : memref<1000000x32xf32, #tpu.memory_space<hbm>>) target(%dma_start3A_336 : memref<128x32xf32, #tpu.memory_space<vmem>>) offsets(%dma_start3A_339 : memref<128xi32, #tpu.memory_space<vmem>>) semaphore(%arg7 : memref<!tpu.dma_semaphore, #tpu.memory_space<semaphore_mem>>)
    %dma_start3A_343 = arith.constant 21 : i32
    %dma_start3A_344 = arith.constant 1024 : i32
    %dma_start3A_345 = arith.constant 0 : i32
    %dma_start3A_346 = tpu.memref_slice %arg6[%dma_start3A_344, %dma_start3A_345] : memref<1664x32xf32, #tpu.memory_space<vmem>> -> memref<128x32xf32, #tpu.memory_space<vmem>>
    %dma_start3A_347 = arith.constant 0 : i32
    %dma_start3A_348 = tpu.memref_slice %arg5[%dma_start3A_343, %dma_start3A_347] : memref<52x128xi32, #tpu.memory_space<vmem>> -> memref<1x128xi32, #tpu.memory_space<vmem>>
    %dma_start3A_349 = tpu.memref_squeeze %dma_start3A_348 : memref<1x128xi32, #tpu.memory_space<vmem>> -> memref<128xi32, #tpu.memory_space<vmem>>
    %dma_start3A_350 = arith.constant 0 : i32
    %dma_start3A_351 = arith.constant 0 : i32
    %dma_start3A_352 = tpu.memref_slice %arg3[%dma_start3A_350, %dma_start3A_351] : memref<1000000x32xf32, #tpu.memory_space<hbm>> -> memref<1000000x32xf32, #tpu.memory_space<hbm>>
    tpu.enqueue_indirect_dma source(%dma_start3A_352 : memref<1000000x32xf32, #tpu.memory_space<hbm>>) target(%dma_start3A_346 : memref<128x32xf32, #tpu.memory_space<vmem>>) offsets(%dma_start3A_349 : memref<128xi32, #tpu.memory_space<vmem>>) semaphore(%arg7 : memref<!tpu.dma_semaphore, #tpu.memory_space<semaphore_mem>>)
    %dma_start3A_353 = arith.constant 22 : i32
    %dma_start3A_354 = arith.constant 1152 : i32
    %dma_start3A_355 = arith.constant 0 : i32
    %dma_start3A_356 = tpu.memref_slice %arg6[%dma_start3A_354, %dma_start3A_355] : memref<1664x32xf32, #tpu.memory_space<vmem>> -> memref<128x32xf32, #tpu.memory_space<vmem>>
    %dma_start3A_357 = arith.constant 0 : i32
    %dma_start3A_358 = tpu.memref_slice %arg5[%dma_start3A_353, %dma_start3A_357] : memref<52x128xi32, #tpu.memory_space<vmem>> -> memref<1x128xi32, #tpu.memory_space<vmem>>
    %dma_start3A_359 = tpu.memref_squeeze %dma_start3A_358 : memref<1x128xi32, #tpu.memory_space<vmem>> -> memref<128xi32, #tpu.memory_space<vmem>>
    %dma_start3A_360 = arith.constant 0 : i32
    %dma_start3A_361 = arith.constant 0 : i32
    %dma_start3A_362 = tpu.memref_slice %arg3[%dma_start3A_360, %dma_start3A_361] : memref<1000000x32xf32, #tpu.memory_space<hbm>> -> memref<1000000x32xf32, #tpu.memory_space<hbm>>
    tpu.enqueue_indirect_dma source(%dma_start3A_362 : memref<1000000x32xf32, #tpu.memory_space<hbm>>) target(%dma_start3A_356 : memref<128x32xf32, #tpu.memory_space<vmem>>) offsets(%dma_start3A_359 : memref<128xi32, #tpu.memory_space<vmem>>) semaphore(%arg7 : memref<!tpu.dma_semaphore, #tpu.memory_space<semaphore_mem>>)
    %dma_start3A_363 = arith.constant 23 : i32
    %dma_start3A_364 = arith.constant 1280 : i32
    %dma_start3A_365 = arith.constant 0 : i32
    %dma_start3A_366 = tpu.memref_slice %arg6[%dma_start3A_364, %dma_start3A_365] : memref<1664x32xf32, #tpu.memory_space<vmem>> -> memref<128x32xf32, #tpu.memory_space<vmem>>
    %dma_start3A_367 = arith.constant 0 : i32
    %dma_start3A_368 = tpu.memref_slice %arg5[%dma_start3A_363, %dma_start3A_367] : memref<52x128xi32, #tpu.memory_space<vmem>> -> memref<1x128xi32, #tpu.memory_space<vmem>>
    %dma_start3A_369 = tpu.memref_squeeze %dma_start3A_368 : memref<1x128xi32, #tpu.memory_space<vmem>> -> memref<128xi32, #tpu.memory_space<vmem>>
    %dma_start3A_370 = arith.constant 0 : i32
    %dma_start3A_371 = arith.constant 0 : i32
    %dma_start3A_372 = tpu.memref_slice %arg3[%dma_start3A_370, %dma_start3A_371] : memref<1000000x32xf32, #tpu.memory_space<hbm>> -> memref<1000000x32xf32, #tpu.memory_space<hbm>>
    tpu.enqueue_indirect_dma source(%dma_start3A_372 : memref<1000000x32xf32, #tpu.memory_space<hbm>>) target(%dma_start3A_366 : memref<128x32xf32, #tpu.memory_space<vmem>>) offsets(%dma_start3A_369 : memref<128xi32, #tpu.memory_space<vmem>>) semaphore(%arg7 : memref<!tpu.dma_semaphore, #tpu.memory_space<semaphore_mem>>)
    %dma_start3A_373 = arith.constant 24 : i32
    %dma_start3A_374 = arith.constant 1408 : i32
    %dma_start3A_375 = arith.constant 0 : i32
    %dma_start3A_376 = tpu.memref_slice %arg6[%dma_start3A_374, %dma_start3A_375] : memref<1664x32xf32, #tpu.memory_space<vmem>> -> memref<128x32xf32, #tpu.memory_space<vmem>>
    %dma_start3A_377 = arith.constant 0 : i32
    %dma_start3A_378 = tpu.memref_slice %arg5[%dma_start3A_373, %dma_start3A_377] : memref<52x128xi32, #tpu.memory_space<vmem>> -> memref<1x128xi32, #tpu.memory_space<vmem>>
    %dma_start3A_379 = tpu.memref_squeeze %dma_start3A_378 : memref<1x128xi32, #tpu.memory_space<vmem>> -> memref<128xi32, #tpu.memory_space<vmem>>
    %dma_start3A_380 = arith.constant 0 : i32
    %dma_start3A_381 = arith.constant 0 : i32
    %dma_start3A_382 = tpu.memref_slice %arg3[%dma_start3A_380, %dma_start3A_381] : memref<1000000x32xf32, #tpu.memory_space<hbm>> -> memref<1000000x32xf32, #tpu.memory_space<hbm>>
    tpu.enqueue_indirect_dma source(%dma_start3A_382 : memref<1000000x32xf32, #tpu.memory_space<hbm>>) target(%dma_start3A_376 : memref<128x32xf32, #tpu.memory_space<vmem>>) offsets(%dma_start3A_379 : memref<128xi32, #tpu.memory_space<vmem>>) semaphore(%arg7 : memref<!tpu.dma_semaphore, #tpu.memory_space<semaphore_mem>>)
    %dma_start3A_383 = arith.constant 25 : i32
    %dma_start3A_384 = arith.constant 1536 : i32
    %dma_start3A_385 = arith.constant 0 : i32
    %dma_start3A_386 = tpu.memref_slice %arg6[%dma_start3A_384, %dma_start3A_385] : memref<1664x32xf32, #tpu.memory_space<vmem>> -> memref<128x32xf32, #tpu.memory_space<vmem>>
    %dma_start3A_387 = arith.constant 0 : i32
    %dma_start3A_388 = tpu.memref_slice %arg5[%dma_start3A_383, %dma_start3A_387] : memref<52x128xi32, #tpu.memory_space<vmem>> -> memref<1x128xi32, #tpu.memory_space<vmem>>
    %dma_start3A_389 = tpu.memref_squeeze %dma_start3A_388 : memref<1x128xi32, #tpu.memory_space<vmem>> -> memref<128xi32, #tpu.memory_space<vmem>>
    %dma_start3A_390 = arith.constant 0 : i32
    %dma_start3A_391 = arith.constant 0 : i32
    %dma_start3A_392 = tpu.memref_slice %arg3[%dma_start3A_390, %dma_start3A_391] : memref<1000000x32xf32, #tpu.memory_space<hbm>> -> memref<1000000x32xf32, #tpu.memory_space<hbm>>
    tpu.enqueue_indirect_dma source(%dma_start3A_392 : memref<1000000x32xf32, #tpu.memory_space<hbm>>) target(%dma_start3A_386 : memref<128x32xf32, #tpu.memory_space<vmem>>) offsets(%dma_start3A_389 : memref<128xi32, #tpu.memory_space<vmem>>) semaphore(%arg7 : memref<!tpu.dma_semaphore, #tpu.memory_space<semaphore_mem>>)
    %dma_wait3A_393 = arith.constant 13 : i32
    %dma_wait3A_394 = arith.constant 0 : i32
    %dma_wait3A_395 = arith.constant 0 : i32
    %dma_wait3A_396 = tpu.memref_slice %arg6[%dma_wait3A_394, %dma_wait3A_395] : memref<1664x32xf32, #tpu.memory_space<vmem>> -> memref<128x32xf32, #tpu.memory_space<vmem>>
    %dma_wait3A_397 = arith.constant 0 : i32
    %dma_wait3A_398 = tpu.memref_slice %arg5[%dma_wait3A_393, %dma_wait3A_397] : memref<52x128xi32, #tpu.memory_space<vmem>> -> memref<1x128xi32, #tpu.memory_space<vmem>>
    %dma_wait3A_399 = tpu.memref_squeeze %dma_wait3A_398 : memref<1x128xi32, #tpu.memory_space<vmem>> -> memref<128xi32, #tpu.memory_space<vmem>>
    %dma_wait3A_400 = arith.constant 0 : i32
    %dma_wait3A_401 = arith.constant 0 : i32
    %dma_wait3A_402 = tpu.memref_slice %arg3[%dma_wait3A_400, %dma_wait3A_401] : memref<1000000x32xf32, #tpu.memory_space<hbm>> -> memref<1000000x32xf32, #tpu.memory_space<hbm>>
    tpu.wait_indirect_dma semaphore(%arg7 : memref<!tpu.dma_semaphore, #tpu.memory_space<semaphore_mem>>) src(%dma_wait3A_402 : memref<1000000x32xf32, #tpu.memory_space<hbm>>) dst(%dma_wait3A_396 : memref<128x32xf32, #tpu.memory_space<vmem>>)
    %dma_wait3A_403 = arith.constant 14 : i32
    %dma_wait3A_404 = arith.constant 128 : i32
    %dma_wait3A_405 = arith.constant 0 : i32
    %dma_wait3A_406 = tpu.memref_slice %arg6[%dma_wait3A_404, %dma_wait3A_405] : memref<1664x32xf32, #tpu.memory_space<vmem>> -> memref<128x32xf32, #tpu.memory_space<vmem>>
    %dma_wait3A_407 = arith.constant 0 : i32
    %dma_wait3A_408 = tpu.memref_slice %arg5[%dma_wait3A_403, %dma_wait3A_407] : memref<52x128xi32, #tpu.memory_space<vmem>> -> memref<1x128xi32, #tpu.memory_space<vmem>>
    %dma_wait3A_409 = tpu.memref_squeeze %dma_wait3A_408 : memref<1x128xi32, #tpu.memory_space<vmem>> -> memref<128xi32, #tpu.memory_space<vmem>>
    %dma_wait3A_410 = arith.constant 0 : i32
    %dma_wait3A_411 = arith.constant 0 : i32
    %dma_wait3A_412 = tpu.memref_slice %arg3[%dma_wait3A_410, %dma_wait3A_411] : memref<1000000x32xf32, #tpu.memory_space<hbm>> -> memref<1000000x32xf32, #tpu.memory_space<hbm>>
    tpu.wait_indirect_dma semaphore(%arg7 : memref<!tpu.dma_semaphore, #tpu.memory_space<semaphore_mem>>) src(%dma_wait3A_412 : memref<1000000x32xf32, #tpu.memory_space<hbm>>) dst(%dma_wait3A_406 : memref<128x32xf32, #tpu.memory_space<vmem>>)
    %dma_wait3A_413 = arith.constant 15 : i32
    %dma_wait3A_414 = arith.constant 256 : i32
    %dma_wait3A_415 = arith.constant 0 : i32
    %dma_wait3A_416 = tpu.memref_slice %arg6[%dma_wait3A_414, %dma_wait3A_415] : memref<1664x32xf32, #tpu.memory_space<vmem>> -> memref<128x32xf32, #tpu.memory_space<vmem>>
    %dma_wait3A_417 = arith.constant 0 : i32
    %dma_wait3A_418 = tpu.memref_slice %arg5[%dma_wait3A_413, %dma_wait3A_417] : memref<52x128xi32, #tpu.memory_space<vmem>> -> memref<1x128xi32, #tpu.memory_space<vmem>>
    %dma_wait3A_419 = tpu.memref_squeeze %dma_wait3A_418 : memref<1x128xi32, #tpu.memory_space<vmem>> -> memref<128xi32, #tpu.memory_space<vmem>>
    %dma_wait3A_420 = arith.constant 0 : i32
    %dma_wait3A_421 = arith.constant 0 : i32
    %dma_wait3A_422 = tpu.memref_slice %arg3[%dma_wait3A_420, %dma_wait3A_421] : memref<1000000x32xf32, #tpu.memory_space<hbm>> -> memref<1000000x32xf32, #tpu.memory_space<hbm>>
    tpu.wait_indirect_dma semaphore(%arg7 : memref<!tpu.dma_semaphore, #tpu.memory_space<semaphore_mem>>) src(%dma_wait3A_422 : memref<1000000x32xf32, #tpu.memory_space<hbm>>) dst(%dma_wait3A_416 : memref<128x32xf32, #tpu.memory_space<vmem>>)
    %dma_wait3A_423 = arith.constant 16 : i32
    %dma_wait3A_424 = arith.constant 384 : i32
    %dma_wait3A_425 = arith.constant 0 : i32
    %dma_wait3A_426 = tpu.memref_slice %arg6[%dma_wait3A_424, %dma_wait3A_425] : memref<1664x32xf32, #tpu.memory_space<vmem>> -> memref<128x32xf32, #tpu.memory_space<vmem>>
    %dma_wait3A_427 = arith.constant 0 : i32
    %dma_wait3A_428 = tpu.memref_slice %arg5[%dma_wait3A_423, %dma_wait3A_427] : memref<52x128xi32, #tpu.memory_space<vmem>> -> memref<1x128xi32, #tpu.memory_space<vmem>>
    %dma_wait3A_429 = tpu.memref_squeeze %dma_wait3A_428 : memref<1x128xi32, #tpu.memory_space<vmem>> -> memref<128xi32, #tpu.memory_space<vmem>>
    %dma_wait3A_430 = arith.constant 0 : i32
    %dma_wait3A_431 = arith.constant 0 : i32
    %dma_wait3A_432 = tpu.memref_slice %arg3[%dma_wait3A_430, %dma_wait3A_431] : memref<1000000x32xf32, #tpu.memory_space<hbm>> -> memref<1000000x32xf32, #tpu.memory_space<hbm>>
    tpu.wait_indirect_dma semaphore(%arg7 : memref<!tpu.dma_semaphore, #tpu.memory_space<semaphore_mem>>) src(%dma_wait3A_432 : memref<1000000x32xf32, #tpu.memory_space<hbm>>) dst(%dma_wait3A_426 : memref<128x32xf32, #tpu.memory_space<vmem>>)
    %dma_wait3A_433 = arith.constant 17 : i32
    %dma_wait3A_434 = arith.constant 512 : i32
    %dma_wait3A_435 = arith.constant 0 : i32
    %dma_wait3A_436 = tpu.memref_slice %arg6[%dma_wait3A_434, %dma_wait3A_435] : memref<1664x32xf32, #tpu.memory_space<vmem>> -> memref<128x32xf32, #tpu.memory_space<vmem>>
    %dma_wait3A_437 = arith.constant 0 : i32
    %dma_wait3A_438 = tpu.memref_slice %arg5[%dma_wait3A_433, %dma_wait3A_437] : memref<52x128xi32, #tpu.memory_space<vmem>> -> memref<1x128xi32, #tpu.memory_space<vmem>>
    %dma_wait3A_439 = tpu.memref_squeeze %dma_wait3A_438 : memref<1x128xi32, #tpu.memory_space<vmem>> -> memref<128xi32, #tpu.memory_space<vmem>>
    %dma_wait3A_440 = arith.constant 0 : i32
    %dma_wait3A_441 = arith.constant 0 : i32
    %dma_wait3A_442 = tpu.memref_slice %arg3[%dma_wait3A_440, %dma_wait3A_441] : memref<1000000x32xf32, #tpu.memory_space<hbm>> -> memref<1000000x32xf32, #tpu.memory_space<hbm>>
    tpu.wait_indirect_dma semaphore(%arg7 : memref<!tpu.dma_semaphore, #tpu.memory_space<semaphore_mem>>) src(%dma_wait3A_442 : memref<1000000x32xf32, #tpu.memory_space<hbm>>) dst(%dma_wait3A_436 : memref<128x32xf32, #tpu.memory_space<vmem>>)
    %dma_wait3A_443 = arith.constant 18 : i32
    %dma_wait3A_444 = arith.constant 640 : i32
    %dma_wait3A_445 = arith.constant 0 : i32
    %dma_wait3A_446 = tpu.memref_slice %arg6[%dma_wait3A_444, %dma_wait3A_445] : memref<1664x32xf32, #tpu.memory_space<vmem>> -> memref<128x32xf32, #tpu.memory_space<vmem>>
    %dma_wait3A_447 = arith.constant 0 : i32
    %dma_wait3A_448 = tpu.memref_slice %arg5[%dma_wait3A_443, %dma_wait3A_447] : memref<52x128xi32, #tpu.memory_space<vmem>> -> memref<1x128xi32, #tpu.memory_space<vmem>>
    %dma_wait3A_449 = tpu.memref_squeeze %dma_wait3A_448 : memref<1x128xi32, #tpu.memory_space<vmem>> -> memref<128xi32, #tpu.memory_space<vmem>>
    %dma_wait3A_450 = arith.constant 0 : i32
    %dma_wait3A_451 = arith.constant 0 : i32
    %dma_wait3A_452 = tpu.memref_slice %arg3[%dma_wait3A_450, %dma_wait3A_451] : memref<1000000x32xf32, #tpu.memory_space<hbm>> -> memref<1000000x32xf32, #tpu.memory_space<hbm>>
    tpu.wait_indirect_dma semaphore(%arg7 : memref<!tpu.dma_semaphore, #tpu.memory_space<semaphore_mem>>) src(%dma_wait3A_452 : memref<1000000x32xf32, #tpu.memory_space<hbm>>) dst(%dma_wait3A_446 : memref<128x32xf32, #tpu.memory_space<vmem>>)
    %dma_wait3A_453 = arith.constant 19 : i32
    %dma_wait3A_454 = arith.constant 768 : i32
    %dma_wait3A_455 = arith.constant 0 : i32
    %dma_wait3A_456 = tpu.memref_slice %arg6[%dma_wait3A_454, %dma_wait3A_455] : memref<1664x32xf32, #tpu.memory_space<vmem>> -> memref<128x32xf32, #tpu.memory_space<vmem>>
    %dma_wait3A_457 = arith.constant 0 : i32
    %dma_wait3A_458 = tpu.memref_slice %arg5[%dma_wait3A_453, %dma_wait3A_457] : memref<52x128xi32, #tpu.memory_space<vmem>> -> memref<1x128xi32, #tpu.memory_space<vmem>>
    %dma_wait3A_459 = tpu.memref_squeeze %dma_wait3A_458 : memref<1x128xi32, #tpu.memory_space<vmem>> -> memref<128xi32, #tpu.memory_space<vmem>>
    %dma_wait3A_460 = arith.constant 0 : i32
    %dma_wait3A_461 = arith.constant 0 : i32
    %dma_wait3A_462 = tpu.memref_slice %arg3[%dma_wait3A_460, %dma_wait3A_461] : memref<1000000x32xf32, #tpu.memory_space<hbm>> -> memref<1000000x32xf32, #tpu.memory_space<hbm>>
    tpu.wait_indirect_dma semaphore(%arg7 : memref<!tpu.dma_semaphore, #tpu.memory_space<semaphore_mem>>) src(%dma_wait3A_462 : memref<1000000x32xf32, #tpu.memory_space<hbm>>) dst(%dma_wait3A_456 : memref<128x32xf32, #tpu.memory_space<vmem>>)
    %dma_wait3A_463 = arith.constant 20 : i32
    %dma_wait3A_464 = arith.constant 896 : i32
    %dma_wait3A_465 = arith.constant 0 : i32
    %dma_wait3A_466 = tpu.memref_slice %arg6[%dma_wait3A_464, %dma_wait3A_465] : memref<1664x32xf32, #tpu.memory_space<vmem>> -> memref<128x32xf32, #tpu.memory_space<vmem>>
    %dma_wait3A_467 = arith.constant 0 : i32
    %dma_wait3A_468 = tpu.memref_slice %arg5[%dma_wait3A_463, %dma_wait3A_467] : memref<52x128xi32, #tpu.memory_space<vmem>> -> memref<1x128xi32, #tpu.memory_space<vmem>>
    %dma_wait3A_469 = tpu.memref_squeeze %dma_wait3A_468 : memref<1x128xi32, #tpu.memory_space<vmem>> -> memref<128xi32, #tpu.memory_space<vmem>>
    %dma_wait3A_470 = arith.constant 0 : i32
    %dma_wait3A_471 = arith.constant 0 : i32
    %dma_wait3A_472 = tpu.memref_slice %arg3[%dma_wait3A_470, %dma_wait3A_471] : memref<1000000x32xf32, #tpu.memory_space<hbm>> -> memref<1000000x32xf32, #tpu.memory_space<hbm>>
    tpu.wait_indirect_dma semaphore(%arg7 : memref<!tpu.dma_semaphore, #tpu.memory_space<semaphore_mem>>) src(%dma_wait3A_472 : memref<1000000x32xf32, #tpu.memory_space<hbm>>) dst(%dma_wait3A_466 : memref<128x32xf32, #tpu.memory_space<vmem>>)
    %dma_wait3A_473 = arith.constant 21 : i32
    %dma_wait3A_474 = arith.constant 1024 : i32
    %dma_wait3A_475 = arith.constant 0 : i32
    %dma_wait3A_476 = tpu.memref_slice %arg6[%dma_wait3A_474, %dma_wait3A_475] : memref<1664x32xf32, #tpu.memory_space<vmem>> -> memref<128x32xf32, #tpu.memory_space<vmem>>
    %dma_wait3A_477 = arith.constant 0 : i32
    %dma_wait3A_478 = tpu.memref_slice %arg5[%dma_wait3A_473, %dma_wait3A_477] : memref<52x128xi32, #tpu.memory_space<vmem>> -> memref<1x128xi32, #tpu.memory_space<vmem>>
    %dma_wait3A_479 = tpu.memref_squeeze %dma_wait3A_478 : memref<1x128xi32, #tpu.memory_space<vmem>> -> memref<128xi32, #tpu.memory_space<vmem>>
    %dma_wait3A_480 = arith.constant 0 : i32
    %dma_wait3A_481 = arith.constant 0 : i32
    %dma_wait3A_482 = tpu.memref_slice %arg3[%dma_wait3A_480, %dma_wait3A_481] : memref<1000000x32xf32, #tpu.memory_space<hbm>> -> memref<1000000x32xf32, #tpu.memory_space<hbm>>
    tpu.wait_indirect_dma semaphore(%arg7 : memref<!tpu.dma_semaphore, #tpu.memory_space<semaphore_mem>>) src(%dma_wait3A_482 : memref<1000000x32xf32, #tpu.memory_space<hbm>>) dst(%dma_wait3A_476 : memref<128x32xf32, #tpu.memory_space<vmem>>)
    %dma_wait3A_483 = arith.constant 22 : i32
    %dma_wait3A_484 = arith.constant 1152 : i32
    %dma_wait3A_485 = arith.constant 0 : i32
    %dma_wait3A_486 = tpu.memref_slice %arg6[%dma_wait3A_484, %dma_wait3A_485] : memref<1664x32xf32, #tpu.memory_space<vmem>> -> memref<128x32xf32, #tpu.memory_space<vmem>>
    %dma_wait3A_487 = arith.constant 0 : i32
    %dma_wait3A_488 = tpu.memref_slice %arg5[%dma_wait3A_483, %dma_wait3A_487] : memref<52x128xi32, #tpu.memory_space<vmem>> -> memref<1x128xi32, #tpu.memory_space<vmem>>
    %dma_wait3A_489 = tpu.memref_squeeze %dma_wait3A_488 : memref<1x128xi32, #tpu.memory_space<vmem>> -> memref<128xi32, #tpu.memory_space<vmem>>
    %dma_wait3A_490 = arith.constant 0 : i32
    %dma_wait3A_491 = arith.constant 0 : i32
    %dma_wait3A_492 = tpu.memref_slice %arg3[%dma_wait3A_490, %dma_wait3A_491] : memref<1000000x32xf32, #tpu.memory_space<hbm>> -> memref<1000000x32xf32, #tpu.memory_space<hbm>>
    tpu.wait_indirect_dma semaphore(%arg7 : memref<!tpu.dma_semaphore, #tpu.memory_space<semaphore_mem>>) src(%dma_wait3A_492 : memref<1000000x32xf32, #tpu.memory_space<hbm>>) dst(%dma_wait3A_486 : memref<128x32xf32, #tpu.memory_space<vmem>>)
    %dma_wait3A_493 = arith.constant 23 : i32
    %dma_wait3A_494 = arith.constant 1280 : i32
    %dma_wait3A_495 = arith.constant 0 : i32
    %dma_wait3A_496 = tpu.memref_slice %arg6[%dma_wait3A_494, %dma_wait3A_495] : memref<1664x32xf32, #tpu.memory_space<vmem>> -> memref<128x32xf32, #tpu.memory_space<vmem>>
    %dma_wait3A_497 = arith.constant 0 : i32
    %dma_wait3A_498 = tpu.memref_slice %arg5[%dma_wait3A_493, %dma_wait3A_497] : memref<52x128xi32, #tpu.memory_space<vmem>> -> memref<1x128xi32, #tpu.memory_space<vmem>>
    %dma_wait3A_499 = tpu.memref_squeeze %dma_wait3A_498 : memref<1x128xi32, #tpu.memory_space<vmem>> -> memref<128xi32, #tpu.memory_space<vmem>>
    %dma_wait3A_500 = arith.constant 0 : i32
    %dma_wait3A_501 = arith.constant 0 : i32
    %dma_wait3A_502 = tpu.memref_slice %arg3[%dma_wait3A_500, %dma_wait3A_501] : memref<1000000x32xf32, #tpu.memory_space<hbm>> -> memref<1000000x32xf32, #tpu.memory_space<hbm>>
    tpu.wait_indirect_dma semaphore(%arg7 : memref<!tpu.dma_semaphore, #tpu.memory_space<semaphore_mem>>) src(%dma_wait3A_502 : memref<1000000x32xf32, #tpu.memory_space<hbm>>) dst(%dma_wait3A_496 : memref<128x32xf32, #tpu.memory_space<vmem>>)
    %dma_wait3A_503 = arith.constant 24 : i32
    %dma_wait3A_504 = arith.constant 1408 : i32
    %dma_wait3A_505 = arith.constant 0 : i32
    %dma_wait3A_506 = tpu.memref_slice %arg6[%dma_wait3A_504, %dma_wait3A_505] : memref<1664x32xf32, #tpu.memory_space<vmem>> -> memref<128x32xf32, #tpu.memory_space<vmem>>
    %dma_wait3A_507 = arith.constant 0 : i32
    %dma_wait3A_508 = tpu.memref_slice %arg5[%dma_wait3A_503, %dma_wait3A_507] : memref<52x128xi32, #tpu.memory_space<vmem>> -> memref<1x128xi32, #tpu.memory_space<vmem>>
    %dma_wait3A_509 = tpu.memref_squeeze %dma_wait3A_508 : memref<1x128xi32, #tpu.memory_space<vmem>> -> memref<128xi32, #tpu.memory_space<vmem>>
    %dma_wait3A_510 = arith.constant 0 : i32
    %dma_wait3A_511 = arith.constant 0 : i32
    %dma_wait3A_512 = tpu.memref_slice %arg3[%dma_wait3A_510, %dma_wait3A_511] : memref<1000000x32xf32, #tpu.memory_space<hbm>> -> memref<1000000x32xf32, #tpu.memory_space<hbm>>
    tpu.wait_indirect_dma semaphore(%arg7 : memref<!tpu.dma_semaphore, #tpu.memory_space<semaphore_mem>>) src(%dma_wait3A_512 : memref<1000000x32xf32, #tpu.memory_space<hbm>>) dst(%dma_wait3A_506 : memref<128x32xf32, #tpu.memory_space<vmem>>)
    %dma_wait3A_513 = arith.constant 25 : i32
    %dma_wait3A_514 = arith.constant 1536 : i32
    %dma_wait3A_515 = arith.constant 0 : i32
    %dma_wait3A_516 = tpu.memref_slice %arg6[%dma_wait3A_514, %dma_wait3A_515] : memref<1664x32xf32, #tpu.memory_space<vmem>> -> memref<128x32xf32, #tpu.memory_space<vmem>>
    %dma_wait3A_517 = arith.constant 0 : i32
    %dma_wait3A_518 = tpu.memref_slice %arg5[%dma_wait3A_513, %dma_wait3A_517] : memref<52x128xi32, #tpu.memory_space<vmem>> -> memref<1x128xi32, #tpu.memory_space<vmem>>
    %dma_wait3A_519 = tpu.memref_squeeze %dma_wait3A_518 : memref<1x128xi32, #tpu.memory_space<vmem>> -> memref<128xi32, #tpu.memory_space<vmem>>
    %dma_wait3A_520 = arith.constant 0 : i32
    %dma_wait3A_521 = arith.constant 0 : i32
    %dma_wait3A_522 = tpu.memref_slice %arg3[%dma_wait3A_520, %dma_wait3A_521] : memref<1000000x32xf32, #tpu.memory_space<hbm>> -> memref<1000000x32xf32, #tpu.memory_space<hbm>>
    tpu.wait_indirect_dma semaphore(%arg7 : memref<!tpu.dma_semaphore, #tpu.memory_space<semaphore_mem>>) src(%dma_wait3A_522 : memref<1000000x32xf32, #tpu.memory_space<hbm>>) dst(%dma_wait3A_516 : memref<128x32xf32, #tpu.memory_space<vmem>>)
    %add3A_523 = arith.constant 1664 : i32
    %add3A_524 = arith.addi %mul3A_2, %add3A_523 : i32
    "tpu.region"() ({
      %run_scoped3A = tpu.sem_alloc : memref<!tpu.dma_semaphore, #tpu.memory_space<semaphore_mem>>
      %dma_start3A_1049 = arith.constant 0 : i32
      %dma_start3A_1050 = tpu.memref_slice %arg4[%add3A_524, %dma_start3A_1049] : memref<212992x32xf32, #tpu.memory_space<hbm>> -> memref<1664x32xf32, #tpu.memory_space<hbm>>
      %dma_start3A_1051 = arith.constant 0 : i32
      %dma_start3A_1052 = tpu.memref_slice %arg4[%add3A_524, %dma_start3A_1051] : memref<212992x32xf32, #tpu.memory_space<hbm>> -> memref<1664x32xf32, #tpu.memory_space<hbm>>
      tpu.enqueue_dma source(%arg6 : memref<1664x32xf32, #tpu.memory_space<vmem>>) target(%dma_start3A_1052 : memref<1664x32xf32, #tpu.memory_space<hbm>>) target_semaphore(%run_scoped3A : memref<!tpu.dma_semaphore, #tpu.memory_space<semaphore_mem>>)
      %dma_wait3A_1053 = arith.constant 0 : i32
      %dma_wait3A_1054 = tpu.memref_slice %arg4[%add3A_524, %dma_wait3A_1053] : memref<212992x32xf32, #tpu.memory_space<hbm>> -> memref<1664x32xf32, #tpu.memory_space<hbm>>
      %dma_wait3A_1055 = arith.constant 0 : i32
      %dma_wait3A_1056 = tpu.memref_slice %arg4[%add3A_524, %dma_wait3A_1055] : memref<212992x32xf32, #tpu.memory_space<hbm>> -> memref<1664x32xf32, #tpu.memory_space<hbm>>
      tpu.wait_dma2 semaphore(%run_scoped3A : memref<!tpu.dma_semaphore, #tpu.memory_space<semaphore_mem>>) src(%arg6 : memref<1664x32xf32, #tpu.memory_space<vmem>>) dst(%dma_wait3A_1056 : memref<1664x32xf32, #tpu.memory_space<hbm>>)
      tpu.yield
    }) : () -> ()
    %dma_start3A_525 = arith.constant 26 : i32
    %dma_start3A_526 = arith.constant 0 : i32
    %dma_start3A_527 = arith.constant 0 : i32
    %dma_start3A_528 = tpu.memref_slice %arg6[%dma_start3A_526, %dma_start3A_527] : memref<1664x32xf32, #tpu.memory_space<vmem>> -> memref<128x32xf32, #tpu.memory_space<vmem>>
    %dma_start3A_529 = arith.constant 0 : i32
    %dma_start3A_530 = tpu.memref_slice %arg5[%dma_start3A_525, %dma_start3A_529] : memref<52x128xi32, #tpu.memory_space<vmem>> -> memref<1x128xi32, #tpu.memory_space<vmem>>
    %dma_start3A_531 = tpu.memref_squeeze %dma_start3A_530 : memref<1x128xi32, #tpu.memory_space<vmem>> -> memref<128xi32, #tpu.memory_space<vmem>>
    %dma_start3A_532 = arith.constant 0 : i32
    %dma_start3A_533 = arith.constant 0 : i32
    %dma_start3A_534 = tpu.memref_slice %arg3[%dma_start3A_532, %dma_start3A_533] : memref<1000000x32xf32, #tpu.memory_space<hbm>> -> memref<1000000x32xf32, #tpu.memory_space<hbm>>
    tpu.enqueue_indirect_dma source(%dma_start3A_534 : memref<1000000x32xf32, #tpu.memory_space<hbm>>) target(%dma_start3A_528 : memref<128x32xf32, #tpu.memory_space<vmem>>) offsets(%dma_start3A_531 : memref<128xi32, #tpu.memory_space<vmem>>) semaphore(%arg7 : memref<!tpu.dma_semaphore, #tpu.memory_space<semaphore_mem>>)
    %dma_start3A_535 = arith.constant 27 : i32
    %dma_start3A_536 = arith.constant 128 : i32
    %dma_start3A_537 = arith.constant 0 : i32
    %dma_start3A_538 = tpu.memref_slice %arg6[%dma_start3A_536, %dma_start3A_537] : memref<1664x32xf32, #tpu.memory_space<vmem>> -> memref<128x32xf32, #tpu.memory_space<vmem>>
    %dma_start3A_539 = arith.constant 0 : i32
    %dma_start3A_540 = tpu.memref_slice %arg5[%dma_start3A_535, %dma_start3A_539] : memref<52x128xi32, #tpu.memory_space<vmem>> -> memref<1x128xi32, #tpu.memory_space<vmem>>
    %dma_start3A_541 = tpu.memref_squeeze %dma_start3A_540 : memref<1x128xi32, #tpu.memory_space<vmem>> -> memref<128xi32, #tpu.memory_space<vmem>>
    %dma_start3A_542 = arith.constant 0 : i32
    %dma_start3A_543 = arith.constant 0 : i32
    %dma_start3A_544 = tpu.memref_slice %arg3[%dma_start3A_542, %dma_start3A_543] : memref<1000000x32xf32, #tpu.memory_space<hbm>> -> memref<1000000x32xf32, #tpu.memory_space<hbm>>
    tpu.enqueue_indirect_dma source(%dma_start3A_544 : memref<1000000x32xf32, #tpu.memory_space<hbm>>) target(%dma_start3A_538 : memref<128x32xf32, #tpu.memory_space<vmem>>) offsets(%dma_start3A_541 : memref<128xi32, #tpu.memory_space<vmem>>) semaphore(%arg7 : memref<!tpu.dma_semaphore, #tpu.memory_space<semaphore_mem>>)
    %dma_start3A_545 = arith.constant 28 : i32
    %dma_start3A_546 = arith.constant 256 : i32
    %dma_start3A_547 = arith.constant 0 : i32
    %dma_start3A_548 = tpu.memref_slice %arg6[%dma_start3A_546, %dma_start3A_547] : memref<1664x32xf32, #tpu.memory_space<vmem>> -> memref<128x32xf32, #tpu.memory_space<vmem>>
    %dma_start3A_549 = arith.constant 0 : i32
    %dma_start3A_550 = tpu.memref_slice %arg5[%dma_start3A_545, %dma_start3A_549] : memref<52x128xi32, #tpu.memory_space<vmem>> -> memref<1x128xi32, #tpu.memory_space<vmem>>
    %dma_start3A_551 = tpu.memref_squeeze %dma_start3A_550 : memref<1x128xi32, #tpu.memory_space<vmem>> -> memref<128xi32, #tpu.memory_space<vmem>>
    %dma_start3A_552 = arith.constant 0 : i32
    %dma_start3A_553 = arith.constant 0 : i32
    %dma_start3A_554 = tpu.memref_slice %arg3[%dma_start3A_552, %dma_start3A_553] : memref<1000000x32xf32, #tpu.memory_space<hbm>> -> memref<1000000x32xf32, #tpu.memory_space<hbm>>
    tpu.enqueue_indirect_dma source(%dma_start3A_554 : memref<1000000x32xf32, #tpu.memory_space<hbm>>) target(%dma_start3A_548 : memref<128x32xf32, #tpu.memory_space<vmem>>) offsets(%dma_start3A_551 : memref<128xi32, #tpu.memory_space<vmem>>) semaphore(%arg7 : memref<!tpu.dma_semaphore, #tpu.memory_space<semaphore_mem>>)
    %dma_start3A_555 = arith.constant 29 : i32
    %dma_start3A_556 = arith.constant 384 : i32
    %dma_start3A_557 = arith.constant 0 : i32
    %dma_start3A_558 = tpu.memref_slice %arg6[%dma_start3A_556, %dma_start3A_557] : memref<1664x32xf32, #tpu.memory_space<vmem>> -> memref<128x32xf32, #tpu.memory_space<vmem>>
    %dma_start3A_559 = arith.constant 0 : i32
    %dma_start3A_560 = tpu.memref_slice %arg5[%dma_start3A_555, %dma_start3A_559] : memref<52x128xi32, #tpu.memory_space<vmem>> -> memref<1x128xi32, #tpu.memory_space<vmem>>
    %dma_start3A_561 = tpu.memref_squeeze %dma_start3A_560 : memref<1x128xi32, #tpu.memory_space<vmem>> -> memref<128xi32, #tpu.memory_space<vmem>>
    %dma_start3A_562 = arith.constant 0 : i32
    %dma_start3A_563 = arith.constant 0 : i32
    %dma_start3A_564 = tpu.memref_slice %arg3[%dma_start3A_562, %dma_start3A_563] : memref<1000000x32xf32, #tpu.memory_space<hbm>> -> memref<1000000x32xf32, #tpu.memory_space<hbm>>
    tpu.enqueue_indirect_dma source(%dma_start3A_564 : memref<1000000x32xf32, #tpu.memory_space<hbm>>) target(%dma_start3A_558 : memref<128x32xf32, #tpu.memory_space<vmem>>) offsets(%dma_start3A_561 : memref<128xi32, #tpu.memory_space<vmem>>) semaphore(%arg7 : memref<!tpu.dma_semaphore, #tpu.memory_space<semaphore_mem>>)
    %dma_start3A_565 = arith.constant 30 : i32
    %dma_start3A_566 = arith.constant 512 : i32
    %dma_start3A_567 = arith.constant 0 : i32
    %dma_start3A_568 = tpu.memref_slice %arg6[%dma_start3A_566, %dma_start3A_567] : memref<1664x32xf32, #tpu.memory_space<vmem>> -> memref<128x32xf32, #tpu.memory_space<vmem>>
    %dma_start3A_569 = arith.constant 0 : i32
    %dma_start3A_570 = tpu.memref_slice %arg5[%dma_start3A_565, %dma_start3A_569] : memref<52x128xi32, #tpu.memory_space<vmem>> -> memref<1x128xi32, #tpu.memory_space<vmem>>
    %dma_start3A_571 = tpu.memref_squeeze %dma_start3A_570 : memref<1x128xi32, #tpu.memory_space<vmem>> -> memref<128xi32, #tpu.memory_space<vmem>>
    %dma_start3A_572 = arith.constant 0 : i32
    %dma_start3A_573 = arith.constant 0 : i32
    %dma_start3A_574 = tpu.memref_slice %arg3[%dma_start3A_572, %dma_start3A_573] : memref<1000000x32xf32, #tpu.memory_space<hbm>> -> memref<1000000x32xf32, #tpu.memory_space<hbm>>
    tpu.enqueue_indirect_dma source(%dma_start3A_574 : memref<1000000x32xf32, #tpu.memory_space<hbm>>) target(%dma_start3A_568 : memref<128x32xf32, #tpu.memory_space<vmem>>) offsets(%dma_start3A_571 : memref<128xi32, #tpu.memory_space<vmem>>) semaphore(%arg7 : memref<!tpu.dma_semaphore, #tpu.memory_space<semaphore_mem>>)
    %dma_start3A_575 = arith.constant 31 : i32
    %dma_start3A_576 = arith.constant 640 : i32
    %dma_start3A_577 = arith.constant 0 : i32
    %dma_start3A_578 = tpu.memref_slice %arg6[%dma_start3A_576, %dma_start3A_577] : memref<1664x32xf32, #tpu.memory_space<vmem>> -> memref<128x32xf32, #tpu.memory_space<vmem>>
    %dma_start3A_579 = arith.constant 0 : i32
    %dma_start3A_580 = tpu.memref_slice %arg5[%dma_start3A_575, %dma_start3A_579] : memref<52x128xi32, #tpu.memory_space<vmem>> -> memref<1x128xi32, #tpu.memory_space<vmem>>
    %dma_start3A_581 = tpu.memref_squeeze %dma_start3A_580 : memref<1x128xi32, #tpu.memory_space<vmem>> -> memref<128xi32, #tpu.memory_space<vmem>>
    %dma_start3A_582 = arith.constant 0 : i32
    %dma_start3A_583 = arith.constant 0 : i32
    %dma_start3A_584 = tpu.memref_slice %arg3[%dma_start3A_582, %dma_start3A_583] : memref<1000000x32xf32, #tpu.memory_space<hbm>> -> memref<1000000x32xf32, #tpu.memory_space<hbm>>
    tpu.enqueue_indirect_dma source(%dma_start3A_584 : memref<1000000x32xf32, #tpu.memory_space<hbm>>) target(%dma_start3A_578 : memref<128x32xf32, #tpu.memory_space<vmem>>) offsets(%dma_start3A_581 : memref<128xi32, #tpu.memory_space<vmem>>) semaphore(%arg7 : memref<!tpu.dma_semaphore, #tpu.memory_space<semaphore_mem>>)
    %dma_start3A_585 = arith.constant 32 : i32
    %dma_start3A_586 = arith.constant 768 : i32
    %dma_start3A_587 = arith.constant 0 : i32
    %dma_start3A_588 = tpu.memref_slice %arg6[%dma_start3A_586, %dma_start3A_587] : memref<1664x32xf32, #tpu.memory_space<vmem>> -> memref<128x32xf32, #tpu.memory_space<vmem>>
    %dma_start3A_589 = arith.constant 0 : i32
    %dma_start3A_590 = tpu.memref_slice %arg5[%dma_start3A_585, %dma_start3A_589] : memref<52x128xi32, #tpu.memory_space<vmem>> -> memref<1x128xi32, #tpu.memory_space<vmem>>
    %dma_start3A_591 = tpu.memref_squeeze %dma_start3A_590 : memref<1x128xi32, #tpu.memory_space<vmem>> -> memref<128xi32, #tpu.memory_space<vmem>>
    %dma_start3A_592 = arith.constant 0 : i32
    %dma_start3A_593 = arith.constant 0 : i32
    %dma_start3A_594 = tpu.memref_slice %arg3[%dma_start3A_592, %dma_start3A_593] : memref<1000000x32xf32, #tpu.memory_space<hbm>> -> memref<1000000x32xf32, #tpu.memory_space<hbm>>
    tpu.enqueue_indirect_dma source(%dma_start3A_594 : memref<1000000x32xf32, #tpu.memory_space<hbm>>) target(%dma_start3A_588 : memref<128x32xf32, #tpu.memory_space<vmem>>) offsets(%dma_start3A_591 : memref<128xi32, #tpu.memory_space<vmem>>) semaphore(%arg7 : memref<!tpu.dma_semaphore, #tpu.memory_space<semaphore_mem>>)
    %dma_start3A_595 = arith.constant 33 : i32
    %dma_start3A_596 = arith.constant 896 : i32
    %dma_start3A_597 = arith.constant 0 : i32
    %dma_start3A_598 = tpu.memref_slice %arg6[%dma_start3A_596, %dma_start3A_597] : memref<1664x32xf32, #tpu.memory_space<vmem>> -> memref<128x32xf32, #tpu.memory_space<vmem>>
    %dma_start3A_599 = arith.constant 0 : i32
    %dma_start3A_600 = tpu.memref_slice %arg5[%dma_start3A_595, %dma_start3A_599] : memref<52x128xi32, #tpu.memory_space<vmem>> -> memref<1x128xi32, #tpu.memory_space<vmem>>
    %dma_start3A_601 = tpu.memref_squeeze %dma_start3A_600 : memref<1x128xi32, #tpu.memory_space<vmem>> -> memref<128xi32, #tpu.memory_space<vmem>>
    %dma_start3A_602 = arith.constant 0 : i32
    %dma_start3A_603 = arith.constant 0 : i32
    %dma_start3A_604 = tpu.memref_slice %arg3[%dma_start3A_602, %dma_start3A_603] : memref<1000000x32xf32, #tpu.memory_space<hbm>> -> memref<1000000x32xf32, #tpu.memory_space<hbm>>
    tpu.enqueue_indirect_dma source(%dma_start3A_604 : memref<1000000x32xf32, #tpu.memory_space<hbm>>) target(%dma_start3A_598 : memref<128x32xf32, #tpu.memory_space<vmem>>) offsets(%dma_start3A_601 : memref<128xi32, #tpu.memory_space<vmem>>) semaphore(%arg7 : memref<!tpu.dma_semaphore, #tpu.memory_space<semaphore_mem>>)
    %dma_start3A_605 = arith.constant 34 : i32
    %dma_start3A_606 = arith.constant 1024 : i32
    %dma_start3A_607 = arith.constant 0 : i32
    %dma_start3A_608 = tpu.memref_slice %arg6[%dma_start3A_606, %dma_start3A_607] : memref<1664x32xf32, #tpu.memory_space<vmem>> -> memref<128x32xf32, #tpu.memory_space<vmem>>
    %dma_start3A_609 = arith.constant 0 : i32
    %dma_start3A_610 = tpu.memref_slice %arg5[%dma_start3A_605, %dma_start3A_609] : memref<52x128xi32, #tpu.memory_space<vmem>> -> memref<1x128xi32, #tpu.memory_space<vmem>>
    %dma_start3A_611 = tpu.memref_squeeze %dma_start3A_610 : memref<1x128xi32, #tpu.memory_space<vmem>> -> memref<128xi32, #tpu.memory_space<vmem>>
    %dma_start3A_612 = arith.constant 0 : i32
    %dma_start3A_613 = arith.constant 0 : i32
    %dma_start3A_614 = tpu.memref_slice %arg3[%dma_start3A_612, %dma_start3A_613] : memref<1000000x32xf32, #tpu.memory_space<hbm>> -> memref<1000000x32xf32, #tpu.memory_space<hbm>>
    tpu.enqueue_indirect_dma source(%dma_start3A_614 : memref<1000000x32xf32, #tpu.memory_space<hbm>>) target(%dma_start3A_608 : memref<128x32xf32, #tpu.memory_space<vmem>>) offsets(%dma_start3A_611 : memref<128xi32, #tpu.memory_space<vmem>>) semaphore(%arg7 : memref<!tpu.dma_semaphore, #tpu.memory_space<semaphore_mem>>)
    %dma_start3A_615 = arith.constant 35 : i32
    %dma_start3A_616 = arith.constant 1152 : i32
    %dma_start3A_617 = arith.constant 0 : i32
    %dma_start3A_618 = tpu.memref_slice %arg6[%dma_start3A_616, %dma_start3A_617] : memref<1664x32xf32, #tpu.memory_space<vmem>> -> memref<128x32xf32, #tpu.memory_space<vmem>>
    %dma_start3A_619 = arith.constant 0 : i32
    %dma_start3A_620 = tpu.memref_slice %arg5[%dma_start3A_615, %dma_start3A_619] : memref<52x128xi32, #tpu.memory_space<vmem>> -> memref<1x128xi32, #tpu.memory_space<vmem>>
    %dma_start3A_621 = tpu.memref_squeeze %dma_start3A_620 : memref<1x128xi32, #tpu.memory_space<vmem>> -> memref<128xi32, #tpu.memory_space<vmem>>
    %dma_start3A_622 = arith.constant 0 : i32
    %dma_start3A_623 = arith.constant 0 : i32
    %dma_start3A_624 = tpu.memref_slice %arg3[%dma_start3A_622, %dma_start3A_623] : memref<1000000x32xf32, #tpu.memory_space<hbm>> -> memref<1000000x32xf32, #tpu.memory_space<hbm>>
    tpu.enqueue_indirect_dma source(%dma_start3A_624 : memref<1000000x32xf32, #tpu.memory_space<hbm>>) target(%dma_start3A_618 : memref<128x32xf32, #tpu.memory_space<vmem>>) offsets(%dma_start3A_621 : memref<128xi32, #tpu.memory_space<vmem>>) semaphore(%arg7 : memref<!tpu.dma_semaphore, #tpu.memory_space<semaphore_mem>>)
    %dma_start3A_625 = arith.constant 36 : i32
    %dma_start3A_626 = arith.constant 1280 : i32
    %dma_start3A_627 = arith.constant 0 : i32
    %dma_start3A_628 = tpu.memref_slice %arg6[%dma_start3A_626, %dma_start3A_627] : memref<1664x32xf32, #tpu.memory_space<vmem>> -> memref<128x32xf32, #tpu.memory_space<vmem>>
    %dma_start3A_629 = arith.constant 0 : i32
    %dma_start3A_630 = tpu.memref_slice %arg5[%dma_start3A_625, %dma_start3A_629] : memref<52x128xi32, #tpu.memory_space<vmem>> -> memref<1x128xi32, #tpu.memory_space<vmem>>
    %dma_start3A_631 = tpu.memref_squeeze %dma_start3A_630 : memref<1x128xi32, #tpu.memory_space<vmem>> -> memref<128xi32, #tpu.memory_space<vmem>>
    %dma_start3A_632 = arith.constant 0 : i32
    %dma_start3A_633 = arith.constant 0 : i32
    %dma_start3A_634 = tpu.memref_slice %arg3[%dma_start3A_632, %dma_start3A_633] : memref<1000000x32xf32, #tpu.memory_space<hbm>> -> memref<1000000x32xf32, #tpu.memory_space<hbm>>
    tpu.enqueue_indirect_dma source(%dma_start3A_634 : memref<1000000x32xf32, #tpu.memory_space<hbm>>) target(%dma_start3A_628 : memref<128x32xf32, #tpu.memory_space<vmem>>) offsets(%dma_start3A_631 : memref<128xi32, #tpu.memory_space<vmem>>) semaphore(%arg7 : memref<!tpu.dma_semaphore, #tpu.memory_space<semaphore_mem>>)
    %dma_start3A_635 = arith.constant 37 : i32
    %dma_start3A_636 = arith.constant 1408 : i32
    %dma_start3A_637 = arith.constant 0 : i32
    %dma_start3A_638 = tpu.memref_slice %arg6[%dma_start3A_636, %dma_start3A_637] : memref<1664x32xf32, #tpu.memory_space<vmem>> -> memref<128x32xf32, #tpu.memory_space<vmem>>
    %dma_start3A_639 = arith.constant 0 : i32
    %dma_start3A_640 = tpu.memref_slice %arg5[%dma_start3A_635, %dma_start3A_639] : memref<52x128xi32, #tpu.memory_space<vmem>> -> memref<1x128xi32, #tpu.memory_space<vmem>>
    %dma_start3A_641 = tpu.memref_squeeze %dma_start3A_640 : memref<1x128xi32, #tpu.memory_space<vmem>> -> memref<128xi32, #tpu.memory_space<vmem>>
    %dma_start3A_642 = arith.constant 0 : i32
    %dma_start3A_643 = arith.constant 0 : i32
    %dma_start3A_644 = tpu.memref_slice %arg3[%dma_start3A_642, %dma_start3A_643] : memref<1000000x32xf32, #tpu.memory_space<hbm>> -> memref<1000000x32xf32, #tpu.memory_space<hbm>>
    tpu.enqueue_indirect_dma source(%dma_start3A_644 : memref<1000000x32xf32, #tpu.memory_space<hbm>>) target(%dma_start3A_638 : memref<128x32xf32, #tpu.memory_space<vmem>>) offsets(%dma_start3A_641 : memref<128xi32, #tpu.memory_space<vmem>>) semaphore(%arg7 : memref<!tpu.dma_semaphore, #tpu.memory_space<semaphore_mem>>)
    %dma_start3A_645 = arith.constant 38 : i32
    %dma_start3A_646 = arith.constant 1536 : i32
    %dma_start3A_647 = arith.constant 0 : i32
    %dma_start3A_648 = tpu.memref_slice %arg6[%dma_start3A_646, %dma_start3A_647] : memref<1664x32xf32, #tpu.memory_space<vmem>> -> memref<128x32xf32, #tpu.memory_space<vmem>>
    %dma_start3A_649 = arith.constant 0 : i32
    %dma_start3A_650 = tpu.memref_slice %arg5[%dma_start3A_645, %dma_start3A_649] : memref<52x128xi32, #tpu.memory_space<vmem>> -> memref<1x128xi32, #tpu.memory_space<vmem>>
    %dma_start3A_651 = tpu.memref_squeeze %dma_start3A_650 : memref<1x128xi32, #tpu.memory_space<vmem>> -> memref<128xi32, #tpu.memory_space<vmem>>
    %dma_start3A_652 = arith.constant 0 : i32
    %dma_start3A_653 = arith.constant 0 : i32
    %dma_start3A_654 = tpu.memref_slice %arg3[%dma_start3A_652, %dma_start3A_653] : memref<1000000x32xf32, #tpu.memory_space<hbm>> -> memref<1000000x32xf32, #tpu.memory_space<hbm>>
    tpu.enqueue_indirect_dma source(%dma_start3A_654 : memref<1000000x32xf32, #tpu.memory_space<hbm>>) target(%dma_start3A_648 : memref<128x32xf32, #tpu.memory_space<vmem>>) offsets(%dma_start3A_651 : memref<128xi32, #tpu.memory_space<vmem>>) semaphore(%arg7 : memref<!tpu.dma_semaphore, #tpu.memory_space<semaphore_mem>>)
    %dma_wait3A_655 = arith.constant 26 : i32
    %dma_wait3A_656 = arith.constant 0 : i32
    %dma_wait3A_657 = arith.constant 0 : i32
    %dma_wait3A_658 = tpu.memref_slice %arg6[%dma_wait3A_656, %dma_wait3A_657] : memref<1664x32xf32, #tpu.memory_space<vmem>> -> memref<128x32xf32, #tpu.memory_space<vmem>>
    %dma_wait3A_659 = arith.constant 0 : i32
    %dma_wait3A_660 = tpu.memref_slice %arg5[%dma_wait3A_655, %dma_wait3A_659] : memref<52x128xi32, #tpu.memory_space<vmem>> -> memref<1x128xi32, #tpu.memory_space<vmem>>
    %dma_wait3A_661 = tpu.memref_squeeze %dma_wait3A_660 : memref<1x128xi32, #tpu.memory_space<vmem>> -> memref<128xi32, #tpu.memory_space<vmem>>
    %dma_wait3A_662 = arith.constant 0 : i32
    %dma_wait3A_663 = arith.constant 0 : i32
    %dma_wait3A_664 = tpu.memref_slice %arg3[%dma_wait3A_662, %dma_wait3A_663] : memref<1000000x32xf32, #tpu.memory_space<hbm>> -> memref<1000000x32xf32, #tpu.memory_space<hbm>>
    tpu.wait_indirect_dma semaphore(%arg7 : memref<!tpu.dma_semaphore, #tpu.memory_space<semaphore_mem>>) src(%dma_wait3A_664 : memref<1000000x32xf32, #tpu.memory_space<hbm>>) dst(%dma_wait3A_658 : memref<128x32xf32, #tpu.memory_space<vmem>>)
    %dma_wait3A_665 = arith.constant 27 : i32
    %dma_wait3A_666 = arith.constant 128 : i32
    %dma_wait3A_667 = arith.constant 0 : i32
    %dma_wait3A_668 = tpu.memref_slice %arg6[%dma_wait3A_666, %dma_wait3A_667] : memref<1664x32xf32, #tpu.memory_space<vmem>> -> memref<128x32xf32, #tpu.memory_space<vmem>>
    %dma_wait3A_669 = arith.constant 0 : i32
    %dma_wait3A_670 = tpu.memref_slice %arg5[%dma_wait3A_665, %dma_wait3A_669] : memref<52x128xi32, #tpu.memory_space<vmem>> -> memref<1x128xi32, #tpu.memory_space<vmem>>
    %dma_wait3A_671 = tpu.memref_squeeze %dma_wait3A_670 : memref<1x128xi32, #tpu.memory_space<vmem>> -> memref<128xi32, #tpu.memory_space<vmem>>
    %dma_wait3A_672 = arith.constant 0 : i32
    %dma_wait3A_673 = arith.constant 0 : i32
    %dma_wait3A_674 = tpu.memref_slice %arg3[%dma_wait3A_672, %dma_wait3A_673] : memref<1000000x32xf32, #tpu.memory_space<hbm>> -> memref<1000000x32xf32, #tpu.memory_space<hbm>>
    tpu.wait_indirect_dma semaphore(%arg7 : memref<!tpu.dma_semaphore, #tpu.memory_space<semaphore_mem>>) src(%dma_wait3A_674 : memref<1000000x32xf32, #tpu.memory_space<hbm>>) dst(%dma_wait3A_668 : memref<128x32xf32, #tpu.memory_space<vmem>>)
    %dma_wait3A_675 = arith.constant 28 : i32
    %dma_wait3A_676 = arith.constant 256 : i32
    %dma_wait3A_677 = arith.constant 0 : i32
    %dma_wait3A_678 = tpu.memref_slice %arg6[%dma_wait3A_676, %dma_wait3A_677] : memref<1664x32xf32, #tpu.memory_space<vmem>> -> memref<128x32xf32, #tpu.memory_space<vmem>>
    %dma_wait3A_679 = arith.constant 0 : i32
    %dma_wait3A_680 = tpu.memref_slice %arg5[%dma_wait3A_675, %dma_wait3A_679] : memref<52x128xi32, #tpu.memory_space<vmem>> -> memref<1x128xi32, #tpu.memory_space<vmem>>
    %dma_wait3A_681 = tpu.memref_squeeze %dma_wait3A_680 : memref<1x128xi32, #tpu.memory_space<vmem>> -> memref<128xi32, #tpu.memory_space<vmem>>
    %dma_wait3A_682 = arith.constant 0 : i32
    %dma_wait3A_683 = arith.constant 0 : i32
    %dma_wait3A_684 = tpu.memref_slice %arg3[%dma_wait3A_682, %dma_wait3A_683] : memref<1000000x32xf32, #tpu.memory_space<hbm>> -> memref<1000000x32xf32, #tpu.memory_space<hbm>>
    tpu.wait_indirect_dma semaphore(%arg7 : memref<!tpu.dma_semaphore, #tpu.memory_space<semaphore_mem>>) src(%dma_wait3A_684 : memref<1000000x32xf32, #tpu.memory_space<hbm>>) dst(%dma_wait3A_678 : memref<128x32xf32, #tpu.memory_space<vmem>>)
    %dma_wait3A_685 = arith.constant 29 : i32
    %dma_wait3A_686 = arith.constant 384 : i32
    %dma_wait3A_687 = arith.constant 0 : i32
    %dma_wait3A_688 = tpu.memref_slice %arg6[%dma_wait3A_686, %dma_wait3A_687] : memref<1664x32xf32, #tpu.memory_space<vmem>> -> memref<128x32xf32, #tpu.memory_space<vmem>>
    %dma_wait3A_689 = arith.constant 0 : i32
    %dma_wait3A_690 = tpu.memref_slice %arg5[%dma_wait3A_685, %dma_wait3A_689] : memref<52x128xi32, #tpu.memory_space<vmem>> -> memref<1x128xi32, #tpu.memory_space<vmem>>
    %dma_wait3A_691 = tpu.memref_squeeze %dma_wait3A_690 : memref<1x128xi32, #tpu.memory_space<vmem>> -> memref<128xi32, #tpu.memory_space<vmem>>
    %dma_wait3A_692 = arith.constant 0 : i32
    %dma_wait3A_693 = arith.constant 0 : i32
    %dma_wait3A_694 = tpu.memref_slice %arg3[%dma_wait3A_692, %dma_wait3A_693] : memref<1000000x32xf32, #tpu.memory_space<hbm>> -> memref<1000000x32xf32, #tpu.memory_space<hbm>>
    tpu.wait_indirect_dma semaphore(%arg7 : memref<!tpu.dma_semaphore, #tpu.memory_space<semaphore_mem>>) src(%dma_wait3A_694 : memref<1000000x32xf32, #tpu.memory_space<hbm>>) dst(%dma_wait3A_688 : memref<128x32xf32, #tpu.memory_space<vmem>>)
    %dma_wait3A_695 = arith.constant 30 : i32
    %dma_wait3A_696 = arith.constant 512 : i32
    %dma_wait3A_697 = arith.constant 0 : i32
    %dma_wait3A_698 = tpu.memref_slice %arg6[%dma_wait3A_696, %dma_wait3A_697] : memref<1664x32xf32, #tpu.memory_space<vmem>> -> memref<128x32xf32, #tpu.memory_space<vmem>>
    %dma_wait3A_699 = arith.constant 0 : i32
    %dma_wait3A_700 = tpu.memref_slice %arg5[%dma_wait3A_695, %dma_wait3A_699] : memref<52x128xi32, #tpu.memory_space<vmem>> -> memref<1x128xi32, #tpu.memory_space<vmem>>
    %dma_wait3A_701 = tpu.memref_squeeze %dma_wait3A_700 : memref<1x128xi32, #tpu.memory_space<vmem>> -> memref<128xi32, #tpu.memory_space<vmem>>
    %dma_wait3A_702 = arith.constant 0 : i32
    %dma_wait3A_703 = arith.constant 0 : i32
    %dma_wait3A_704 = tpu.memref_slice %arg3[%dma_wait3A_702, %dma_wait3A_703] : memref<1000000x32xf32, #tpu.memory_space<hbm>> -> memref<1000000x32xf32, #tpu.memory_space<hbm>>
    tpu.wait_indirect_dma semaphore(%arg7 : memref<!tpu.dma_semaphore, #tpu.memory_space<semaphore_mem>>) src(%dma_wait3A_704 : memref<1000000x32xf32, #tpu.memory_space<hbm>>) dst(%dma_wait3A_698 : memref<128x32xf32, #tpu.memory_space<vmem>>)
    %dma_wait3A_705 = arith.constant 31 : i32
    %dma_wait3A_706 = arith.constant 640 : i32
    %dma_wait3A_707 = arith.constant 0 : i32
    %dma_wait3A_708 = tpu.memref_slice %arg6[%dma_wait3A_706, %dma_wait3A_707] : memref<1664x32xf32, #tpu.memory_space<vmem>> -> memref<128x32xf32, #tpu.memory_space<vmem>>
    %dma_wait3A_709 = arith.constant 0 : i32
    %dma_wait3A_710 = tpu.memref_slice %arg5[%dma_wait3A_705, %dma_wait3A_709] : memref<52x128xi32, #tpu.memory_space<vmem>> -> memref<1x128xi32, #tpu.memory_space<vmem>>
    %dma_wait3A_711 = tpu.memref_squeeze %dma_wait3A_710 : memref<1x128xi32, #tpu.memory_space<vmem>> -> memref<128xi32, #tpu.memory_space<vmem>>
    %dma_wait3A_712 = arith.constant 0 : i32
    %dma_wait3A_713 = arith.constant 0 : i32
    %dma_wait3A_714 = tpu.memref_slice %arg3[%dma_wait3A_712, %dma_wait3A_713] : memref<1000000x32xf32, #tpu.memory_space<hbm>> -> memref<1000000x32xf32, #tpu.memory_space<hbm>>
    tpu.wait_indirect_dma semaphore(%arg7 : memref<!tpu.dma_semaphore, #tpu.memory_space<semaphore_mem>>) src(%dma_wait3A_714 : memref<1000000x32xf32, #tpu.memory_space<hbm>>) dst(%dma_wait3A_708 : memref<128x32xf32, #tpu.memory_space<vmem>>)
    %dma_wait3A_715 = arith.constant 32 : i32
    %dma_wait3A_716 = arith.constant 768 : i32
    %dma_wait3A_717 = arith.constant 0 : i32
    %dma_wait3A_718 = tpu.memref_slice %arg6[%dma_wait3A_716, %dma_wait3A_717] : memref<1664x32xf32, #tpu.memory_space<vmem>> -> memref<128x32xf32, #tpu.memory_space<vmem>>
    %dma_wait3A_719 = arith.constant 0 : i32
    %dma_wait3A_720 = tpu.memref_slice %arg5[%dma_wait3A_715, %dma_wait3A_719] : memref<52x128xi32, #tpu.memory_space<vmem>> -> memref<1x128xi32, #tpu.memory_space<vmem>>
    %dma_wait3A_721 = tpu.memref_squeeze %dma_wait3A_720 : memref<1x128xi32, #tpu.memory_space<vmem>> -> memref<128xi32, #tpu.memory_space<vmem>>
    %dma_wait3A_722 = arith.constant 0 : i32
    %dma_wait3A_723 = arith.constant 0 : i32
    %dma_wait3A_724 = tpu.memref_slice %arg3[%dma_wait3A_722, %dma_wait3A_723] : memref<1000000x32xf32, #tpu.memory_space<hbm>> -> memref<1000000x32xf32, #tpu.memory_space<hbm>>
    tpu.wait_indirect_dma semaphore(%arg7 : memref<!tpu.dma_semaphore, #tpu.memory_space<semaphore_mem>>) src(%dma_wait3A_724 : memref<1000000x32xf32, #tpu.memory_space<hbm>>) dst(%dma_wait3A_718 : memref<128x32xf32, #tpu.memory_space<vmem>>)
    %dma_wait3A_725 = arith.constant 33 : i32
    %dma_wait3A_726 = arith.constant 896 : i32
    %dma_wait3A_727 = arith.constant 0 : i32
    %dma_wait3A_728 = tpu.memref_slice %arg6[%dma_wait3A_726, %dma_wait3A_727] : memref<1664x32xf32, #tpu.memory_space<vmem>> -> memref<128x32xf32, #tpu.memory_space<vmem>>
    %dma_wait3A_729 = arith.constant 0 : i32
    %dma_wait3A_730 = tpu.memref_slice %arg5[%dma_wait3A_725, %dma_wait3A_729] : memref<52x128xi32, #tpu.memory_space<vmem>> -> memref<1x128xi32, #tpu.memory_space<vmem>>
    %dma_wait3A_731 = tpu.memref_squeeze %dma_wait3A_730 : memref<1x128xi32, #tpu.memory_space<vmem>> -> memref<128xi32, #tpu.memory_space<vmem>>
    %dma_wait3A_732 = arith.constant 0 : i32
    %dma_wait3A_733 = arith.constant 0 : i32
    %dma_wait3A_734 = tpu.memref_slice %arg3[%dma_wait3A_732, %dma_wait3A_733] : memref<1000000x32xf32, #tpu.memory_space<hbm>> -> memref<1000000x32xf32, #tpu.memory_space<hbm>>
    tpu.wait_indirect_dma semaphore(%arg7 : memref<!tpu.dma_semaphore, #tpu.memory_space<semaphore_mem>>) src(%dma_wait3A_734 : memref<1000000x32xf32, #tpu.memory_space<hbm>>) dst(%dma_wait3A_728 : memref<128x32xf32, #tpu.memory_space<vmem>>)
    %dma_wait3A_735 = arith.constant 34 : i32
    %dma_wait3A_736 = arith.constant 1024 : i32
    %dma_wait3A_737 = arith.constant 0 : i32
    %dma_wait3A_738 = tpu.memref_slice %arg6[%dma_wait3A_736, %dma_wait3A_737] : memref<1664x32xf32, #tpu.memory_space<vmem>> -> memref<128x32xf32, #tpu.memory_space<vmem>>
    %dma_wait3A_739 = arith.constant 0 : i32
    %dma_wait3A_740 = tpu.memref_slice %arg5[%dma_wait3A_735, %dma_wait3A_739] : memref<52x128xi32, #tpu.memory_space<vmem>> -> memref<1x128xi32, #tpu.memory_space<vmem>>
    %dma_wait3A_741 = tpu.memref_squeeze %dma_wait3A_740 : memref<1x128xi32, #tpu.memory_space<vmem>> -> memref<128xi32, #tpu.memory_space<vmem>>
    %dma_wait3A_742 = arith.constant 0 : i32
    %dma_wait3A_743 = arith.constant 0 : i32
    %dma_wait3A_744 = tpu.memref_slice %arg3[%dma_wait3A_742, %dma_wait3A_743] : memref<1000000x32xf32, #tpu.memory_space<hbm>> -> memref<1000000x32xf32, #tpu.memory_space<hbm>>
    tpu.wait_indirect_dma semaphore(%arg7 : memref<!tpu.dma_semaphore, #tpu.memory_space<semaphore_mem>>) src(%dma_wait3A_744 : memref<1000000x32xf32, #tpu.memory_space<hbm>>) dst(%dma_wait3A_738 : memref<128x32xf32, #tpu.memory_space<vmem>>)
    %dma_wait3A_745 = arith.constant 35 : i32
    %dma_wait3A_746 = arith.constant 1152 : i32
    %dma_wait3A_747 = arith.constant 0 : i32
    %dma_wait3A_748 = tpu.memref_slice %arg6[%dma_wait3A_746, %dma_wait3A_747] : memref<1664x32xf32, #tpu.memory_space<vmem>> -> memref<128x32xf32, #tpu.memory_space<vmem>>
    %dma_wait3A_749 = arith.constant 0 : i32
    %dma_wait3A_750 = tpu.memref_slice %arg5[%dma_wait3A_745, %dma_wait3A_749] : memref<52x128xi32, #tpu.memory_space<vmem>> -> memref<1x128xi32, #tpu.memory_space<vmem>>
    %dma_wait3A_751 = tpu.memref_squeeze %dma_wait3A_750 : memref<1x128xi32, #tpu.memory_space<vmem>> -> memref<128xi32, #tpu.memory_space<vmem>>
    %dma_wait3A_752 = arith.constant 0 : i32
    %dma_wait3A_753 = arith.constant 0 : i32
    %dma_wait3A_754 = tpu.memref_slice %arg3[%dma_wait3A_752, %dma_wait3A_753] : memref<1000000x32xf32, #tpu.memory_space<hbm>> -> memref<1000000x32xf32, #tpu.memory_space<hbm>>
    tpu.wait_indirect_dma semaphore(%arg7 : memref<!tpu.dma_semaphore, #tpu.memory_space<semaphore_mem>>) src(%dma_wait3A_754 : memref<1000000x32xf32, #tpu.memory_space<hbm>>) dst(%dma_wait3A_748 : memref<128x32xf32, #tpu.memory_space<vmem>>)
    %dma_wait3A_755 = arith.constant 36 : i32
    %dma_wait3A_756 = arith.constant 1280 : i32
    %dma_wait3A_757 = arith.constant 0 : i32
    %dma_wait3A_758 = tpu.memref_slice %arg6[%dma_wait3A_756, %dma_wait3A_757] : memref<1664x32xf32, #tpu.memory_space<vmem>> -> memref<128x32xf32, #tpu.memory_space<vmem>>
    %dma_wait3A_759 = arith.constant 0 : i32
    %dma_wait3A_760 = tpu.memref_slice %arg5[%dma_wait3A_755, %dma_wait3A_759] : memref<52x128xi32, #tpu.memory_space<vmem>> -> memref<1x128xi32, #tpu.memory_space<vmem>>
    %dma_wait3A_761 = tpu.memref_squeeze %dma_wait3A_760 : memref<1x128xi32, #tpu.memory_space<vmem>> -> memref<128xi32, #tpu.memory_space<vmem>>
    %dma_wait3A_762 = arith.constant 0 : i32
    %dma_wait3A_763 = arith.constant 0 : i32
    %dma_wait3A_764 = tpu.memref_slice %arg3[%dma_wait3A_762, %dma_wait3A_763] : memref<1000000x32xf32, #tpu.memory_space<hbm>> -> memref<1000000x32xf32, #tpu.memory_space<hbm>>
    tpu.wait_indirect_dma semaphore(%arg7 : memref<!tpu.dma_semaphore, #tpu.memory_space<semaphore_mem>>) src(%dma_wait3A_764 : memref<1000000x32xf32, #tpu.memory_space<hbm>>) dst(%dma_wait3A_758 : memref<128x32xf32, #tpu.memory_space<vmem>>)
    %dma_wait3A_765 = arith.constant 37 : i32
    %dma_wait3A_766 = arith.constant 1408 : i32
    %dma_wait3A_767 = arith.constant 0 : i32
    %dma_wait3A_768 = tpu.memref_slice %arg6[%dma_wait3A_766, %dma_wait3A_767] : memref<1664x32xf32, #tpu.memory_space<vmem>> -> memref<128x32xf32, #tpu.memory_space<vmem>>
    %dma_wait3A_769 = arith.constant 0 : i32
    %dma_wait3A_770 = tpu.memref_slice %arg5[%dma_wait3A_765, %dma_wait3A_769] : memref<52x128xi32, #tpu.memory_space<vmem>> -> memref<1x128xi32, #tpu.memory_space<vmem>>
    %dma_wait3A_771 = tpu.memref_squeeze %dma_wait3A_770 : memref<1x128xi32, #tpu.memory_space<vmem>> -> memref<128xi32, #tpu.memory_space<vmem>>
    %dma_wait3A_772 = arith.constant 0 : i32
    %dma_wait3A_773 = arith.constant 0 : i32
    %dma_wait3A_774 = tpu.memref_slice %arg3[%dma_wait3A_772, %dma_wait3A_773] : memref<1000000x32xf32, #tpu.memory_space<hbm>> -> memref<1000000x32xf32, #tpu.memory_space<hbm>>
    tpu.wait_indirect_dma semaphore(%arg7 : memref<!tpu.dma_semaphore, #tpu.memory_space<semaphore_mem>>) src(%dma_wait3A_774 : memref<1000000x32xf32, #tpu.memory_space<hbm>>) dst(%dma_wait3A_768 : memref<128x32xf32, #tpu.memory_space<vmem>>)
    %dma_wait3A_775 = arith.constant 38 : i32
    %dma_wait3A_776 = arith.constant 1536 : i32
    %dma_wait3A_777 = arith.constant 0 : i32
    %dma_wait3A_778 = tpu.memref_slice %arg6[%dma_wait3A_776, %dma_wait3A_777] : memref<1664x32xf32, #tpu.memory_space<vmem>> -> memref<128x32xf32, #tpu.memory_space<vmem>>
    %dma_wait3A_779 = arith.constant 0 : i32
    %dma_wait3A_780 = tpu.memref_slice %arg5[%dma_wait3A_775, %dma_wait3A_779] : memref<52x128xi32, #tpu.memory_space<vmem>> -> memref<1x128xi32, #tpu.memory_space<vmem>>
    %dma_wait3A_781 = tpu.memref_squeeze %dma_wait3A_780 : memref<1x128xi32, #tpu.memory_space<vmem>> -> memref<128xi32, #tpu.memory_space<vmem>>
    %dma_wait3A_782 = arith.constant 0 : i32
    %dma_wait3A_783 = arith.constant 0 : i32
    %dma_wait3A_784 = tpu.memref_slice %arg3[%dma_wait3A_782, %dma_wait3A_783] : memref<1000000x32xf32, #tpu.memory_space<hbm>> -> memref<1000000x32xf32, #tpu.memory_space<hbm>>
    tpu.wait_indirect_dma semaphore(%arg7 : memref<!tpu.dma_semaphore, #tpu.memory_space<semaphore_mem>>) src(%dma_wait3A_784 : memref<1000000x32xf32, #tpu.memory_space<hbm>>) dst(%dma_wait3A_778 : memref<128x32xf32, #tpu.memory_space<vmem>>)
    %add3A_785 = arith.constant 3328 : i32
    %add3A_786 = arith.addi %mul3A_2, %add3A_785 : i32
    "tpu.region"() ({
      %run_scoped3A = tpu.sem_alloc : memref<!tpu.dma_semaphore, #tpu.memory_space<semaphore_mem>>
      %dma_start3A_1049 = arith.constant 0 : i32
      %dma_start3A_1050 = tpu.memref_slice %arg4[%add3A_786, %dma_start3A_1049] : memref<212992x32xf32, #tpu.memory_space<hbm>> -> memref<1664x32xf32, #tpu.memory_space<hbm>>
      %dma_start3A_1051 = arith.constant 0 : i32
      %dma_start3A_1052 = tpu.memref_slice %arg4[%add3A_786, %dma_start3A_1051] : memref<212992x32xf32, #tpu.memory_space<hbm>> -> memref<1664x32xf32, #tpu.memory_space<hbm>>
      tpu.enqueue_dma source(%arg6 : memref<1664x32xf32, #tpu.memory_space<vmem>>) target(%dma_start3A_1052 : memref<1664x32xf32, #tpu.memory_space<hbm>>) target_semaphore(%run_scoped3A : memref<!tpu.dma_semaphore, #tpu.memory_space<semaphore_mem>>)
      %dma_wait3A_1053 = arith.constant 0 : i32
      %dma_wait3A_1054 = tpu.memref_slice %arg4[%add3A_786, %dma_wait3A_1053] : memref<212992x32xf32, #tpu.memory_space<hbm>> -> memref<1664x32xf32, #tpu.memory_space<hbm>>
      %dma_wait3A_1055 = arith.constant 0 : i32
      %dma_wait3A_1056 = tpu.memref_slice %arg4[%add3A_786, %dma_wait3A_1055] : memref<212992x32xf32, #tpu.memory_space<hbm>> -> memref<1664x32xf32, #tpu.memory_space<hbm>>
      tpu.wait_dma2 semaphore(%run_scoped3A : memref<!tpu.dma_semaphore, #tpu.memory_space<semaphore_mem>>) src(%arg6 : memref<1664x32xf32, #tpu.memory_space<vmem>>) dst(%dma_wait3A_1056 : memref<1664x32xf32, #tpu.memory_space<hbm>>)
      tpu.yield
    }) : () -> ()
    %dma_start3A_787 = arith.constant 39 : i32
    %dma_start3A_788 = arith.constant 0 : i32
    %dma_start3A_789 = arith.constant 0 : i32
    %dma_start3A_790 = tpu.memref_slice %arg6[%dma_start3A_788, %dma_start3A_789] : memref<1664x32xf32, #tpu.memory_space<vmem>> -> memref<128x32xf32, #tpu.memory_space<vmem>>
    %dma_start3A_791 = arith.constant 0 : i32
    %dma_start3A_792 = tpu.memref_slice %arg5[%dma_start3A_787, %dma_start3A_791] : memref<52x128xi32, #tpu.memory_space<vmem>> -> memref<1x128xi32, #tpu.memory_space<vmem>>
    %dma_start3A_793 = tpu.memref_squeeze %dma_start3A_792 : memref<1x128xi32, #tpu.memory_space<vmem>> -> memref<128xi32, #tpu.memory_space<vmem>>
    %dma_start3A_794 = arith.constant 0 : i32
    %dma_start3A_795 = arith.constant 0 : i32
    %dma_start3A_796 = tpu.memref_slice %arg3[%dma_start3A_794, %dma_start3A_795] : memref<1000000x32xf32, #tpu.memory_space<hbm>> -> memref<1000000x32xf32, #tpu.memory_space<hbm>>
    tpu.enqueue_indirect_dma source(%dma_start3A_796 : memref<1000000x32xf32, #tpu.memory_space<hbm>>) target(%dma_start3A_790 : memref<128x32xf32, #tpu.memory_space<vmem>>) offsets(%dma_start3A_793 : memref<128xi32, #tpu.memory_space<vmem>>) semaphore(%arg7 : memref<!tpu.dma_semaphore, #tpu.memory_space<semaphore_mem>>)
    %dma_start3A_797 = arith.constant 40 : i32
    %dma_start3A_798 = arith.constant 128 : i32
    %dma_start3A_799 = arith.constant 0 : i32
    %dma_start3A_800 = tpu.memref_slice %arg6[%dma_start3A_798, %dma_start3A_799] : memref<1664x32xf32, #tpu.memory_space<vmem>> -> memref<128x32xf32, #tpu.memory_space<vmem>>
    %dma_start3A_801 = arith.constant 0 : i32
    %dma_start3A_802 = tpu.memref_slice %arg5[%dma_start3A_797, %dma_start3A_801] : memref<52x128xi32, #tpu.memory_space<vmem>> -> memref<1x128xi32, #tpu.memory_space<vmem>>
    %dma_start3A_803 = tpu.memref_squeeze %dma_start3A_802 : memref<1x128xi32, #tpu.memory_space<vmem>> -> memref<128xi32, #tpu.memory_space<vmem>>
    %dma_start3A_804 = arith.constant 0 : i32
    %dma_start3A_805 = arith.constant 0 : i32
    %dma_start3A_806 = tpu.memref_slice %arg3[%dma_start3A_804, %dma_start3A_805] : memref<1000000x32xf32, #tpu.memory_space<hbm>> -> memref<1000000x32xf32, #tpu.memory_space<hbm>>
    tpu.enqueue_indirect_dma source(%dma_start3A_806 : memref<1000000x32xf32, #tpu.memory_space<hbm>>) target(%dma_start3A_800 : memref<128x32xf32, #tpu.memory_space<vmem>>) offsets(%dma_start3A_803 : memref<128xi32, #tpu.memory_space<vmem>>) semaphore(%arg7 : memref<!tpu.dma_semaphore, #tpu.memory_space<semaphore_mem>>)
    %dma_start3A_807 = arith.constant 41 : i32
    %dma_start3A_808 = arith.constant 256 : i32
    %dma_start3A_809 = arith.constant 0 : i32
    %dma_start3A_810 = tpu.memref_slice %arg6[%dma_start3A_808, %dma_start3A_809] : memref<1664x32xf32, #tpu.memory_space<vmem>> -> memref<128x32xf32, #tpu.memory_space<vmem>>
    %dma_start3A_811 = arith.constant 0 : i32
    %dma_start3A_812 = tpu.memref_slice %arg5[%dma_start3A_807, %dma_start3A_811] : memref<52x128xi32, #tpu.memory_space<vmem>> -> memref<1x128xi32, #tpu.memory_space<vmem>>
    %dma_start3A_813 = tpu.memref_squeeze %dma_start3A_812 : memref<1x128xi32, #tpu.memory_space<vmem>> -> memref<128xi32, #tpu.memory_space<vmem>>
    %dma_start3A_814 = arith.constant 0 : i32
    %dma_start3A_815 = arith.constant 0 : i32
    %dma_start3A_816 = tpu.memref_slice %arg3[%dma_start3A_814, %dma_start3A_815] : memref<1000000x32xf32, #tpu.memory_space<hbm>> -> memref<1000000x32xf32, #tpu.memory_space<hbm>>
    tpu.enqueue_indirect_dma source(%dma_start3A_816 : memref<1000000x32xf32, #tpu.memory_space<hbm>>) target(%dma_start3A_810 : memref<128x32xf32, #tpu.memory_space<vmem>>) offsets(%dma_start3A_813 : memref<128xi32, #tpu.memory_space<vmem>>) semaphore(%arg7 : memref<!tpu.dma_semaphore, #tpu.memory_space<semaphore_mem>>)
    %dma_start3A_817 = arith.constant 42 : i32
    %dma_start3A_818 = arith.constant 384 : i32
    %dma_start3A_819 = arith.constant 0 : i32
    %dma_start3A_820 = tpu.memref_slice %arg6[%dma_start3A_818, %dma_start3A_819] : memref<1664x32xf32, #tpu.memory_space<vmem>> -> memref<128x32xf32, #tpu.memory_space<vmem>>
    %dma_start3A_821 = arith.constant 0 : i32
    %dma_start3A_822 = tpu.memref_slice %arg5[%dma_start3A_817, %dma_start3A_821] : memref<52x128xi32, #tpu.memory_space<vmem>> -> memref<1x128xi32, #tpu.memory_space<vmem>>
    %dma_start3A_823 = tpu.memref_squeeze %dma_start3A_822 : memref<1x128xi32, #tpu.memory_space<vmem>> -> memref<128xi32, #tpu.memory_space<vmem>>
    %dma_start3A_824 = arith.constant 0 : i32
    %dma_start3A_825 = arith.constant 0 : i32
    %dma_start3A_826 = tpu.memref_slice %arg3[%dma_start3A_824, %dma_start3A_825] : memref<1000000x32xf32, #tpu.memory_space<hbm>> -> memref<1000000x32xf32, #tpu.memory_space<hbm>>
    tpu.enqueue_indirect_dma source(%dma_start3A_826 : memref<1000000x32xf32, #tpu.memory_space<hbm>>) target(%dma_start3A_820 : memref<128x32xf32, #tpu.memory_space<vmem>>) offsets(%dma_start3A_823 : memref<128xi32, #tpu.memory_space<vmem>>) semaphore(%arg7 : memref<!tpu.dma_semaphore, #tpu.memory_space<semaphore_mem>>)
    %dma_start3A_827 = arith.constant 43 : i32
    %dma_start3A_828 = arith.constant 512 : i32
    %dma_start3A_829 = arith.constant 0 : i32
    %dma_start3A_830 = tpu.memref_slice %arg6[%dma_start3A_828, %dma_start3A_829] : memref<1664x32xf32, #tpu.memory_space<vmem>> -> memref<128x32xf32, #tpu.memory_space<vmem>>
    %dma_start3A_831 = arith.constant 0 : i32
    %dma_start3A_832 = tpu.memref_slice %arg5[%dma_start3A_827, %dma_start3A_831] : memref<52x128xi32, #tpu.memory_space<vmem>> -> memref<1x128xi32, #tpu.memory_space<vmem>>
    %dma_start3A_833 = tpu.memref_squeeze %dma_start3A_832 : memref<1x128xi32, #tpu.memory_space<vmem>> -> memref<128xi32, #tpu.memory_space<vmem>>
    %dma_start3A_834 = arith.constant 0 : i32
    %dma_start3A_835 = arith.constant 0 : i32
    %dma_start3A_836 = tpu.memref_slice %arg3[%dma_start3A_834, %dma_start3A_835] : memref<1000000x32xf32, #tpu.memory_space<hbm>> -> memref<1000000x32xf32, #tpu.memory_space<hbm>>
    tpu.enqueue_indirect_dma source(%dma_start3A_836 : memref<1000000x32xf32, #tpu.memory_space<hbm>>) target(%dma_start3A_830 : memref<128x32xf32, #tpu.memory_space<vmem>>) offsets(%dma_start3A_833 : memref<128xi32, #tpu.memory_space<vmem>>) semaphore(%arg7 : memref<!tpu.dma_semaphore, #tpu.memory_space<semaphore_mem>>)
    %dma_start3A_837 = arith.constant 44 : i32
    %dma_start3A_838 = arith.constant 640 : i32
    %dma_start3A_839 = arith.constant 0 : i32
    %dma_start3A_840 = tpu.memref_slice %arg6[%dma_start3A_838, %dma_start3A_839] : memref<1664x32xf32, #tpu.memory_space<vmem>> -> memref<128x32xf32, #tpu.memory_space<vmem>>
    %dma_start3A_841 = arith.constant 0 : i32
    %dma_start3A_842 = tpu.memref_slice %arg5[%dma_start3A_837, %dma_start3A_841] : memref<52x128xi32, #tpu.memory_space<vmem>> -> memref<1x128xi32, #tpu.memory_space<vmem>>
    %dma_start3A_843 = tpu.memref_squeeze %dma_start3A_842 : memref<1x128xi32, #tpu.memory_space<vmem>> -> memref<128xi32, #tpu.memory_space<vmem>>
    %dma_start3A_844 = arith.constant 0 : i32
    %dma_start3A_845 = arith.constant 0 : i32
    %dma_start3A_846 = tpu.memref_slice %arg3[%dma_start3A_844, %dma_start3A_845] : memref<1000000x32xf32, #tpu.memory_space<hbm>> -> memref<1000000x32xf32, #tpu.memory_space<hbm>>
    tpu.enqueue_indirect_dma source(%dma_start3A_846 : memref<1000000x32xf32, #tpu.memory_space<hbm>>) target(%dma_start3A_840 : memref<128x32xf32, #tpu.memory_space<vmem>>) offsets(%dma_start3A_843 : memref<128xi32, #tpu.memory_space<vmem>>) semaphore(%arg7 : memref<!tpu.dma_semaphore, #tpu.memory_space<semaphore_mem>>)
    %dma_start3A_847 = arith.constant 45 : i32
    %dma_start3A_848 = arith.constant 768 : i32
    %dma_start3A_849 = arith.constant 0 : i32
    %dma_start3A_850 = tpu.memref_slice %arg6[%dma_start3A_848, %dma_start3A_849] : memref<1664x32xf32, #tpu.memory_space<vmem>> -> memref<128x32xf32, #tpu.memory_space<vmem>>
    %dma_start3A_851 = arith.constant 0 : i32
    %dma_start3A_852 = tpu.memref_slice %arg5[%dma_start3A_847, %dma_start3A_851] : memref<52x128xi32, #tpu.memory_space<vmem>> -> memref<1x128xi32, #tpu.memory_space<vmem>>
    %dma_start3A_853 = tpu.memref_squeeze %dma_start3A_852 : memref<1x128xi32, #tpu.memory_space<vmem>> -> memref<128xi32, #tpu.memory_space<vmem>>
    %dma_start3A_854 = arith.constant 0 : i32
    %dma_start3A_855 = arith.constant 0 : i32
    %dma_start3A_856 = tpu.memref_slice %arg3[%dma_start3A_854, %dma_start3A_855] : memref<1000000x32xf32, #tpu.memory_space<hbm>> -> memref<1000000x32xf32, #tpu.memory_space<hbm>>
    tpu.enqueue_indirect_dma source(%dma_start3A_856 : memref<1000000x32xf32, #tpu.memory_space<hbm>>) target(%dma_start3A_850 : memref<128x32xf32, #tpu.memory_space<vmem>>) offsets(%dma_start3A_853 : memref<128xi32, #tpu.memory_space<vmem>>) semaphore(%arg7 : memref<!tpu.dma_semaphore, #tpu.memory_space<semaphore_mem>>)
    %dma_start3A_857 = arith.constant 46 : i32
    %dma_start3A_858 = arith.constant 896 : i32
    %dma_start3A_859 = arith.constant 0 : i32
    %dma_start3A_860 = tpu.memref_slice %arg6[%dma_start3A_858, %dma_start3A_859] : memref<1664x32xf32, #tpu.memory_space<vmem>> -> memref<128x32xf32, #tpu.memory_space<vmem>>
    %dma_start3A_861 = arith.constant 0 : i32
    %dma_start3A_862 = tpu.memref_slice %arg5[%dma_start3A_857, %dma_start3A_861] : memref<52x128xi32, #tpu.memory_space<vmem>> -> memref<1x128xi32, #tpu.memory_space<vmem>>
    %dma_start3A_863 = tpu.memref_squeeze %dma_start3A_862 : memref<1x128xi32, #tpu.memory_space<vmem>> -> memref<128xi32, #tpu.memory_space<vmem>>
    %dma_start3A_864 = arith.constant 0 : i32
    %dma_start3A_865 = arith.constant 0 : i32
    %dma_start3A_866 = tpu.memref_slice %arg3[%dma_start3A_864, %dma_start3A_865] : memref<1000000x32xf32, #tpu.memory_space<hbm>> -> memref<1000000x32xf32, #tpu.memory_space<hbm>>
    tpu.enqueue_indirect_dma source(%dma_start3A_866 : memref<1000000x32xf32, #tpu.memory_space<hbm>>) target(%dma_start3A_860 : memref<128x32xf32, #tpu.memory_space<vmem>>) offsets(%dma_start3A_863 : memref<128xi32, #tpu.memory_space<vmem>>) semaphore(%arg7 : memref<!tpu.dma_semaphore, #tpu.memory_space<semaphore_mem>>)
    %dma_start3A_867 = arith.constant 47 : i32
    %dma_start3A_868 = arith.constant 1024 : i32
    %dma_start3A_869 = arith.constant 0 : i32
    %dma_start3A_870 = tpu.memref_slice %arg6[%dma_start3A_868, %dma_start3A_869] : memref<1664x32xf32, #tpu.memory_space<vmem>> -> memref<128x32xf32, #tpu.memory_space<vmem>>
    %dma_start3A_871 = arith.constant 0 : i32
    %dma_start3A_872 = tpu.memref_slice %arg5[%dma_start3A_867, %dma_start3A_871] : memref<52x128xi32, #tpu.memory_space<vmem>> -> memref<1x128xi32, #tpu.memory_space<vmem>>
    %dma_start3A_873 = tpu.memref_squeeze %dma_start3A_872 : memref<1x128xi32, #tpu.memory_space<vmem>> -> memref<128xi32, #tpu.memory_space<vmem>>
    %dma_start3A_874 = arith.constant 0 : i32
    %dma_start3A_875 = arith.constant 0 : i32
    %dma_start3A_876 = tpu.memref_slice %arg3[%dma_start3A_874, %dma_start3A_875] : memref<1000000x32xf32, #tpu.memory_space<hbm>> -> memref<1000000x32xf32, #tpu.memory_space<hbm>>
    tpu.enqueue_indirect_dma source(%dma_start3A_876 : memref<1000000x32xf32, #tpu.memory_space<hbm>>) target(%dma_start3A_870 : memref<128x32xf32, #tpu.memory_space<vmem>>) offsets(%dma_start3A_873 : memref<128xi32, #tpu.memory_space<vmem>>) semaphore(%arg7 : memref<!tpu.dma_semaphore, #tpu.memory_space<semaphore_mem>>)
    %dma_start3A_877 = arith.constant 48 : i32
    %dma_start3A_878 = arith.constant 1152 : i32
    %dma_start3A_879 = arith.constant 0 : i32
    %dma_start3A_880 = tpu.memref_slice %arg6[%dma_start3A_878, %dma_start3A_879] : memref<1664x32xf32, #tpu.memory_space<vmem>> -> memref<128x32xf32, #tpu.memory_space<vmem>>
    %dma_start3A_881 = arith.constant 0 : i32
    %dma_start3A_882 = tpu.memref_slice %arg5[%dma_start3A_877, %dma_start3A_881] : memref<52x128xi32, #tpu.memory_space<vmem>> -> memref<1x128xi32, #tpu.memory_space<vmem>>
    %dma_start3A_883 = tpu.memref_squeeze %dma_start3A_882 : memref<1x128xi32, #tpu.memory_space<vmem>> -> memref<128xi32, #tpu.memory_space<vmem>>
    %dma_start3A_884 = arith.constant 0 : i32
    %dma_start3A_885 = arith.constant 0 : i32
    %dma_start3A_886 = tpu.memref_slice %arg3[%dma_start3A_884, %dma_start3A_885] : memref<1000000x32xf32, #tpu.memory_space<hbm>> -> memref<1000000x32xf32, #tpu.memory_space<hbm>>
    tpu.enqueue_indirect_dma source(%dma_start3A_886 : memref<1000000x32xf32, #tpu.memory_space<hbm>>) target(%dma_start3A_880 : memref<128x32xf32, #tpu.memory_space<vmem>>) offsets(%dma_start3A_883 : memref<128xi32, #tpu.memory_space<vmem>>) semaphore(%arg7 : memref<!tpu.dma_semaphore, #tpu.memory_space<semaphore_mem>>)
    %dma_start3A_887 = arith.constant 49 : i32
    %dma_start3A_888 = arith.constant 1280 : i32
    %dma_start3A_889 = arith.constant 0 : i32
    %dma_start3A_890 = tpu.memref_slice %arg6[%dma_start3A_888, %dma_start3A_889] : memref<1664x32xf32, #tpu.memory_space<vmem>> -> memref<128x32xf32, #tpu.memory_space<vmem>>
    %dma_start3A_891 = arith.constant 0 : i32
    %dma_start3A_892 = tpu.memref_slice %arg5[%dma_start3A_887, %dma_start3A_891] : memref<52x128xi32, #tpu.memory_space<vmem>> -> memref<1x128xi32, #tpu.memory_space<vmem>>
    %dma_start3A_893 = tpu.memref_squeeze %dma_start3A_892 : memref<1x128xi32, #tpu.memory_space<vmem>> -> memref<128xi32, #tpu.memory_space<vmem>>
    %dma_start3A_894 = arith.constant 0 : i32
    %dma_start3A_895 = arith.constant 0 : i32
    %dma_start3A_896 = tpu.memref_slice %arg3[%dma_start3A_894, %dma_start3A_895] : memref<1000000x32xf32, #tpu.memory_space<hbm>> -> memref<1000000x32xf32, #tpu.memory_space<hbm>>
    tpu.enqueue_indirect_dma source(%dma_start3A_896 : memref<1000000x32xf32, #tpu.memory_space<hbm>>) target(%dma_start3A_890 : memref<128x32xf32, #tpu.memory_space<vmem>>) offsets(%dma_start3A_893 : memref<128xi32, #tpu.memory_space<vmem>>) semaphore(%arg7 : memref<!tpu.dma_semaphore, #tpu.memory_space<semaphore_mem>>)
    %dma_start3A_897 = arith.constant 50 : i32
    %dma_start3A_898 = arith.constant 1408 : i32
    %dma_start3A_899 = arith.constant 0 : i32
    %dma_start3A_900 = tpu.memref_slice %arg6[%dma_start3A_898, %dma_start3A_899] : memref<1664x32xf32, #tpu.memory_space<vmem>> -> memref<128x32xf32, #tpu.memory_space<vmem>>
    %dma_start3A_901 = arith.constant 0 : i32
    %dma_start3A_902 = tpu.memref_slice %arg5[%dma_start3A_897, %dma_start3A_901] : memref<52x128xi32, #tpu.memory_space<vmem>> -> memref<1x128xi32, #tpu.memory_space<vmem>>
    %dma_start3A_903 = tpu.memref_squeeze %dma_start3A_902 : memref<1x128xi32, #tpu.memory_space<vmem>> -> memref<128xi32, #tpu.memory_space<vmem>>
    %dma_start3A_904 = arith.constant 0 : i32
    %dma_start3A_905 = arith.constant 0 : i32
    %dma_start3A_906 = tpu.memref_slice %arg3[%dma_start3A_904, %dma_start3A_905] : memref<1000000x32xf32, #tpu.memory_space<hbm>> -> memref<1000000x32xf32, #tpu.memory_space<hbm>>
    tpu.enqueue_indirect_dma source(%dma_start3A_906 : memref<1000000x32xf32, #tpu.memory_space<hbm>>) target(%dma_start3A_900 : memref<128x32xf32, #tpu.memory_space<vmem>>) offsets(%dma_start3A_903 : memref<128xi32, #tpu.memory_space<vmem>>) semaphore(%arg7 : memref<!tpu.dma_semaphore, #tpu.memory_space<semaphore_mem>>)
    %dma_start3A_907 = arith.constant 51 : i32
    %dma_start3A_908 = arith.constant 1536 : i32
    %dma_start3A_909 = arith.constant 0 : i32
    %dma_start3A_910 = tpu.memref_slice %arg6[%dma_start3A_908, %dma_start3A_909] : memref<1664x32xf32, #tpu.memory_space<vmem>> -> memref<128x32xf32, #tpu.memory_space<vmem>>
    %dma_start3A_911 = arith.constant 0 : i32
    %dma_start3A_912 = tpu.memref_slice %arg5[%dma_start3A_907, %dma_start3A_911] : memref<52x128xi32, #tpu.memory_space<vmem>> -> memref<1x128xi32, #tpu.memory_space<vmem>>
    %dma_start3A_913 = tpu.memref_squeeze %dma_start3A_912 : memref<1x128xi32, #tpu.memory_space<vmem>> -> memref<128xi32, #tpu.memory_space<vmem>>
    %dma_start3A_914 = arith.constant 0 : i32
    %dma_start3A_915 = arith.constant 0 : i32
    %dma_start3A_916 = tpu.memref_slice %arg3[%dma_start3A_914, %dma_start3A_915] : memref<1000000x32xf32, #tpu.memory_space<hbm>> -> memref<1000000x32xf32, #tpu.memory_space<hbm>>
    tpu.enqueue_indirect_dma source(%dma_start3A_916 : memref<1000000x32xf32, #tpu.memory_space<hbm>>) target(%dma_start3A_910 : memref<128x32xf32, #tpu.memory_space<vmem>>) offsets(%dma_start3A_913 : memref<128xi32, #tpu.memory_space<vmem>>) semaphore(%arg7 : memref<!tpu.dma_semaphore, #tpu.memory_space<semaphore_mem>>)
    %dma_wait3A_917 = arith.constant 39 : i32
    %dma_wait3A_918 = arith.constant 0 : i32
    %dma_wait3A_919 = arith.constant 0 : i32
    %dma_wait3A_920 = tpu.memref_slice %arg6[%dma_wait3A_918, %dma_wait3A_919] : memref<1664x32xf32, #tpu.memory_space<vmem>> -> memref<128x32xf32, #tpu.memory_space<vmem>>
    %dma_wait3A_921 = arith.constant 0 : i32
    %dma_wait3A_922 = tpu.memref_slice %arg5[%dma_wait3A_917, %dma_wait3A_921] : memref<52x128xi32, #tpu.memory_space<vmem>> -> memref<1x128xi32, #tpu.memory_space<vmem>>
    %dma_wait3A_923 = tpu.memref_squeeze %dma_wait3A_922 : memref<1x128xi32, #tpu.memory_space<vmem>> -> memref<128xi32, #tpu.memory_space<vmem>>
    %dma_wait3A_924 = arith.constant 0 : i32
    %dma_wait3A_925 = arith.constant 0 : i32
    %dma_wait3A_926 = tpu.memref_slice %arg3[%dma_wait3A_924, %dma_wait3A_925] : memref<1000000x32xf32, #tpu.memory_space<hbm>> -> memref<1000000x32xf32, #tpu.memory_space<hbm>>
    tpu.wait_indirect_dma semaphore(%arg7 : memref<!tpu.dma_semaphore, #tpu.memory_space<semaphore_mem>>) src(%dma_wait3A_926 : memref<1000000x32xf32, #tpu.memory_space<hbm>>) dst(%dma_wait3A_920 : memref<128x32xf32, #tpu.memory_space<vmem>>)
    %dma_wait3A_927 = arith.constant 40 : i32
    %dma_wait3A_928 = arith.constant 128 : i32
    %dma_wait3A_929 = arith.constant 0 : i32
    %dma_wait3A_930 = tpu.memref_slice %arg6[%dma_wait3A_928, %dma_wait3A_929] : memref<1664x32xf32, #tpu.memory_space<vmem>> -> memref<128x32xf32, #tpu.memory_space<vmem>>
    %dma_wait3A_931 = arith.constant 0 : i32
    %dma_wait3A_932 = tpu.memref_slice %arg5[%dma_wait3A_927, %dma_wait3A_931] : memref<52x128xi32, #tpu.memory_space<vmem>> -> memref<1x128xi32, #tpu.memory_space<vmem>>
    %dma_wait3A_933 = tpu.memref_squeeze %dma_wait3A_932 : memref<1x128xi32, #tpu.memory_space<vmem>> -> memref<128xi32, #tpu.memory_space<vmem>>
    %dma_wait3A_934 = arith.constant 0 : i32
    %dma_wait3A_935 = arith.constant 0 : i32
    %dma_wait3A_936 = tpu.memref_slice %arg3[%dma_wait3A_934, %dma_wait3A_935] : memref<1000000x32xf32, #tpu.memory_space<hbm>> -> memref<1000000x32xf32, #tpu.memory_space<hbm>>
    tpu.wait_indirect_dma semaphore(%arg7 : memref<!tpu.dma_semaphore, #tpu.memory_space<semaphore_mem>>) src(%dma_wait3A_936 : memref<1000000x32xf32, #tpu.memory_space<hbm>>) dst(%dma_wait3A_930 : memref<128x32xf32, #tpu.memory_space<vmem>>)
    %dma_wait3A_937 = arith.constant 41 : i32
    %dma_wait3A_938 = arith.constant 256 : i32
    %dma_wait3A_939 = arith.constant 0 : i32
    %dma_wait3A_940 = tpu.memref_slice %arg6[%dma_wait3A_938, %dma_wait3A_939] : memref<1664x32xf32, #tpu.memory_space<vmem>> -> memref<128x32xf32, #tpu.memory_space<vmem>>
    %dma_wait3A_941 = arith.constant 0 : i32
    %dma_wait3A_942 = tpu.memref_slice %arg5[%dma_wait3A_937, %dma_wait3A_941] : memref<52x128xi32, #tpu.memory_space<vmem>> -> memref<1x128xi32, #tpu.memory_space<vmem>>
    %dma_wait3A_943 = tpu.memref_squeeze %dma_wait3A_942 : memref<1x128xi32, #tpu.memory_space<vmem>> -> memref<128xi32, #tpu.memory_space<vmem>>
    %dma_wait3A_944 = arith.constant 0 : i32
    %dma_wait3A_945 = arith.constant 0 : i32
    %dma_wait3A_946 = tpu.memref_slice %arg3[%dma_wait3A_944, %dma_wait3A_945] : memref<1000000x32xf32, #tpu.memory_space<hbm>> -> memref<1000000x32xf32, #tpu.memory_space<hbm>>
    tpu.wait_indirect_dma semaphore(%arg7 : memref<!tpu.dma_semaphore, #tpu.memory_space<semaphore_mem>>) src(%dma_wait3A_946 : memref<1000000x32xf32, #tpu.memory_space<hbm>>) dst(%dma_wait3A_940 : memref<128x32xf32, #tpu.memory_space<vmem>>)
    %dma_wait3A_947 = arith.constant 42 : i32
    %dma_wait3A_948 = arith.constant 384 : i32
    %dma_wait3A_949 = arith.constant 0 : i32
    %dma_wait3A_950 = tpu.memref_slice %arg6[%dma_wait3A_948, %dma_wait3A_949] : memref<1664x32xf32, #tpu.memory_space<vmem>> -> memref<128x32xf32, #tpu.memory_space<vmem>>
    %dma_wait3A_951 = arith.constant 0 : i32
    %dma_wait3A_952 = tpu.memref_slice %arg5[%dma_wait3A_947, %dma_wait3A_951] : memref<52x128xi32, #tpu.memory_space<vmem>> -> memref<1x128xi32, #tpu.memory_space<vmem>>
    %dma_wait3A_953 = tpu.memref_squeeze %dma_wait3A_952 : memref<1x128xi32, #tpu.memory_space<vmem>> -> memref<128xi32, #tpu.memory_space<vmem>>
    %dma_wait3A_954 = arith.constant 0 : i32
    %dma_wait3A_955 = arith.constant 0 : i32
    %dma_wait3A_956 = tpu.memref_slice %arg3[%dma_wait3A_954, %dma_wait3A_955] : memref<1000000x32xf32, #tpu.memory_space<hbm>> -> memref<1000000x32xf32, #tpu.memory_space<hbm>>
    tpu.wait_indirect_dma semaphore(%arg7 : memref<!tpu.dma_semaphore, #tpu.memory_space<semaphore_mem>>) src(%dma_wait3A_956 : memref<1000000x32xf32, #tpu.memory_space<hbm>>) dst(%dma_wait3A_950 : memref<128x32xf32, #tpu.memory_space<vmem>>)
    %dma_wait3A_957 = arith.constant 43 : i32
    %dma_wait3A_958 = arith.constant 512 : i32
    %dma_wait3A_959 = arith.constant 0 : i32
    %dma_wait3A_960 = tpu.memref_slice %arg6[%dma_wait3A_958, %dma_wait3A_959] : memref<1664x32xf32, #tpu.memory_space<vmem>> -> memref<128x32xf32, #tpu.memory_space<vmem>>
    %dma_wait3A_961 = arith.constant 0 : i32
    %dma_wait3A_962 = tpu.memref_slice %arg5[%dma_wait3A_957, %dma_wait3A_961] : memref<52x128xi32, #tpu.memory_space<vmem>> -> memref<1x128xi32, #tpu.memory_space<vmem>>
    %dma_wait3A_963 = tpu.memref_squeeze %dma_wait3A_962 : memref<1x128xi32, #tpu.memory_space<vmem>> -> memref<128xi32, #tpu.memory_space<vmem>>
    %dma_wait3A_964 = arith.constant 0 : i32
    %dma_wait3A_965 = arith.constant 0 : i32
    %dma_wait3A_966 = tpu.memref_slice %arg3[%dma_wait3A_964, %dma_wait3A_965] : memref<1000000x32xf32, #tpu.memory_space<hbm>> -> memref<1000000x32xf32, #tpu.memory_space<hbm>>
    tpu.wait_indirect_dma semaphore(%arg7 : memref<!tpu.dma_semaphore, #tpu.memory_space<semaphore_mem>>) src(%dma_wait3A_966 : memref<1000000x32xf32, #tpu.memory_space<hbm>>) dst(%dma_wait3A_960 : memref<128x32xf32, #tpu.memory_space<vmem>>)
    %dma_wait3A_967 = arith.constant 44 : i32
    %dma_wait3A_968 = arith.constant 640 : i32
    %dma_wait3A_969 = arith.constant 0 : i32
    %dma_wait3A_970 = tpu.memref_slice %arg6[%dma_wait3A_968, %dma_wait3A_969] : memref<1664x32xf32, #tpu.memory_space<vmem>> -> memref<128x32xf32, #tpu.memory_space<vmem>>
    %dma_wait3A_971 = arith.constant 0 : i32
    %dma_wait3A_972 = tpu.memref_slice %arg5[%dma_wait3A_967, %dma_wait3A_971] : memref<52x128xi32, #tpu.memory_space<vmem>> -> memref<1x128xi32, #tpu.memory_space<vmem>>
    %dma_wait3A_973 = tpu.memref_squeeze %dma_wait3A_972 : memref<1x128xi32, #tpu.memory_space<vmem>> -> memref<128xi32, #tpu.memory_space<vmem>>
    %dma_wait3A_974 = arith.constant 0 : i32
    %dma_wait3A_975 = arith.constant 0 : i32
    %dma_wait3A_976 = tpu.memref_slice %arg3[%dma_wait3A_974, %dma_wait3A_975] : memref<1000000x32xf32, #tpu.memory_space<hbm>> -> memref<1000000x32xf32, #tpu.memory_space<hbm>>
    tpu.wait_indirect_dma semaphore(%arg7 : memref<!tpu.dma_semaphore, #tpu.memory_space<semaphore_mem>>) src(%dma_wait3A_976 : memref<1000000x32xf32, #tpu.memory_space<hbm>>) dst(%dma_wait3A_970 : memref<128x32xf32, #tpu.memory_space<vmem>>)
    %dma_wait3A_977 = arith.constant 45 : i32
    %dma_wait3A_978 = arith.constant 768 : i32
    %dma_wait3A_979 = arith.constant 0 : i32
    %dma_wait3A_980 = tpu.memref_slice %arg6[%dma_wait3A_978, %dma_wait3A_979] : memref<1664x32xf32, #tpu.memory_space<vmem>> -> memref<128x32xf32, #tpu.memory_space<vmem>>
    %dma_wait3A_981 = arith.constant 0 : i32
    %dma_wait3A_982 = tpu.memref_slice %arg5[%dma_wait3A_977, %dma_wait3A_981] : memref<52x128xi32, #tpu.memory_space<vmem>> -> memref<1x128xi32, #tpu.memory_space<vmem>>
    %dma_wait3A_983 = tpu.memref_squeeze %dma_wait3A_982 : memref<1x128xi32, #tpu.memory_space<vmem>> -> memref<128xi32, #tpu.memory_space<vmem>>
    %dma_wait3A_984 = arith.constant 0 : i32
    %dma_wait3A_985 = arith.constant 0 : i32
    %dma_wait3A_986 = tpu.memref_slice %arg3[%dma_wait3A_984, %dma_wait3A_985] : memref<1000000x32xf32, #tpu.memory_space<hbm>> -> memref<1000000x32xf32, #tpu.memory_space<hbm>>
    tpu.wait_indirect_dma semaphore(%arg7 : memref<!tpu.dma_semaphore, #tpu.memory_space<semaphore_mem>>) src(%dma_wait3A_986 : memref<1000000x32xf32, #tpu.memory_space<hbm>>) dst(%dma_wait3A_980 : memref<128x32xf32, #tpu.memory_space<vmem>>)
    %dma_wait3A_987 = arith.constant 46 : i32
    %dma_wait3A_988 = arith.constant 896 : i32
    %dma_wait3A_989 = arith.constant 0 : i32
    %dma_wait3A_990 = tpu.memref_slice %arg6[%dma_wait3A_988, %dma_wait3A_989] : memref<1664x32xf32, #tpu.memory_space<vmem>> -> memref<128x32xf32, #tpu.memory_space<vmem>>
    %dma_wait3A_991 = arith.constant 0 : i32
    %dma_wait3A_992 = tpu.memref_slice %arg5[%dma_wait3A_987, %dma_wait3A_991] : memref<52x128xi32, #tpu.memory_space<vmem>> -> memref<1x128xi32, #tpu.memory_space<vmem>>
    %dma_wait3A_993 = tpu.memref_squeeze %dma_wait3A_992 : memref<1x128xi32, #tpu.memory_space<vmem>> -> memref<128xi32, #tpu.memory_space<vmem>>
    %dma_wait3A_994 = arith.constant 0 : i32
    %dma_wait3A_995 = arith.constant 0 : i32
    %dma_wait3A_996 = tpu.memref_slice %arg3[%dma_wait3A_994, %dma_wait3A_995] : memref<1000000x32xf32, #tpu.memory_space<hbm>> -> memref<1000000x32xf32, #tpu.memory_space<hbm>>
    tpu.wait_indirect_dma semaphore(%arg7 : memref<!tpu.dma_semaphore, #tpu.memory_space<semaphore_mem>>) src(%dma_wait3A_996 : memref<1000000x32xf32, #tpu.memory_space<hbm>>) dst(%dma_wait3A_990 : memref<128x32xf32, #tpu.memory_space<vmem>>)
    %dma_wait3A_997 = arith.constant 47 : i32
    %dma_wait3A_998 = arith.constant 1024 : i32
    %dma_wait3A_999 = arith.constant 0 : i32
    %dma_wait3A_1000 = tpu.memref_slice %arg6[%dma_wait3A_998, %dma_wait3A_999] : memref<1664x32xf32, #tpu.memory_space<vmem>> -> memref<128x32xf32, #tpu.memory_space<vmem>>
    %dma_wait3A_1001 = arith.constant 0 : i32
    %dma_wait3A_1002 = tpu.memref_slice %arg5[%dma_wait3A_997, %dma_wait3A_1001] : memref<52x128xi32, #tpu.memory_space<vmem>> -> memref<1x128xi32, #tpu.memory_space<vmem>>
    %dma_wait3A_1003 = tpu.memref_squeeze %dma_wait3A_1002 : memref<1x128xi32, #tpu.memory_space<vmem>> -> memref<128xi32, #tpu.memory_space<vmem>>
    %dma_wait3A_1004 = arith.constant 0 : i32
    %dma_wait3A_1005 = arith.constant 0 : i32
    %dma_wait3A_1006 = tpu.memref_slice %arg3[%dma_wait3A_1004, %dma_wait3A_1005] : memref<1000000x32xf32, #tpu.memory_space<hbm>> -> memref<1000000x32xf32, #tpu.memory_space<hbm>>
    tpu.wait_indirect_dma semaphore(%arg7 : memref<!tpu.dma_semaphore, #tpu.memory_space<semaphore_mem>>) src(%dma_wait3A_1006 : memref<1000000x32xf32, #tpu.memory_space<hbm>>) dst(%dma_wait3A_1000 : memref<128x32xf32, #tpu.memory_space<vmem>>)
    %dma_wait3A_1007 = arith.constant 48 : i32
    %dma_wait3A_1008 = arith.constant 1152 : i32
    %dma_wait3A_1009 = arith.constant 0 : i32
    %dma_wait3A_1010 = tpu.memref_slice %arg6[%dma_wait3A_1008, %dma_wait3A_1009] : memref<1664x32xf32, #tpu.memory_space<vmem>> -> memref<128x32xf32, #tpu.memory_space<vmem>>
    %dma_wait3A_1011 = arith.constant 0 : i32
    %dma_wait3A_1012 = tpu.memref_slice %arg5[%dma_wait3A_1007, %dma_wait3A_1011] : memref<52x128xi32, #tpu.memory_space<vmem>> -> memref<1x128xi32, #tpu.memory_space<vmem>>
    %dma_wait3A_1013 = tpu.memref_squeeze %dma_wait3A_1012 : memref<1x128xi32, #tpu.memory_space<vmem>> -> memref<128xi32, #tpu.memory_space<vmem>>
    %dma_wait3A_1014 = arith.constant 0 : i32
    %dma_wait3A_1015 = arith.constant 0 : i32
    %dma_wait3A_1016 = tpu.memref_slice %arg3[%dma_wait3A_1014, %dma_wait3A_1015] : memref<1000000x32xf32, #tpu.memory_space<hbm>> -> memref<1000000x32xf32, #tpu.memory_space<hbm>>
    tpu.wait_indirect_dma semaphore(%arg7 : memref<!tpu.dma_semaphore, #tpu.memory_space<semaphore_mem>>) src(%dma_wait3A_1016 : memref<1000000x32xf32, #tpu.memory_space<hbm>>) dst(%dma_wait3A_1010 : memref<128x32xf32, #tpu.memory_space<vmem>>)
    %dma_wait3A_1017 = arith.constant 49 : i32
    %dma_wait3A_1018 = arith.constant 1280 : i32
    %dma_wait3A_1019 = arith.constant 0 : i32
    %dma_wait3A_1020 = tpu.memref_slice %arg6[%dma_wait3A_1018, %dma_wait3A_1019] : memref<1664x32xf32, #tpu.memory_space<vmem>> -> memref<128x32xf32, #tpu.memory_space<vmem>>
    %dma_wait3A_1021 = arith.constant 0 : i32
    %dma_wait3A_1022 = tpu.memref_slice %arg5[%dma_wait3A_1017, %dma_wait3A_1021] : memref<52x128xi32, #tpu.memory_space<vmem>> -> memref<1x128xi32, #tpu.memory_space<vmem>>
    %dma_wait3A_1023 = tpu.memref_squeeze %dma_wait3A_1022 : memref<1x128xi32, #tpu.memory_space<vmem>> -> memref<128xi32, #tpu.memory_space<vmem>>
    %dma_wait3A_1024 = arith.constant 0 : i32
    %dma_wait3A_1025 = arith.constant 0 : i32
    %dma_wait3A_1026 = tpu.memref_slice %arg3[%dma_wait3A_1024, %dma_wait3A_1025] : memref<1000000x32xf32, #tpu.memory_space<hbm>> -> memref<1000000x32xf32, #tpu.memory_space<hbm>>
    tpu.wait_indirect_dma semaphore(%arg7 : memref<!tpu.dma_semaphore, #tpu.memory_space<semaphore_mem>>) src(%dma_wait3A_1026 : memref<1000000x32xf32, #tpu.memory_space<hbm>>) dst(%dma_wait3A_1020 : memref<128x32xf32, #tpu.memory_space<vmem>>)
    %dma_wait3A_1027 = arith.constant 50 : i32
    %dma_wait3A_1028 = arith.constant 1408 : i32
    %dma_wait3A_1029 = arith.constant 0 : i32
    %dma_wait3A_1030 = tpu.memref_slice %arg6[%dma_wait3A_1028, %dma_wait3A_1029] : memref<1664x32xf32, #tpu.memory_space<vmem>> -> memref<128x32xf32, #tpu.memory_space<vmem>>
    %dma_wait3A_1031 = arith.constant 0 : i32
    %dma_wait3A_1032 = tpu.memref_slice %arg5[%dma_wait3A_1027, %dma_wait3A_1031] : memref<52x128xi32, #tpu.memory_space<vmem>> -> memref<1x128xi32, #tpu.memory_space<vmem>>
    %dma_wait3A_1033 = tpu.memref_squeeze %dma_wait3A_1032 : memref<1x128xi32, #tpu.memory_space<vmem>> -> memref<128xi32, #tpu.memory_space<vmem>>
    %dma_wait3A_1034 = arith.constant 0 : i32
    %dma_wait3A_1035 = arith.constant 0 : i32
    %dma_wait3A_1036 = tpu.memref_slice %arg3[%dma_wait3A_1034, %dma_wait3A_1035] : memref<1000000x32xf32, #tpu.memory_space<hbm>> -> memref<1000000x32xf32, #tpu.memory_space<hbm>>
    tpu.wait_indirect_dma semaphore(%arg7 : memref<!tpu.dma_semaphore, #tpu.memory_space<semaphore_mem>>) src(%dma_wait3A_1036 : memref<1000000x32xf32, #tpu.memory_space<hbm>>) dst(%dma_wait3A_1030 : memref<128x32xf32, #tpu.memory_space<vmem>>)
    %dma_wait3A_1037 = arith.constant 51 : i32
    %dma_wait3A_1038 = arith.constant 1536 : i32
    %dma_wait3A_1039 = arith.constant 0 : i32
    %dma_wait3A_1040 = tpu.memref_slice %arg6[%dma_wait3A_1038, %dma_wait3A_1039] : memref<1664x32xf32, #tpu.memory_space<vmem>> -> memref<128x32xf32, #tpu.memory_space<vmem>>
    %dma_wait3A_1041 = arith.constant 0 : i32
    %dma_wait3A_1042 = tpu.memref_slice %arg5[%dma_wait3A_1037, %dma_wait3A_1041] : memref<52x128xi32, #tpu.memory_space<vmem>> -> memref<1x128xi32, #tpu.memory_space<vmem>>
    %dma_wait3A_1043 = tpu.memref_squeeze %dma_wait3A_1042 : memref<1x128xi32, #tpu.memory_space<vmem>> -> memref<128xi32, #tpu.memory_space<vmem>>
    %dma_wait3A_1044 = arith.constant 0 : i32
    %dma_wait3A_1045 = arith.constant 0 : i32
    %dma_wait3A_1046 = tpu.memref_slice %arg3[%dma_wait3A_1044, %dma_wait3A_1045] : memref<1000000x32xf32, #tpu.memory_space<hbm>> -> memref<1000000x32xf32, #tpu.memory_space<hbm>>
    tpu.wait_indirect_dma semaphore(%arg7 : memref<!tpu.dma_semaphore, #tpu.memory_space<semaphore_mem>>) src(%dma_wait3A_1046 : memref<1000000x32xf32, #tpu.memory_space<hbm>>) dst(%dma_wait3A_1040 : memref<128x32xf32, #tpu.memory_space<vmem>>)
    %add3A_1047 = arith.constant 4992 : i32
    %add3A_1048 = arith.addi %mul3A_2, %add3A_1047 : i32
    "tpu.region"() ({
      %run_scoped3A = tpu.sem_alloc : memref<!tpu.dma_semaphore, #tpu.memory_space<semaphore_mem>>
      %dma_start3A_1049 = arith.constant 0 : i32
      %dma_start3A_1050 = tpu.memref_slice %arg4[%add3A_1048, %dma_start3A_1049] : memref<212992x32xf32, #tpu.memory_space<hbm>> -> memref<1664x32xf32, #tpu.memory_space<hbm>>
      %dma_start3A_1051 = arith.constant 0 : i32
      %dma_start3A_1052 = tpu.memref_slice %arg4[%add3A_1048, %dma_start3A_1051] : memref<212992x32xf32, #tpu.memory_space<hbm>> -> memref<1664x32xf32, #tpu.memory_space<hbm>>
      tpu.enqueue_dma source(%arg6 : memref<1664x32xf32, #tpu.memory_space<vmem>>) target(%dma_start3A_1052 : memref<1664x32xf32, #tpu.memory_space<hbm>>) target_semaphore(%run_scoped3A : memref<!tpu.dma_semaphore, #tpu.memory_space<semaphore_mem>>)
      %dma_wait3A_1053 = arith.constant 0 : i32
      %dma_wait3A_1054 = tpu.memref_slice %arg4[%add3A_1048, %dma_wait3A_1053] : memref<212992x32xf32, #tpu.memory_space<hbm>> -> memref<1664x32xf32, #tpu.memory_space<hbm>>
      %dma_wait3A_1055 = arith.constant 0 : i32
      %dma_wait3A_1056 = tpu.memref_slice %arg4[%add3A_1048, %dma_wait3A_1055] : memref<212992x32xf32, #tpu.memory_space<hbm>> -> memref<1664x32xf32, #tpu.memory_space<hbm>>
      tpu.wait_dma2 semaphore(%run_scoped3A : memref<!tpu.dma_semaphore, #tpu.memory_space<semaphore_mem>>) src(%arg6 : memref<1664x32xf32, #tpu.memory_space<vmem>>) dst(%dma_wait3A_1056 : memref<1664x32xf32, #tpu.memory_space<hbm>>)
      tpu.yield
    }) : () -> ()
    return
  }
}

module attributes {stable_mosaic.version = 14 : i64} {
  func.func @body(%arg0: i32, %arg1: memref<64x13x8x128xf32, #tpu.memory_space<vmem>>, %arg2: memref<13x128x32xf32, #tpu.memory_space<vmem>>, %arg3: memref<1x32xf32, #tpu.memory_space<vmem>>, %arg4: memref<32x1xf32, #tpu.memory_space<vmem>>, %arg5: memref<1x1xf32, #tpu.memory_space<vmem>>, %arg6: memref<512x1xf32, #tpu.memory_space<vmem>>) attributes {dimension_semantics = [#tpu.dimension_semantics<arbitrary>], iteration_bounds = array<i64: 8>, scalar_prefetch = 0 : i64, scratch_operands = 0 : i64, tpu.core_type = #tpu.core_type<tc>, window_params = [{transform_indices = @transform_0, window_bounds = array<i64: 64, 13, 8, 128>}, {pipeline_mode = #tpu.pipeline_mode<synchronous>, transform_indices = @transform_1, window_bounds = array<i64: 13, 128, 32>}, {pipeline_mode = #tpu.pipeline_mode<synchronous>, transform_indices = @transform_2, window_bounds = array<i64: 1, 32>}, {pipeline_mode = #tpu.pipeline_mode<synchronous>, transform_indices = @transform_3, window_bounds = array<i64: 32, 1>}, {pipeline_mode = #tpu.pipeline_mode<synchronous>, transform_indices = @transform_4, window_bounds = array<i64: 1, 1>}, {transform_indices = @transform_5, window_bounds = array<i64: 512, 1>}]} {
    %get3A = arith.constant 0 : index
    %get3A_0 = arith.constant 0 : index
    %get3A_1 = arith.constant 0 : index
    %get3A_2 = arith.constant 0 : index
    %get3A_3 = vector.load %arg1[%get3A, %get3A_0, %get3A_1, %get3A_2] : memref<64x13x8x128xf32, #tpu.memory_space<vmem>>, vector<64x1x8x128xf32>
    %get3A_4 = vector.shape_cast %get3A_3 : vector<64x1x8x128xf32> to vector<64x8x128xf32>
    %reshape3A = vector.shape_cast %get3A_4 : vector<64x8x128xf32> to vector<512x128xf32>
    %get3A_5 = arith.constant 0 : index
    %get3A_6 = arith.constant 0 : index
    %get3A_7 = arith.constant 0 : index
    %get3A_8 = vector.load %arg2[%get3A_5, %get3A_6, %get3A_7] : memref<13x128x32xf32, #tpu.memory_space<vmem>>, vector<1x128x32xf32>
    %get3A_9 = vector.shape_cast %get3A_8 : vector<1x128x32xf32> to vector<128x32xf32>
    %dot_general3A = arith.constant dense<0.000000e+00> : vector<512x32xf32>
    %dot_general3A_10 = tpu.matmul %reshape3A, %get3A_9, %dot_general3A {dimension_numbers = #tpu.dot_dimension_numbers<[1], [0], [0], [1], [0, 0, 1, 1], [], []>, transpose_lhs_hint = false} : vector<512x128xf32>, vector<128x32xf32>, vector<512x32xf32> -> vector<512x32xf32>
    %get3A_11 = arith.constant 0 : index
    %get3A_12 = arith.constant 1 : index
    %get3A_13 = arith.constant 0 : index
    %get3A_14 = arith.constant 0 : index
    %get3A_15 = vector.load %arg1[%get3A_11, %get3A_12, %get3A_13, %get3A_14] : memref<64x13x8x128xf32, #tpu.memory_space<vmem>>, vector<64x1x8x128xf32>
    %get3A_16 = vector.shape_cast %get3A_15 : vector<64x1x8x128xf32> to vector<64x8x128xf32>
    %reshape3A_17 = vector.shape_cast %get3A_16 : vector<64x8x128xf32> to vector<512x128xf32>
    %get3A_18 = arith.constant 1 : index
    %get3A_19 = arith.constant 0 : index
    %get3A_20 = arith.constant 0 : index
    %get3A_21 = vector.load %arg2[%get3A_18, %get3A_19, %get3A_20] : memref<13x128x32xf32, #tpu.memory_space<vmem>>, vector<1x128x32xf32>
    %get3A_22 = vector.shape_cast %get3A_21 : vector<1x128x32xf32> to vector<128x32xf32>
    %dot_general3A_23 = arith.constant dense<0.000000e+00> : vector<512x32xf32>
    %dot_general3A_24 = tpu.matmul %reshape3A_17, %get3A_22, %dot_general3A_23 {dimension_numbers = #tpu.dot_dimension_numbers<[1], [0], [0], [1], [0, 0, 1, 1], [], []>, transpose_lhs_hint = false} : vector<512x128xf32>, vector<128x32xf32>, vector<512x32xf32> -> vector<512x32xf32>
    %add3A = arith.addf %dot_general3A_10, %dot_general3A_24 : vector<512x32xf32>
    %get3A_25 = arith.constant 0 : index
    %get3A_26 = arith.constant 2 : index
    %get3A_27 = arith.constant 0 : index
    %get3A_28 = arith.constant 0 : index
    %get3A_29 = vector.load %arg1[%get3A_25, %get3A_26, %get3A_27, %get3A_28] : memref<64x13x8x128xf32, #tpu.memory_space<vmem>>, vector<64x1x8x128xf32>
    %get3A_30 = vector.shape_cast %get3A_29 : vector<64x1x8x128xf32> to vector<64x8x128xf32>
    %reshape3A_31 = vector.shape_cast %get3A_30 : vector<64x8x128xf32> to vector<512x128xf32>
    %get3A_32 = arith.constant 2 : index
    %get3A_33 = arith.constant 0 : index
    %get3A_34 = arith.constant 0 : index
    %get3A_35 = vector.load %arg2[%get3A_32, %get3A_33, %get3A_34] : memref<13x128x32xf32, #tpu.memory_space<vmem>>, vector<1x128x32xf32>
    %get3A_36 = vector.shape_cast %get3A_35 : vector<1x128x32xf32> to vector<128x32xf32>
    %dot_general3A_37 = arith.constant dense<0.000000e+00> : vector<512x32xf32>
    %dot_general3A_38 = tpu.matmul %reshape3A_31, %get3A_36, %dot_general3A_37 {dimension_numbers = #tpu.dot_dimension_numbers<[1], [0], [0], [1], [0, 0, 1, 1], [], []>, transpose_lhs_hint = false} : vector<512x128xf32>, vector<128x32xf32>, vector<512x32xf32> -> vector<512x32xf32>
    %add3A_39 = arith.addf %add3A, %dot_general3A_38 : vector<512x32xf32>
    %get3A_40 = arith.constant 0 : index
    %get3A_41 = arith.constant 3 : index
    %get3A_42 = arith.constant 0 : index
    %get3A_43 = arith.constant 0 : index
    %get3A_44 = vector.load %arg1[%get3A_40, %get3A_41, %get3A_42, %get3A_43] : memref<64x13x8x128xf32, #tpu.memory_space<vmem>>, vector<64x1x8x128xf32>
    %get3A_45 = vector.shape_cast %get3A_44 : vector<64x1x8x128xf32> to vector<64x8x128xf32>
    %reshape3A_46 = vector.shape_cast %get3A_45 : vector<64x8x128xf32> to vector<512x128xf32>
    %get3A_47 = arith.constant 3 : index
    %get3A_48 = arith.constant 0 : index
    %get3A_49 = arith.constant 0 : index
    %get3A_50 = vector.load %arg2[%get3A_47, %get3A_48, %get3A_49] : memref<13x128x32xf32, #tpu.memory_space<vmem>>, vector<1x128x32xf32>
    %get3A_51 = vector.shape_cast %get3A_50 : vector<1x128x32xf32> to vector<128x32xf32>
    %dot_general3A_52 = arith.constant dense<0.000000e+00> : vector<512x32xf32>
    %dot_general3A_53 = tpu.matmul %reshape3A_46, %get3A_51, %dot_general3A_52 {dimension_numbers = #tpu.dot_dimension_numbers<[1], [0], [0], [1], [0, 0, 1, 1], [], []>, transpose_lhs_hint = false} : vector<512x128xf32>, vector<128x32xf32>, vector<512x32xf32> -> vector<512x32xf32>
    %add3A_54 = arith.addf %add3A_39, %dot_general3A_53 : vector<512x32xf32>
    %get3A_55 = arith.constant 0 : index
    %get3A_56 = arith.constant 4 : index
    %get3A_57 = arith.constant 0 : index
    %get3A_58 = arith.constant 0 : index
    %get3A_59 = vector.load %arg1[%get3A_55, %get3A_56, %get3A_57, %get3A_58] : memref<64x13x8x128xf32, #tpu.memory_space<vmem>>, vector<64x1x8x128xf32>
    %get3A_60 = vector.shape_cast %get3A_59 : vector<64x1x8x128xf32> to vector<64x8x128xf32>
    %reshape3A_61 = vector.shape_cast %get3A_60 : vector<64x8x128xf32> to vector<512x128xf32>
    %get3A_62 = arith.constant 4 : index
    %get3A_63 = arith.constant 0 : index
    %get3A_64 = arith.constant 0 : index
    %get3A_65 = vector.load %arg2[%get3A_62, %get3A_63, %get3A_64] : memref<13x128x32xf32, #tpu.memory_space<vmem>>, vector<1x128x32xf32>
    %get3A_66 = vector.shape_cast %get3A_65 : vector<1x128x32xf32> to vector<128x32xf32>
    %dot_general3A_67 = arith.constant dense<0.000000e+00> : vector<512x32xf32>
    %dot_general3A_68 = tpu.matmul %reshape3A_61, %get3A_66, %dot_general3A_67 {dimension_numbers = #tpu.dot_dimension_numbers<[1], [0], [0], [1], [0, 0, 1, 1], [], []>, transpose_lhs_hint = false} : vector<512x128xf32>, vector<128x32xf32>, vector<512x32xf32> -> vector<512x32xf32>
    %add3A_69 = arith.addf %add3A_54, %dot_general3A_68 : vector<512x32xf32>
    %get3A_70 = arith.constant 0 : index
    %get3A_71 = arith.constant 5 : index
    %get3A_72 = arith.constant 0 : index
    %get3A_73 = arith.constant 0 : index
    %get3A_74 = vector.load %arg1[%get3A_70, %get3A_71, %get3A_72, %get3A_73] : memref<64x13x8x128xf32, #tpu.memory_space<vmem>>, vector<64x1x8x128xf32>
    %get3A_75 = vector.shape_cast %get3A_74 : vector<64x1x8x128xf32> to vector<64x8x128xf32>
    %reshape3A_76 = vector.shape_cast %get3A_75 : vector<64x8x128xf32> to vector<512x128xf32>
    %get3A_77 = arith.constant 5 : index
    %get3A_78 = arith.constant 0 : index
    %get3A_79 = arith.constant 0 : index
    %get3A_80 = vector.load %arg2[%get3A_77, %get3A_78, %get3A_79] : memref<13x128x32xf32, #tpu.memory_space<vmem>>, vector<1x128x32xf32>
    %get3A_81 = vector.shape_cast %get3A_80 : vector<1x128x32xf32> to vector<128x32xf32>
    %dot_general3A_82 = arith.constant dense<0.000000e+00> : vector<512x32xf32>
    %dot_general3A_83 = tpu.matmul %reshape3A_76, %get3A_81, %dot_general3A_82 {dimension_numbers = #tpu.dot_dimension_numbers<[1], [0], [0], [1], [0, 0, 1, 1], [], []>, transpose_lhs_hint = false} : vector<512x128xf32>, vector<128x32xf32>, vector<512x32xf32> -> vector<512x32xf32>
    %add3A_84 = arith.addf %add3A_69, %dot_general3A_83 : vector<512x32xf32>
    %get3A_85 = arith.constant 0 : index
    %get3A_86 = arith.constant 6 : index
    %get3A_87 = arith.constant 0 : index
    %get3A_88 = arith.constant 0 : index
    %get3A_89 = vector.load %arg1[%get3A_85, %get3A_86, %get3A_87, %get3A_88] : memref<64x13x8x128xf32, #tpu.memory_space<vmem>>, vector<64x1x8x128xf32>
    %get3A_90 = vector.shape_cast %get3A_89 : vector<64x1x8x128xf32> to vector<64x8x128xf32>
    %reshape3A_91 = vector.shape_cast %get3A_90 : vector<64x8x128xf32> to vector<512x128xf32>
    %get3A_92 = arith.constant 6 : index
    %get3A_93 = arith.constant 0 : index
    %get3A_94 = arith.constant 0 : index
    %get3A_95 = vector.load %arg2[%get3A_92, %get3A_93, %get3A_94] : memref<13x128x32xf32, #tpu.memory_space<vmem>>, vector<1x128x32xf32>
    %get3A_96 = vector.shape_cast %get3A_95 : vector<1x128x32xf32> to vector<128x32xf32>
    %dot_general3A_97 = arith.constant dense<0.000000e+00> : vector<512x32xf32>
    %dot_general3A_98 = tpu.matmul %reshape3A_91, %get3A_96, %dot_general3A_97 {dimension_numbers = #tpu.dot_dimension_numbers<[1], [0], [0], [1], [0, 0, 1, 1], [], []>, transpose_lhs_hint = false} : vector<512x128xf32>, vector<128x32xf32>, vector<512x32xf32> -> vector<512x32xf32>
    %add3A_99 = arith.addf %add3A_84, %dot_general3A_98 : vector<512x32xf32>
    %get3A_100 = arith.constant 0 : index
    %get3A_101 = arith.constant 7 : index
    %get3A_102 = arith.constant 0 : index
    %get3A_103 = arith.constant 0 : index
    %get3A_104 = vector.load %arg1[%get3A_100, %get3A_101, %get3A_102, %get3A_103] : memref<64x13x8x128xf32, #tpu.memory_space<vmem>>, vector<64x1x8x128xf32>
    %get3A_105 = vector.shape_cast %get3A_104 : vector<64x1x8x128xf32> to vector<64x8x128xf32>
    %reshape3A_106 = vector.shape_cast %get3A_105 : vector<64x8x128xf32> to vector<512x128xf32>
    %get3A_107 = arith.constant 7 : index
    %get3A_108 = arith.constant 0 : index
    %get3A_109 = arith.constant 0 : index
    %get3A_110 = vector.load %arg2[%get3A_107, %get3A_108, %get3A_109] : memref<13x128x32xf32, #tpu.memory_space<vmem>>, vector<1x128x32xf32>
    %get3A_111 = vector.shape_cast %get3A_110 : vector<1x128x32xf32> to vector<128x32xf32>
    %dot_general3A_112 = arith.constant dense<0.000000e+00> : vector<512x32xf32>
    %dot_general3A_113 = tpu.matmul %reshape3A_106, %get3A_111, %dot_general3A_112 {dimension_numbers = #tpu.dot_dimension_numbers<[1], [0], [0], [1], [0, 0, 1, 1], [], []>, transpose_lhs_hint = false} : vector<512x128xf32>, vector<128x32xf32>, vector<512x32xf32> -> vector<512x32xf32>
    %add3A_114 = arith.addf %add3A_99, %dot_general3A_113 : vector<512x32xf32>
    %get3A_115 = arith.constant 0 : index
    %get3A_116 = arith.constant 8 : index
    %get3A_117 = arith.constant 0 : index
    %get3A_118 = arith.constant 0 : index
    %get3A_119 = vector.load %arg1[%get3A_115, %get3A_116, %get3A_117, %get3A_118] : memref<64x13x8x128xf32, #tpu.memory_space<vmem>>, vector<64x1x8x128xf32>
    %get3A_120 = vector.shape_cast %get3A_119 : vector<64x1x8x128xf32> to vector<64x8x128xf32>
    %reshape3A_121 = vector.shape_cast %get3A_120 : vector<64x8x128xf32> to vector<512x128xf32>
    %get3A_122 = arith.constant 8 : index
    %get3A_123 = arith.constant 0 : index
    %get3A_124 = arith.constant 0 : index
    %get3A_125 = vector.load %arg2[%get3A_122, %get3A_123, %get3A_124] : memref<13x128x32xf32, #tpu.memory_space<vmem>>, vector<1x128x32xf32>
    %get3A_126 = vector.shape_cast %get3A_125 : vector<1x128x32xf32> to vector<128x32xf32>
    %dot_general3A_127 = arith.constant dense<0.000000e+00> : vector<512x32xf32>
    %dot_general3A_128 = tpu.matmul %reshape3A_121, %get3A_126, %dot_general3A_127 {dimension_numbers = #tpu.dot_dimension_numbers<[1], [0], [0], [1], [0, 0, 1, 1], [], []>, transpose_lhs_hint = false} : vector<512x128xf32>, vector<128x32xf32>, vector<512x32xf32> -> vector<512x32xf32>
    %add3A_129 = arith.addf %add3A_114, %dot_general3A_128 : vector<512x32xf32>
    %get3A_130 = arith.constant 0 : index
    %get3A_131 = arith.constant 9 : index
    %get3A_132 = arith.constant 0 : index
    %get3A_133 = arith.constant 0 : index
    %get3A_134 = vector.load %arg1[%get3A_130, %get3A_131, %get3A_132, %get3A_133] : memref<64x13x8x128xf32, #tpu.memory_space<vmem>>, vector<64x1x8x128xf32>
    %get3A_135 = vector.shape_cast %get3A_134 : vector<64x1x8x128xf32> to vector<64x8x128xf32>
    %reshape3A_136 = vector.shape_cast %get3A_135 : vector<64x8x128xf32> to vector<512x128xf32>
    %get3A_137 = arith.constant 9 : index
    %get3A_138 = arith.constant 0 : index
    %get3A_139 = arith.constant 0 : index
    %get3A_140 = vector.load %arg2[%get3A_137, %get3A_138, %get3A_139] : memref<13x128x32xf32, #tpu.memory_space<vmem>>, vector<1x128x32xf32>
    %get3A_141 = vector.shape_cast %get3A_140 : vector<1x128x32xf32> to vector<128x32xf32>
    %dot_general3A_142 = arith.constant dense<0.000000e+00> : vector<512x32xf32>
    %dot_general3A_143 = tpu.matmul %reshape3A_136, %get3A_141, %dot_general3A_142 {dimension_numbers = #tpu.dot_dimension_numbers<[1], [0], [0], [1], [0, 0, 1, 1], [], []>, transpose_lhs_hint = false} : vector<512x128xf32>, vector<128x32xf32>, vector<512x32xf32> -> vector<512x32xf32>
    %add3A_144 = arith.addf %add3A_129, %dot_general3A_143 : vector<512x32xf32>
    %get3A_145 = arith.constant 0 : index
    %get3A_146 = arith.constant 10 : index
    %get3A_147 = arith.constant 0 : index
    %get3A_148 = arith.constant 0 : index
    %get3A_149 = vector.load %arg1[%get3A_145, %get3A_146, %get3A_147, %get3A_148] : memref<64x13x8x128xf32, #tpu.memory_space<vmem>>, vector<64x1x8x128xf32>
    %get3A_150 = vector.shape_cast %get3A_149 : vector<64x1x8x128xf32> to vector<64x8x128xf32>
    %reshape3A_151 = vector.shape_cast %get3A_150 : vector<64x8x128xf32> to vector<512x128xf32>
    %get3A_152 = arith.constant 10 : index
    %get3A_153 = arith.constant 0 : index
    %get3A_154 = arith.constant 0 : index
    %get3A_155 = vector.load %arg2[%get3A_152, %get3A_153, %get3A_154] : memref<13x128x32xf32, #tpu.memory_space<vmem>>, vector<1x128x32xf32>
    %get3A_156 = vector.shape_cast %get3A_155 : vector<1x128x32xf32> to vector<128x32xf32>
    %dot_general3A_157 = arith.constant dense<0.000000e+00> : vector<512x32xf32>
    %dot_general3A_158 = tpu.matmul %reshape3A_151, %get3A_156, %dot_general3A_157 {dimension_numbers = #tpu.dot_dimension_numbers<[1], [0], [0], [1], [0, 0, 1, 1], [], []>, transpose_lhs_hint = false} : vector<512x128xf32>, vector<128x32xf32>, vector<512x32xf32> -> vector<512x32xf32>
    %add3A_159 = arith.addf %add3A_144, %dot_general3A_158 : vector<512x32xf32>
    %get3A_160 = arith.constant 0 : index
    %get3A_161 = arith.constant 11 : index
    %get3A_162 = arith.constant 0 : index
    %get3A_163 = arith.constant 0 : index
    %get3A_164 = vector.load %arg1[%get3A_160, %get3A_161, %get3A_162, %get3A_163] : memref<64x13x8x128xf32, #tpu.memory_space<vmem>>, vector<64x1x8x128xf32>
    %get3A_165 = vector.shape_cast %get3A_164 : vector<64x1x8x128xf32> to vector<64x8x128xf32>
    %reshape3A_166 = vector.shape_cast %get3A_165 : vector<64x8x128xf32> to vector<512x128xf32>
    %get3A_167 = arith.constant 11 : index
    %get3A_168 = arith.constant 0 : index
    %get3A_169 = arith.constant 0 : index
    %get3A_170 = vector.load %arg2[%get3A_167, %get3A_168, %get3A_169] : memref<13x128x32xf32, #tpu.memory_space<vmem>>, vector<1x128x32xf32>
    %get3A_171 = vector.shape_cast %get3A_170 : vector<1x128x32xf32> to vector<128x32xf32>
    %dot_general3A_172 = arith.constant dense<0.000000e+00> : vector<512x32xf32>
    %dot_general3A_173 = tpu.matmul %reshape3A_166, %get3A_171, %dot_general3A_172 {dimension_numbers = #tpu.dot_dimension_numbers<[1], [0], [0], [1], [0, 0, 1, 1], [], []>, transpose_lhs_hint = false} : vector<512x128xf32>, vector<128x32xf32>, vector<512x32xf32> -> vector<512x32xf32>
    %add3A_174 = arith.addf %add3A_159, %dot_general3A_173 : vector<512x32xf32>
    %get3A_175 = arith.constant 0 : index
    %get3A_176 = arith.constant 12 : index
    %get3A_177 = arith.constant 0 : index
    %get3A_178 = arith.constant 0 : index
    %get3A_179 = vector.load %arg1[%get3A_175, %get3A_176, %get3A_177, %get3A_178] : memref<64x13x8x128xf32, #tpu.memory_space<vmem>>, vector<64x1x8x128xf32>
    %get3A_180 = vector.shape_cast %get3A_179 : vector<64x1x8x128xf32> to vector<64x8x128xf32>
    %reshape3A_181 = vector.shape_cast %get3A_180 : vector<64x8x128xf32> to vector<512x128xf32>
    %get3A_182 = arith.constant 12 : index
    %get3A_183 = arith.constant 0 : index
    %get3A_184 = arith.constant 0 : index
    %get3A_185 = vector.load %arg2[%get3A_182, %get3A_183, %get3A_184] : memref<13x128x32xf32, #tpu.memory_space<vmem>>, vector<1x128x32xf32>
    %get3A_186 = vector.shape_cast %get3A_185 : vector<1x128x32xf32> to vector<128x32xf32>
    %dot_general3A_187 = arith.constant dense<0.000000e+00> : vector<512x32xf32>
    %dot_general3A_188 = tpu.matmul %reshape3A_181, %get3A_186, %dot_general3A_187 {dimension_numbers = #tpu.dot_dimension_numbers<[1], [0], [0], [1], [0, 0, 1, 1], [], []>, transpose_lhs_hint = false} : vector<512x128xf32>, vector<128x32xf32>, vector<512x32xf32> -> vector<512x32xf32>
    %add3A_189 = arith.addf %add3A_174, %dot_general3A_188 : vector<512x32xf32>
    %get3A_190 = arith.constant 0 : index
    %get3A_191 = arith.constant 0 : index
    %get3A_192 = vector.load %arg3[%get3A_190, %get3A_191] : memref<1x32xf32, #tpu.memory_space<vmem>>, vector<1x32xf32>
    %add3A_193 = vector.broadcast %get3A_192 : vector<1x32xf32> to vector<512x32xf32>
    %add3A_194 = arith.addf %add3A_189, %add3A_193 : vector<512x32xf32>
    %max3A = arith.constant 0.000000e+00 : f32
    %max3A_195 = vector.broadcast %max3A : f32 to vector<512x32xf32>
    %max3A_196 = arith.maximumf %add3A_194, %max3A_195 : vector<512x32xf32>
    %get3A_197 = arith.constant 0 : index
    %get3A_198 = arith.constant 0 : index
    %get3A_199 = vector.load %arg4[%get3A_197, %get3A_198] : memref<32x1xf32, #tpu.memory_space<vmem>>, vector<32x1xf32>
    %dot_general3A_200 = arith.constant dense<0.000000e+00> : vector<512x1xf32>
    %dot_general3A_201 = tpu.matmul %max3A_196, %get3A_199, %dot_general3A_200 {dimension_numbers = #tpu.dot_dimension_numbers<[1], [0], [0], [1], [0, 0, 1, 1], [], []>, transpose_lhs_hint = false} : vector<512x32xf32>, vector<32x1xf32>, vector<512x1xf32> -> vector<512x1xf32>
    %get3A_202 = arith.constant 0 : index
    %get3A_203 = arith.constant 0 : index
    %get3A_204 = vector.load %arg5[%get3A_202, %get3A_203] : memref<1x1xf32, #tpu.memory_space<vmem>>, vector<1x1xf32>
    %add3A_205 = vector.broadcast %get3A_204 : vector<1x1xf32> to vector<512x1xf32>
    %add3A_206 = arith.addf %dot_general3A_201, %add3A_205 : vector<512x1xf32>
    %max3A_207 = arith.constant 0.000000e+00 : f32
    %max3A_208 = vector.broadcast %max3A_207 : f32 to vector<512x1xf32>
    %max3A_209 = arith.maximumf %add3A_206, %max3A_208 : vector<512x1xf32>
    %swap3A = arith.constant 0 : index
    %swap3A_210 = arith.constant 0 : index
    %swap3A_211 = vector.load %arg6[%swap3A, %swap3A_210] : memref<512x1xf32, #tpu.memory_space<vmem>>, vector<512x1xf32>
    tpu.vector_store %arg6[%swap3A, %swap3A_210], %max3A_209 {strides = array<i32>} : memref<512x1xf32, #tpu.memory_space<vmem>>, vector<512x1xf32>,
    return
  }
  func.func @transform_0(%arg0: i32) -> (i32, i32, i32, i32) {
    %c0_i32 = arith.constant 0 : i32
    %c0_i32_0 = arith.constant 0 : i32
    %c0_i32_1 = arith.constant 0 : i32
    %c0_i32_2 = arith.constant 0 : i32
    return %arg0, %c0_i32, %c0_i32_0, %c0_i32_1 : i32, i32, i32, i32
  }
  func.func @transform_1(%arg0: i32) -> (i32, i32, i32) {
    %c0_i32 = arith.constant 0 : i32
    %c0_i32_0 = arith.constant 0 : i32
    %c0_i32_1 = arith.constant 0 : i32
    %c0_i32_2 = arith.constant 0 : i32
    return %c0_i32, %c0_i32_0, %c0_i32_1 : i32, i32, i32
  }
  func.func @transform_2(%arg0: i32) -> (i32, i32) {
    %c0_i32 = arith.constant 0 : i32
    %c0_i32_0 = arith.constant 0 : i32
    %c0_i32_1 = arith.constant 0 : i32
    return %c0_i32, %c0_i32_0 : i32, i32
  }
  func.func @transform_3(%arg0: i32) -> (i32, i32) {
    %c0_i32 = arith.constant 0 : i32
    %c0_i32_0 = arith.constant 0 : i32
    %c0_i32_1 = arith.constant 0 : i32
    return %c0_i32, %c0_i32_0 : i32, i32
  }
  func.func @transform_4(%arg0: i32) -> (i32, i32) {
    %c0_i32 = arith.constant 0 : i32
    %c0_i32_0 = arith.constant 0 : i32
    %c0_i32_1 = arith.constant 0 : i32
    return %c0_i32, %c0_i32_0 : i32, i32
  }
  func.func @transform_5(%arg0: i32) -> (i32, i32) {
    %c0_i32 = arith.constant 0 : i32
    %c0_i32_0 = arith.constant 0 : i32
    return %arg0, %c0_i32 : i32, i32
  }
}

</mosaic_0001>

<sc_bundles>
// kernel: kernel.4.cloned.1.call-start
scs
__scs_entry_jumppad:
0x0: {  	(pc) =	sbr.rel $0x88, $3  }
0x1: {  	(tag) =	ssettag $0x0;
	lr =	simm.s32 $0x1  }
0x2: {  	[smem:$0x3F9B] =	sst lr;
	_ =	strace $0xD0000000  }
0x3: {  	_ = 	snop  }
0x4: {  	_ = 	snop  }
0x5: {  	_ = 	snop  }
0x6: {  	_ = 	snop  }
0x7: {  	_ = 	snop  }
__scs_overlays_trampoline_lowered:
0x8: {  	[smem:$0x3FAA] =	sst s0  }
0x9: {  	[smem:$0x3FAB] =	sst s1  }
0xa: {  	[smem:$0x3FAC] =	sst s2  }
0xb: {  	[smem:$0x3FAD] =	sst s3  }
0xc: {  	[smem:$0x3FAE] =	sst s4  }
0xd: {  	[smem:$0x3FAF] =	sst s5  }
0xe: {  	[smem:$0x3FB0] =	sst s6  }
0xf: {  	[smem:$0x3FB1] =	sst s7  }
0x10: {  	[smem:$0x3FB2] =	sst s8  }
0x11: {  	[smem:$0x3FB3] =	sst s9;
	s0 =	simm.s32 @!p0 $0x0  }
0x12: {  	s1 =	sld [smem:$0x3F99];
	s0 =	simm.s32 @p0 $0x1  }
0x13: {  	[smem:$0x3FB4] =	sst s0;
	s0 =	simm.s32 @!p1 $0x0  }
0x14: {  	s2 =	sld [smem:$0x3F98];
	s0 =	simm.s32 @p1 $0x1  }
0x15: {  	[smem:$0x3FB5] =	sst s0;
	s0 =	simm.s32 @!p2 $0x0  }
0x16: {  	s3 =	sld [smem:$0x3FDB];
	s0 =	simm.s32 @p2 $0x1  }
0x17: {  	s4 =	simm.s32 $0x1BF5;
	[smem:$0x3FB7] =	sst s0  }
0x18: {  	s0 =	sld [smem:$0x3F9A];
	_ =	swait.ge [sflag:s4], $0x0  }
0x19: {  	s7 =	sld [smem:$0x3F9B]  }
0x1a: {  	s8 =	sadd.s32 $0xFFFFE003, lr  }
0x1b: {  	s9 =	sadd.s32 $0xFFFFFEF7, lr;
	s5 =	simm.s32 $0xFFFFFFFF;
	p2 =	slt.u32 s8, $0xFFFFF086  }
0x1c: {  	p1 =	slt.u32 s9, $0xF7A;
	s5 =	simm.s32 @!p2 $0x0  }
0x1d: {  	s5 =	simm.s32 @p1 $0x1;
	p0 =	seq.s32 s7, s2  }
0x1e: {  	s7 =	smul.u32 @!p0 $0xF7A, s2;
	p2 =	seq.s32 @!p0 s5, $0x0  }
0x1f: {  	s9 =	smul.u32 $0xF7A, s1;
	s8 =	simm.s32 @!p0 $0x1BF5;
	p2 =	por !p2, p0  }
0x20: {  	[sflag:s8] =	ssyncset.s32 @!p0 $0xFFFFF086;
	s6 =	sadd.s32 @!p0 s3, s7;
	s7 =	simm.s32 @!p0 $0x108  }
0x21: {  	s3 =	sadd.s32 s3, s9;
	s6 =	sadd.s32 @!p0 $0x88, s6;
	s7 =	simm.s32 @p2 $0x1082  }
0x22: {  	[simem:s7], [sflag:s8] =	dma.local @!p0 [hbm:s6], $0xF7A  }
0x23: {  	s9 =	sor.u32 $0xD0000000, s2;
	s6 =	simm.s32 $0x108;
	_ =	swait.ge @!p0 [sflag:s8], $0x0  }
0x24: {  	s3 =	sadd.s32 $0x88, s3;
	s6 =	simm.s32 @!p1 $0x1082;
	[sflag:s4] =	ssyncset.s32 $0xFFFFF086  }
0x25: {  	[simem:s6], [sflag:s4] =	dma.local [hbm:s3], $0xF7A  }
0x26: {  	[smem:$0x3F9B] =	sst s1;
	(tag) =	ssettag s2;
	_ =	strace s9  }
0x27: {  	s1 =	sld [smem:$0x3FAB]  }
0x28: {  	s2 =	sld [smem:$0x3FAC]  }
0x29: {  	s4 =	sld [smem:$0x3FAE]  }
0x2a: {  	p0 =	seq.s32 s5, $0x0;
	s5 =	sld [smem:$0x3FAF]  }
0x2b: {  	s6 =	sld [smem:$0x3FB0]  }
0x2c: {  	s7 =	sld [smem:$0x3FB1]  }
0x2d: {  	s3 =	simm.s32 $0x108;
	s8 =	sld [smem:$0x3FB2]  }
0x2e: {  	s3 =	simm.s32 @!p0 $0x1082;
	s9 =	sld [smem:$0x3FB3]  }
0x2f: {  	lr =	sadd.s32 s0, s3;
	s0 =	sld [smem:$0x3FAA]  }
0x30: {  	s3 =	sld [smem:$0x3FAD]  }
0x31: {  	[smem:$0x3FB6] =	sst s10  }
0x32: {  	s10 =	sld [smem:$0x3FB4];
	_ =	sdelay $0x3  }
0x33: {  	p0 =	seq.s32 s10, $0x1;
	s10 =	sld [smem:$0x3FB6];
	_ =	sdelay $0x3  }
0x34: {  	[smem:$0x3FB6] =	sst s10  }
0x35: {  	s10 =	sld [smem:$0x3FB5];
	_ =	sdelay $0x3  }
0x36: {  	p1 =	seq.s32 s10, $0x1;
	s10 =	sld [smem:$0x3FB6];
	_ =	sdelay $0x3  }
0x37: {  	[smem:$0x3FB6] =	sst s10  }
0x38: {  	s10 =	sld [smem:$0x3FB7]  }
0x39: {  	_ = 	snop;
	(pc) =	sbr.ind lr, $3  }
0x3a: {  	_ = 	snop  }
0x3b: {  	_ = 	snop  }
0x3c: {  	p2 =	seq.s32 s10, $0x1;
	s10 =	sld [smem:$0x3FB6]  }
0x3d: {  	_ =	shalt  }
0x3e: {  	_ =	shalt  }
0x3f: {  	_ =	shalt  }
0x40: {  	_ =	shalt  }
0x41: {  	_ =	shalt  }
0x42: {  	_ =	shalt  }
0x43: {  	_ =	shalt  }
0x44: {  	_ =	shalt  }
0x45: {  	_ =	shalt  }
0x46: {  	_ =	shalt  }
0x47: {  	_ =	shalt  }
0x48: {  	_ =	shalt  }
0x49: {  	_ =	shalt  }
0x4a: {  	_ =	shalt  }
0x4b: {  	_ =	shalt  }
0x4c: {  	_ =	shalt  }
0x4d: {  	_ =	shalt  }
0x4e: {  	_ =	shalt  }
0x4f: {  	_ =	shalt  }
0x50: {  	_ =	shalt  }
0x51: {  	_ =	shalt  }
0x52: {  	_ =	shalt  }
0x53: {  	_ =	shalt  }
0x54: {  	_ =	shalt  }
0x55: {  	_ =	shalt  }
0x56: {  	_ =	shalt  }
0x57: {  	_ =	shalt  }
0x58: {  	_ =	shalt  }
0x59: {  	_ =	shalt  }
0x5a: {  	_ =	shalt  }
0x5b: {  	_ =	shalt  }
0x5c: {  	_ =	shalt  }
0x5d: {  	_ =	shalt  }
0x5e: {  	_ =	shalt  }
0x5f: {  	_ =	shalt  }
0x60: {  	_ =	shalt  }
0x61: {  	_ =	shalt  }
0x62: {  	_ =	shalt  }
0x63: {  	_ =	shalt  }
0x64: {  	_ =	shalt  }
0x65: {  	_ =	shalt  }
0x66: {  	_ =	shalt  }
0x67: {  	_ =	shalt  }
0x68: {  	_ =	shalt  }
0x69: {  	_ =	shalt  }
0x6a: {  	_ =	shalt  }
0x6b: {  	_ =	shalt  }
0x6c: {  	_ =	shalt  }
0x6d: {  	_ =	shalt  }
0x6e: {  	_ =	shalt  }
0x6f: {  	_ =	shalt  }
0x70: {  	_ =	shalt  }
0x71: {  	_ =	shalt  }
0x72: {  	_ =	shalt  }
0x73: {  	_ =	shalt  }
0x74: {  	_ =	shalt  }
0x75: {  	_ =	shalt  }
0x76: {  	_ =	shalt  }
0x77: {  	_ =	shalt  }
0x78: {  	_ =	shalt  }
0x79: {  	_ =	shalt  }
0x7a: {  	_ =	shalt  }
0x7b: {  	_ =	shalt  }
0x7c: {  	_ =	shalt  }
0x7d: {  	_ =	shalt  }
0x7e: {  	_ =	shalt  }
0x7f: {  	_ =	shalt  }
0x80: {  	_ =	shalt  }
0x81: {  	_ =	shalt  }
0x82: {  	_ =	shalt  }
0x83: {  	_ =	shalt  }
0x84: {  	_ =	shalt  }
0x85: {  	_ =	shalt  }
0x86: {  	_ =	shalt  }
0x87: {  	_ =	shalt  }
.Lfunc_end0:
.L_simem_size_0:
called_computation_lowered:
.L_overlay_start_0:
0x88: {  	s2 =	sld [smem:$0x3FD9]  }
0x89: {  	s3 =	sld [smem:$0x3FFE];
	_ =	sdelay $0x1  }
0x8a: {  	s1 =	srdreg.scid  }
0x8b: {  	s0 =	sand.u32 $0x1, s1  }
0x8c: {  	s16 =	sshll.u32 s0, $0xA;
	s2 =	sadd.s32 s3, s2  }
0x8d: {  	s2 =	sadd.s32 s2, s16  }
0x8e: {  	[smem:$0x3FC2] =	sst s2  }
0x8f: {  	_ = 	snop  }
0x90: {  	(tm) =	ssettm $0x1  }
0x91: {  	s17 =	sld [smem:$0x3FFB];
	_ =	sdelay $0x3  }
0x92: {  	_ =	strace s17  }
0x93: {  	s2 =	sld [smem:$0x3FFC];
	_ =	sdelay $0x3  }
0x94: {  	_ =	strace s2  }
0x95: {  	s2 =	sld [smem:$0x3FFD];
	_ =	sdelay $0x3  }
0x96: {  	_ =	strace s2  }
0x97: {  	_ =	strace $0x8FFFFFFF  }
0x98: {  	s18 =	sld [smem:$0x3FDB];
	_ =	sdelay $0x1  }
0x99: {  	s19 =	simm.s32 $_scs_section_size  }
0x9a: {  	s4 =	simm.s32 $_size__tile_overlayer_lowered;
	s5 =	simm.s32 $_tile_overlayer_lowered  }
0x9b: {  	s22 =	simm.s32 $0x1BFF;
	s21 =	sshll.u32 s5, $0x1;
	s2 =	sadd.s32 s19, s18  }
0x9c: {  	s6 =	simm.s32 $0x0;
	s20 =	sshll.u32 s4, $0x1;
	s4 =	sadd.s32 s21, s2  }
0x9d: {  	[timem:s6], [sflag:s22] =	dma.local [hbm:s4], s20  }
0x9e: {  	_ =	swait.ge [sflag:s22], s20  }
0x9f: {  	s3 =	ssub.s32 $0x0, s20;
	[sflag:s22] =	ssyncset.done $0x0  }
0xa0: {  	[sflag:s22] =	ssyncadd.s32 s3;
	_ =	sdelay $0x1  }
0xa1: {  	s23 =	simm.s32 $0x1B8B  }
0xa2: {  	_ =	swait.ge [sflag:s23], $0x1  }
0xa3: {  	[sflag:s23] =	ssyncset.done $0x0  }
0xa4: {  	s25 =	simm.s32 $0x1B8E;
	s24 =	sld [smem:$0x3FFE];
	[sflag:s23] =	ssyncadd.s32 $0xFFFFFFFF  }
0xa5: {  	s26 =	simm.s32 $execute0_lowered;
	[smem:$0x3FD2] =	sst s25  }
0xa6: {  	s4 =	sshll.u32 s26, $0x1;
	_ =	strace $0x80000046;
	[dreg:$0x1] =	wrdreg $0xFFFFFFFF  }
0xa7: {  	s28 =	simm.s32 $_size_execute0_lowered;
	s2 =	sadd.s32 s2, s4;
	[dreg:$0x0] =	wrdreg $0x0  }
0xa8: {  	s4 =	sshll.u32 s28, $0x1;
	[dreg:$0x2] =	wrdreg s2  }
0xa9: {  	[dreg:$0x3] =	wrdreg s4  }
0xaa: {  	[dreg:$0x4] =	wrdreg $0xC0  }
0xab: {  	_ =	task [dreg:s6], $0x5FFFF  }
0xac: {  	[dreg:$0x1] =	wrdreg $0xFFFFFFFF  }
0xad: {  	[dreg:$0x0] =	wrdreg $0x60  }
0xae: {  	[dreg:$0x2] =	wrdreg s24  }
0xaf: {  	[dreg:$0x3] =	wrdreg $0x9  }
0xb0: {  	_ =	task.clear_ibuf [dreg:s6], $0x4FFFF;
	_ =	strace $0x90000046  }
0xb1: {  	s29 =	simm.s32 $0x9;
	_ =	strace $0x80000048  }
0xb2: {  	_ =	swait.ge [sflag:s29], $0x1  }
0xb3: {  	[sflag:s29] =	ssyncadd.s32 $0xFFFFFFFF  }
0xb4: {  	_ =	strace $0x90000048  }
0xb5: {  	_ =	sfence  }
0xb6: {  	s30 =	sld [smem:$0x0];
	_ =	sdelay $0x2  }
0xb7: {  	s31 =	sshll.u32 s1, $0xD;
	s1 =	sshrl.u32 s1, $0x2  }
0xb8: {  	s3 =	sand.u32 $0x4000, s31;
	s1 =	sadd.s32 s1, s30  }
0xb9: {  	s0 =	sor.u32 s3, s0;
	s1 =	sshll.u32 s1, $0x11  }
0xba: {  	s0 =	sor.u32 s1, s0  }
0xbb: {  	s0 =	sadd.s32 $0x8F2B, s0  }
0xbc: {  	[sflag:s0] =	ssyncadd.remote.s32 $0x1  }
0xbd: {  	_ =	sfence.sel $0xFFFF  }
0xbe: {  	[dreg:$0x0] =	wrdreg $0xFFFFFFFF;
	(pc) =	sbr.abs _section_cstart, $3  }
0xbf: {  	[dreg:$0x1] =	wrdreg $0xFFFFFFFF  }
0xc0: {  	_ =	task.clear_ibuf [dreg:s6], $0x2FFFF;
	_ =	strace $0x9FFFFFFF  }
0xc1: {  	(tm) =	ssettm $0x7FFFFFFF  }
tec
execute0_lowered:
.L_overlay_start_1:
0x0: {  	(tag) =	ssettag $0x1  }
0x1: {  	s3 =	rddreg [dreg:$0x0];
	s2 =	simm.s32 $0x0  }
0x2: {  	s7 =	simm.s32 $0x100;
	[smem:$0x7FF] =	sst s2  }
0x3: {  	s8 =	simm.s32 $0x180;
	_ =	strace $0x80000047;
	[dreg:$0x7] =	wrdreg s7  }
0x4: {  	s9 =	simm.s32 $0x200;
	[dreg:$0x8] =	wrdreg s8  }
0x5: {  	s10 =	simm.s32 $0x280;
	[dreg:$0x9] =	wrdreg s9  }
0x6: {  	s11 =	simm.s32 $0x300;
	[dreg:$0xa] =	wrdreg s10  }
0x7: {  	s12 =	simm.s32 $0x380;
	[dreg:$0xb] =	wrdreg s11  }
0x8: {  	s13 =	simm.s32 $0x400;
	[dreg:$0xc] =	wrdreg s12  }
0x9: {  	s14 =	simm.s32 $0x480;
	[dreg:$0xd] =	wrdreg s13  }
0xa: {  	s15 =	simm.s32 $0x500;
	[dreg:$0xe] =	wrdreg s14  }
0xb: {  	s16 =	simm.s32 $0x580;
	[dreg:$0xf] =	wrdreg s15  }
0xc: {  	s0 =	srdreg.scid;
	s17 =	simm.s32 $0x600;
	[dreg:$0x10] =	wrdreg s16  }
0xd: {  	s20 =	stileid.u32;
	s18 =	simm.s32 $0x680;
	[dreg:$0x11] =	wrdreg s17  }
0xe: {  	s19 =	simm.s32 $0x700;
	s21 =	simm.s32 $0x780;
	[dreg:$0x12] =	wrdreg s18  }
0xf: {  	s22 =	simm.s32 $0x800;
	s23 =	simm.s32 $0x880;
	[dreg:$0x13] =	wrdreg s19  }
0x10: {  	p0 =	por $0x0, $0x0;
	s28 =	simm.s32 $0x1780;
	[dreg:$0x14] =	wrdreg s21  }
0x11: {  	s1 =	sand.u32 $0x1, s0;
	s24 =	sshll.u32 s20, $0x1;
	[dreg:$0x15] =	wrdreg s22  }
0x12: {  	s0 =	sor.u32 s1, s24;
	[dreg:$0x16] =	wrdreg s23;
	s24 =	simm.s32 $0x900  }
0x13: {  	s29 =	simm.s32 $0x1800;
	s7 =	simm.s32 $0xB80;
	[dreg:$0x17] =	wrdreg s24  }
0x14: {  	s30 =	simm.s32 $0x1880;
	s9 =	simm.s32 $0xC00;
	[dreg:$0x1c] =	wrdreg s7  }
0x15: {  	s31 =	simm.s32 $0x1900;
	s10 =	simm.s32 $0xC80;
	[dreg:$0x1d] =	wrdreg s9  }
0x16: {  	s6 =	sadd.s32 $0x7800, s3;
	s11 =	simm.s32 $0xD00;
	[dreg:$0x1e] =	wrdreg s10  }
0x17: {  	s1 =	ssub.s32 $0x2, s1;
	s12 =	simm.s32 $0xD80;
	[dreg:$0x1f] =	wrdreg s11  }
0x18: {  	s13 =	simm.s32 $0xE00;
	s14 =	simm.s32 $0xE80;
	[smem:$0x7F0] =	sst s12  }
0x19: {  	s15 =	simm.s32 $0xF00;
	s16 =	simm.s32 $0xF80;
	[smem:$0x7F1] =	sst s13  }
0x1a: {  	s17 =	simm.s32 $0x1000;
	s18 =	simm.s32 $0x1080;
	[smem:$0x7F2] =	sst s14  }
0x1b: {  	s19 =	simm.s32 $0x1100;
	s21 =	simm.s32 $0x1180;
	[smem:$0x7F3] =	sst s15  }
0x1c: {  	s22 =	simm.s32 $0x1200;
	s4 =	smul.u32 $0x340, s0;
	[smem:$0x7F4] =	sst s16  }
0x1d: {  	s23 =	simm.s32 $0x1280;
	s5 =	smul.u32 $0x34000, s0;
	[smem:$0x7F5] =	sst s17  }
0x1e: {  	s0 =	smul.u32 $0x6800, s0;
	s8 =	sshrl.u32 s1, $0x1;
	[smem:$0x7F6] =	sst s18  }
0x1f: {  	s9 =	simm.s32 $0x3A00;
	s10 =	simm.s32 $0x4A00;
	[smem:$0x7F7] =	sst s19  }
0x20: {  	s11 =	simm.s32 $0x5A00;
	s12 =	simm.s32 $0x6A00;
	[smem:$0x7F8] =	sst s21  }
0x21: {  	s13 =	simm.s32 $0x7A00;
	s14 =	simm.s32 $0x8A00;
	[smem:$0x7F9] =	sst s22  }
0x22: {  	s15 =	simm.s32 $0x9A00;
	s16 =	simm.s32 $0xAA00;
	[smem:$0x7FA] =	sst s23  }
0x23: {  	s24 =	simm.s32 $0x1300;
	s17 =	simm.s32 $0xBA00;
	s18 =	simm.s32 $0xCA00  }
0x24: {  	s19 =	simm.s32 $0xDA00;
	s7 =	simm.s32 $0x1;
	s22 =	simm.s32 $0x1500  }
0x25: {  	s23 =	simm.s32 $0x1580;
	s21 =	simm.s32 $0x1980;
	[smem:$0x7FB] =	sst s24  }
0x26: {  	s4 =	sadd.s32 s4, s3;
	s5 =	sshrl.u32 s5, $0x3;
	s0 =	sadd.s32 s6, s0  }
0x27: {  	s4 =	sadd.s32 $0x1000, s4;
	s25 =	sadd.s32 s6, s5;
	[dreg:$0x3] =	wrdreg s0  }
0x28: {  	s1 =	ssub.s32 s1, s8;
	[dreg:$0x2] =	wrdreg s4;
	s26 =	sadd.s32 $0x1A00, s25  }
0x29: {  	s8 =	simm.s32 $0x2A00;
	s5 =	sadd.s32 $0x3400, s25;
	[dreg:$0x4] =	wrdreg s26  }
0x2a: {  	s24 =	simm.s32 $0x1600;
	s6 =	sadd.s32 $0x4E00, s25;
	[dreg:$0x5] =	wrdreg s5  }
0x2b: {  	s1 =	smax.u32 s1, $0x1;
	s25 =	simm.s32 $0x980;
	[dreg:$0x6] =	wrdreg s6  }
0x2c: {  	p1 =	sne.s32 s1, $0x1;
	s4 =	simm.s32 $0xA80;
	[dreg:$0x18] =	wrdreg s25  }
0x2d: {  	s1 =	sadd.s32 $0xFFFFFFFF, s1;
	s26 =	simm.s32 $0xA00;
	[dreg:$0x1a] =	wrdreg s4  }
.Ltmp0:
0x2e: {  	s5 =	sadd.s32 $0xF43400, s3;
	s0 =	rddreg [dreg:$0x2];
	(pc) =	sbr.rel @!p1 .LBB2_1-.Ltmp0, $4  }
0x2f: {  	s6 =	simm.s32 $0xB00;
	s3 =	simm.s32 $0x2;
	[dreg:$0x19] =	wrdreg s26  }
0x30: {  	s4 =	simm.s32 $0x1A00;
	s25 =	simm.s32 $0x1380;
	[dreg:$0x1b] =	wrdreg s6  }
0x31: {  	s6 =	simm.s32 $0x80;
	[smem:$0x7FC] =	sst s25;
	s26 =	simm.s32 $0x1400  }
0x32: {  	s25 =	simm.s32 $0x1680;
	[smem:$0x7FD] =	sst s26;
	s26 =	simm.s32 $0x1700  }
0x33: {  	[tilespmem:s2], [sflag:$0x2] =	stream.linear.gather [hbm4b:s0+s2], $0x1A00, $0x38;
	[tilespmem:$0xEA00] =	vst v63  }
0x34: {  	_ =	swait.ge [sflag:s3], $0x1A00  }
0x35: {  	[sflag:s3] =	ssyncset.done $0x0  }
0x36: {  	[sflag:s3] =	ssyncadd.s32 $0xFFFFE600  }
0x37: {  	[tilespmem:s4], [sflag:$0x1] =	stream.indirect.gather [hbm4b:s5+s6], $0x20, s2, s6, $0xb8;
	[tilespmem:$0xEA00] =	vst v63  }
0x38: {  	_ = 	snop  }
0x39: {  	[tilespmem:s8], [sflag:$0x1] =	stream.indirect.gather [hbm4b:s5+s6], $0x20, s6, s6, $0xb8;
	[tilespmem:$0xEA00] =	vst v63  }
0x3a: {  	s0 =	rddreg [dreg:$0x7]  }
0x3b: {  	[tilespmem:s9], [sflag:$0x1] =	stream.indirect.gather [hbm4b:s5+s6], $0x20, s0, s6, $0xb8;
	[tilespmem:$0xEA00] =	vst v63  }
0x3c: {  	s20 =	smov.u32 s1;
	s1 =	rddreg [dreg:$0x8]  }
0x3d: {  	[tilespmem:s10], [sflag:$0x1] =	stream.indirect.gather [hbm4b:s5+s6], $0x20, s1, s6, $0xb8;
	[tilespmem:$0xEA00] =	vst v63  }
0x3e: {  	s0 =	rddreg [dreg:$0x9]  }
0x3f: {  	[tilespmem:s11], [sflag:$0x1] =	stream.indirect.gather [hbm4b:s5+s6], $0x20, s0, s6, $0xb8;
	[tilespmem:$0xEA00] =	vst v63  }
0x40: {  	s1 =	rddreg [dreg:$0xa]  }
0x41: {  	[tilespmem:s12], [sflag:$0x1] =	stream.indirect.gather [hbm4b:s5+s6], $0x20, s1, s6, $0xb8;
	[tilespmem:$0xEA00] =	vst v63  }
0x42: {  	s0 =	rddreg [dreg:$0xb]  }
0x43: {  	[tilespmem:s13], [sflag:$0x1] =	stream.indirect.gather [hbm4b:s5+s6], $0x20, s0, s6, $0xb8;
	[tilespmem:$0xEA00] =	vst v63  }
0x44: {  	s1 =	rddreg [dreg:$0xc]  }
0x45: {  	[tilespmem:s14], [sflag:$0x1] =	stream.indirect.gather [hbm4b:s5+s6], $0x20, s1, s6, $0xb8;
	[tilespmem:$0xEA00] =	vst v63  }
0x46: {  	s0 =	rddreg [dreg:$0xd]  }
0x47: {  	[tilespmem:s15], [sflag:$0x1] =	stream.indirect.gather [hbm4b:s5+s6], $0x20, s0, s6, $0xb8;
	[tilespmem:$0xEA00] =	vst v63  }
0x48: {  	s1 =	rddreg [dreg:$0xe]  }
0x49: {  	[tilespmem:s16], [sflag:$0x1] =	stream.indirect.gather [hbm4b:s5+s6], $0x20, s1, s6, $0xb8;
	[tilespmem:$0xEA00] =	vst v63  }
0x4a: {  	s0 =	rddreg [dreg:$0xf]  }
0x4b: {  	[tilespmem:s17], [sflag:$0x1] =	stream.indirect.gather [hbm4b:s5+s6], $0x20, s0, s6, $0xb8;
	[tilespmem:$0xEA00] =	vst v63  }
0x4c: {  	s1 =	rddreg [dreg:$0x10]  }
0x4d: {  	[tilespmem:s18], [sflag:$0x1] =	stream.indirect.gather [hbm4b:s5+s6], $0x20, s1, s6, $0xb8;
	[tilespmem:$0xEA00] =	vst v63  }
0x4e: {  	s0 =	rddreg [dreg:$0x11]  }
0x4f: {  	[tilespmem:s19], [sflag:$0x1] =	stream.indirect.gather [hbm4b:s5+s6], $0x20, s0, s6, $0xb8;
	[tilespmem:$0xEA00] =	vst v63  }
0x50: {  	_ =	swait.ge [sflag:s7], $0x1000  }
0x51: {  	[sflag:s7] =	ssyncset.done $0x0  }
0x52: {  	[sflag:s7] =	ssyncadd.s32 $0xFFFFF000  }
0x53: {  	_ =	swait.ge [sflag:s7], $0x1000  }
0x54: {  	[sflag:s7] =	ssyncset.done $0x0  }
0x55: {  	[sflag:s7] =	ssyncadd.s32 $0xFFFFF000  }
0x56: {  	_ =	swait.ge [sflag:s7], $0x1000  }
0x57: {  	[sflag:s7] =	ssyncset.done $0x0  }
0x58: {  	[sflag:s7] =	ssyncadd.s32 $0xFFFFF000  }
0x59: {  	_ =	swait.ge [sflag:s7], $0x1000  }
0x5a: {  	[sflag:s7] =	ssyncset.done $0x0  }
0x5b: {  	[sflag:s7] =	ssyncadd.s32 $0xFFFFF000  }
0x5c: {  	_ =	swait.ge [sflag:s7], $0x1000  }
0x5d: {  	[sflag:s7] =	ssyncset.done $0x0  }
0x5e: {  	[sflag:s7] =	ssyncadd.s32 $0xFFFFF000  }
0x5f: {  	_ =	swait.ge [sflag:s7], $0x1000  }
0x60: {  	[sflag:s7] =	ssyncset.done $0x0  }
0x61: {  	[sflag:s7] =	ssyncadd.s32 $0xFFFFF000  }
0x62: {  	_ =	swait.ge [sflag:s7], $0x1000  }
0x63: {  	[sflag:s7] =	ssyncset.done $0x0  }
0x64: {  	[sflag:s7] =	ssyncadd.s32 $0xFFFFF000  }
0x65: {  	_ =	swait.ge [sflag:s7], $0x1000  }
0x66: {  	[sflag:s7] =	ssyncset.done $0x0  }
0x67: {  	[sflag:s7] =	ssyncadd.s32 $0xFFFFF000  }
0x68: {  	_ =	swait.ge [sflag:s7], $0x1000  }
0x69: {  	[sflag:s7] =	ssyncset.done $0x0  }
0x6a: {  	[sflag:s7] =	ssyncadd.s32 $0xFFFFF000  }
0x6b: {  	_ =	swait.ge [sflag:s7], $0x1000  }
0x6c: {  	[sflag:s7] =	ssyncset.done $0x0  }
0x6d: {  	[sflag:s7] =	ssyncadd.s32 $0xFFFFF000  }
0x6e: {  	_ =	swait.ge [sflag:s7], $0x1000  }
0x6f: {  	[sflag:s7] =	ssyncset.done $0x0  }
0x70: {  	[sflag:s7] =	ssyncadd.s32 $0xFFFFF000  }
0x71: {  	_ =	swait.ge [sflag:s7], $0x1000  }
0x72: {  	[sflag:s7] =	ssyncset.done $0x0  }
0x73: {  	[sflag:s7] =	ssyncadd.s32 $0xFFFFF000  }
0x74: {  	_ =	swait.ge [sflag:s7], $0x1000  }
0x75: {  	[sflag:s7] =	ssyncset.done $0x0  }
0x76: {  	s1 =	rddreg [dreg:$0x3];
	[sflag:s7] =	ssyncadd.s32 $0xFFFFF000  }
0x77: {  	[hbm4b:s1+s2] =	stream.linear.scatter [tilespmem:s4], [sflag:$0x2], $0xD000, $0x38;
	[tilespmem:$0xEA00] =	vst v63  }
0x78: {  	_ =	swait.ge [sflag:s3], $0xD000  }
0x79: {  	[sflag:s3] =	ssyncset.done $0x0  }
0x7a: {  	s0 =	rddreg [dreg:$0x12];
	[sflag:s3] =	ssyncadd.s32 $0xFFFF3000  }
0x7b: {  	[tilespmem:s4], [sflag:$0x1] =	stream.indirect.gather [hbm4b:s5+s6], $0x20, s0, s6, $0xb8;
	[tilespmem:$0xEA00] =	vst v63  }
0x7c: {  	s1 =	rddreg [dreg:$0x13]  }
0x7d: {  	[tilespmem:s8], [sflag:$0x1] =	stream.indirect.gather [hbm4b:s5+s6], $0x20, s1, s6, $0xb8;
	[tilespmem:$0xEA00] =	vst v63  }
0x7e: {  	s0 =	rddreg [dreg:$0x14]  }
0x7f: {  	[tilespmem:s9], [sflag:$0x1] =	stream.indirect.gather [hbm4b:s5+s6], $0x20, s0, s6, $0xb8;
	[tilespmem:$0xEA00] =	vst v63  }
0x80: {  	s1 =	rddreg [dreg:$0x15]  }
0x81: {  	[tilespmem:s10], [sflag:$0x1] =	stream.indirect.gather [hbm4b:s5+s6], $0x20, s1, s6, $0xb8;
	[tilespmem:$0xEA00] =	vst v63  }
0x82: {  	s0 =	rddreg [dreg:$0x16]  }
0x83: {  	[tilespmem:s11], [sflag:$0x1] =	stream.indirect.gather [hbm4b:s5+s6], $0x20, s0, s6, $0xb8;
	[tilespmem:$0xEA00] =	vst v63  }
0x84: {  	s1 =	rddreg [dreg:$0x17]  }
0x85: {  	[tilespmem:s12], [sflag:$0x1] =	stream.indirect.gather [hbm4b:s5+s6], $0x20, s1, s6, $0xb8;
	[tilespmem:$0xEA00] =	vst v63  }
0x86: {  	s0 =	rddreg [dreg:$0x18]  }
0x87: {  	[tilespmem:s13], [sflag:$0x1] =	stream.indirect.gather [hbm4b:s5+s6], $0x20, s0, s6, $0xb8;
	[tilespmem:$0xEA00] =	vst v63  }
0x88: {  	s1 =	rddreg [dreg:$0x19]  }
0x89: {  	[tilespmem:s14], [sflag:$0x1] =	stream.indirect.gather [hbm4b:s5+s6], $0x20, s1, s6, $0xb8;
	[tilespmem:$0xEA00] =	vst v63  }
0x8a: {  	s0 =	rddreg [dreg:$0x1a]  }
0x8b: {  	[tilespmem:s15], [sflag:$0x1] =	stream.indirect.gather [hbm4b:s5+s6], $0x20, s0, s6, $0xb8;
	[tilespmem:$0xEA00] =	vst v63  }
0x8c: {  	s1 =	rddreg [dreg:$0x1b]  }
0x8d: {  	[tilespmem:s16], [sflag:$0x1] =	stream.indirect.gather [hbm4b:s5+s6], $0x20, s1, s6, $0xb8;
	[tilespmem:$0xEA00] =	vst v63  }
0x8e: {  	s0 =	rddreg [dreg:$0x1c]  }
0x8f: {  	[tilespmem:s17], [sflag:$0x1] =	stream.indirect.gather [hbm4b:s5+s6], $0x20, s0, s6, $0xb8;
	[tilespmem:$0xEA00] =	vst v63  }
0x90: {  	s1 =	rddreg [dreg:$0x1d]  }
0x91: {  	[tilespmem:s18], [sflag:$0x1] =	stream.indirect.gather [hbm4b:s5+s6], $0x20, s1, s6, $0xb8;
	[tilespmem:$0xEA00] =	vst v63  }
0x92: {  	s0 =	rddreg [dreg:$0x1e]  }
0x93: {  	[tilespmem:s19], [sflag:$0x1] =	stream.indirect.gather [hbm4b:s5+s6], $0x20, s0, s6, $0xb8;
	[tilespmem:$0xEA00] =	vst v63  }
0x94: {  	_ =	swait.ge [sflag:s7], $0x1000  }
0x95: {  	[sflag:s7] =	ssyncset.done $0x0  }
0x96: {  	[sflag:s7] =	ssyncadd.s32 $0xFFFFF000  }
0x97: {  	_ =	swait.ge [sflag:s7], $0x1000  }
0x98: {  	[sflag:s7] =	ssyncset.done $0x0  }
0x99: {  	[sflag:s7] =	ssyncadd.s32 $0xFFFFF000  }
0x9a: {  	_ =	swait.ge [sflag:s7], $0x1000  }
0x9b: {  	[sflag:s7] =	ssyncset.done $0x0  }
0x9c: {  	[sflag:s7] =	ssyncadd.s32 $0xFFFFF000  }
0x9d: {  	_ =	swait.ge [sflag:s7], $0x1000  }
0x9e: {  	[sflag:s7] =	ssyncset.done $0x0  }
0x9f: {  	[sflag:s7] =	ssyncadd.s32 $0xFFFFF000  }
0xa0: {  	_ =	swait.ge [sflag:s7], $0x1000  }
0xa1: {  	[sflag:s7] =	ssyncset.done $0x0  }
0xa2: {  	[sflag:s7] =	ssyncadd.s32 $0xFFFFF000  }
0xa3: {  	_ =	swait.ge [sflag:s7], $0x1000  }
0xa4: {  	[sflag:s7] =	ssyncset.done $0x0  }
0xa5: {  	[sflag:s7] =	ssyncadd.s32 $0xFFFFF000  }
0xa6: {  	_ =	swait.ge [sflag:s7], $0x1000  }
0xa7: {  	[sflag:s7] =	ssyncset.done $0x0  }
0xa8: {  	[sflag:s7] =	ssyncadd.s32 $0xFFFFF000  }
0xa9: {  	_ =	swait.ge [sflag:s7], $0x1000  }
0xaa: {  	[sflag:s7] =	ssyncset.done $0x0  }
0xab: {  	[sflag:s7] =	ssyncadd.s32 $0xFFFFF000  }
0xac: {  	_ =	swait.ge [sflag:s7], $0x1000  }
0xad: {  	[sflag:s7] =	ssyncset.done $0x0  }
0xae: {  	[sflag:s7] =	ssyncadd.s32 $0xFFFFF000  }
0xaf: {  	_ =	swait.ge [sflag:s7], $0x1000  }
0xb0: {  	[sflag:s7] =	ssyncset.done $0x0  }
0xb1: {  	[sflag:s7] =	ssyncadd.s32 $0xFFFFF000  }
0xb2: {  	_ =	swait.ge [sflag:s7], $0x1000  }
0xb3: {  	[sflag:s7] =	ssyncset.done $0x0  }
0xb4: {  	[sflag:s7] =	ssyncadd.s32 $0xFFFFF000  }
0xb5: {  	_ =	swait.ge [sflag:s7], $0x1000  }
0xb6: {  	[sflag:s7] =	ssyncset.done $0x0  }
0xb7: {  	[sflag:s7] =	ssyncadd.s32 $0xFFFFF000  }
0xb8: {  	_ =	swait.ge [sflag:s7], $0x1000  }
0xb9: {  	[sflag:s7] =	ssyncset.done $0x0  }
0xba: {  	s1 =	rddreg [dreg:$0x4];
	[sflag:s7] =	ssyncadd.s32 $0xFFFFF000  }
0xbb: {  	[hbm4b:s1+s2] =	stream.linear.scatter [tilespmem:s4], [sflag:$0x2], $0xD000, $0x38;
	[tilespmem:$0xEA00] =	vst v63  }
0xbc: {  	_ =	swait.ge [sflag:s3], $0xD000  }
0xbd: {  	s0 =	rddreg [dreg:$0x1f];
	[sflag:s3] =	ssyncset.done $0x0  }
0xbe: {  	s1 =	sld [smem:$0x7F0];
	[sflag:s3] =	ssyncadd.s32 $0xFFFF3000  }
0xbf: {  	[tilespmem:s4], [sflag:$0x1] =	stream.indirect.gather [hbm4b:s5+s6], $0x20, s0, s6, $0xb8;
	[tilespmem:$0xEA00] =	vst v63  }
0xc0: {  	s0 =	sld [smem:$0x7F1]  }
0xc1: {  	[tilespmem:s8], [sflag:$0x1] =	stream.indirect.gather [hbm4b:s5+s6], $0x20, s1, s6, $0xb8;
	[tilespmem:$0xEA00] =	vst v63  }
0xc2: {  	s1 =	sld [smem:$0x7F2]  }
0xc3: {  	[tilespmem:s9], [sflag:$0x1] =	stream.indirect.gather [hbm4b:s5+s6], $0x20, s0, s6, $0xb8;
	[tilespmem:$0xEA00] =	vst v63  }
0xc4: {  	s0 =	sld [smem:$0x7F3]  }
0xc5: {  	[tilespmem:s10], [sflag:$0x1] =	stream.indirect.gather [hbm4b:s5+s6], $0x20, s1, s6, $0xb8;
	[tilespmem:$0xEA00] =	vst v63  }
0xc6: {  	s1 =	sld [smem:$0x7F4]  }
0xc7: {  	[tilespmem:s11], [sflag:$0x1] =	stream.indirect.gather [hbm4b:s5+s6], $0x20, s0, s6, $0xb8;
	[tilespmem:$0xEA00] =	vst v63  }
0xc8: {  	s0 =	sld [smem:$0x7F5]  }
0xc9: {  	[tilespmem:s12], [sflag:$0x1] =	stream.indirect.gather [hbm4b:s5+s6], $0x20, s1, s6, $0xb8;
	[tilespmem:$0xEA00] =	vst v63  }
0xca: {  	s1 =	sld [smem:$0x7F6]  }
0xcb: {  	[tilespmem:s13], [sflag:$0x1] =	stream.indirect.gather [hbm4b:s5+s6], $0x20, s0, s6, $0xb8;
	[tilespmem:$0xEA00] =	vst v63  }
0xcc: {  	s0 =	sld [smem:$0x7F7]  }
0xcd: {  	[tilespmem:s14], [sflag:$0x1] =	stream.indirect.gather [hbm4b:s5+s6], $0x20, s1, s6, $0xb8;
	[tilespmem:$0xEA00] =	vst v63  }
0xce: {  	s1 =	sld [smem:$0x7F8]  }
0xcf: {  	[tilespmem:s15], [sflag:$0x1] =	stream.indirect.gather [hbm4b:s5+s6], $0x20, s0, s6, $0xb8;
	[tilespmem:$0xEA00] =	vst v63  }
0xd0: {  	s0 =	sld [smem:$0x7F9]  }
0xd1: {  	[tilespmem:s16], [sflag:$0x1] =	stream.indirect.gather [hbm4b:s5+s6], $0x20, s1, s6, $0xb8;
	[tilespmem:$0xEA00] =	vst v63  }
0xd2: {  	s1 =	sld [smem:$0x7FA]  }
0xd3: {  	[tilespmem:s17], [sflag:$0x1] =	stream.indirect.gather [hbm4b:s5+s6], $0x20, s0, s6, $0xb8;
	[tilespmem:$0xEA00] =	vst v63  }
0xd4: {  	s0 =	sld [smem:$0x7FB]  }
0xd5: {  	[tilespmem:s18], [sflag:$0x1] =	stream.indirect.gather [hbm4b:s5+s6], $0x20, s1, s6, $0xb8;
	[tilespmem:$0xEA00] =	vst v63  }
0xd6: {  	_ = 	snop  }
0xd7: {  	[tilespmem:s19], [sflag:$0x1] =	stream.indirect.gather [hbm4b:s5+s6], $0x20, s0, s6, $0xb8;
	[tilespmem:$0xEA00] =	vst v63  }
0xd8: {  	_ =	swait.ge [sflag:s7], $0x1000  }
0xd9: {  	[sflag:s7] =	ssyncset.done $0x0  }
0xda: {  	[sflag:s7] =	ssyncadd.s32 $0xFFFFF000  }
0xdb: {  	_ =	swait.ge [sflag:s7], $0x1000  }
0xdc: {  	[sflag:s7] =	ssyncset.done $0x0  }
0xdd: {  	[sflag:s7] =	ssyncadd.s32 $0xFFFFF000  }
0xde: {  	_ =	swait.ge [sflag:s7], $0x1000  }
0xdf: {  	[sflag:s7] =	ssyncset.done $0x0  }
0xe0: {  	[sflag:s7] =	ssyncadd.s32 $0xFFFFF000  }
0xe1: {  	_ =	swait.ge [sflag:s7], $0x1000  }
0xe2: {  	[sflag:s7] =	ssyncset.done $0x0  }
0xe3: {  	[sflag:s7] =	ssyncadd.s32 $0xFFFFF000  }
0xe4: {  	_ =	swait.ge [sflag:s7], $0x1000  }
0xe5: {  	[sflag:s7] =	ssyncset.done $0x0  }
0xe6: {  	[sflag:s7] =	ssyncadd.s32 $0xFFFFF000  }
0xe7: {  	_ =	swait.ge [sflag:s7], $0x1000  }
0xe8: {  	[sflag:s7] =	ssyncset.done $0x0  }
0xe9: {  	[sflag:s7] =	ssyncadd.s32 $0xFFFFF000  }
0xea: {  	_ =	swait.ge [sflag:s7], $0x1000  }
0xeb: {  	[sflag:s7] =	ssyncset.done $0x0  }
0xec: {  	[sflag:s7] =	ssyncadd.s32 $0xFFFFF000  }
0xed: {  	_ =	swait.ge [sflag:s7], $0x1000  }
0xee: {  	[sflag:s7] =	ssyncset.done $0x0  }
0xef: {  	[sflag:s7] =	ssyncadd.s32 $0xFFFFF000  }
0xf0: {  	_ =	swait.ge [sflag:s7], $0x1000  }
0xf1: {  	[sflag:s7] =	ssyncset.done $0x0  }
0xf2: {  	[sflag:s7] =	ssyncadd.s32 $0xFFFFF000  }
0xf3: {  	_ =	swait.ge [sflag:s7], $0x1000  }
0xf4: {  	[sflag:s7] =	ssyncset.done $0x0  }
0xf5: {  	[sflag:s7] =	ssyncadd.s32 $0xFFFFF000  }
0xf6: {  	_ =	swait.ge [sflag:s7], $0x1000  }
0xf7: {  	[sflag:s7] =	ssyncset.done $0x0  }
0xf8: {  	[sflag:s7] =	ssyncadd.s32 $0xFFFFF000  }
0xf9: {  	_ =	swait.ge [sflag:s7], $0x1000  }
0xfa: {  	[sflag:s7] =	ssyncset.done $0x0  }
0xfb: {  	[sflag:s7] =	ssyncadd.s32 $0xFFFFF000  }
0xfc: {  	_ =	swait.ge [sflag:s7], $0x1000  }
0xfd: {  	[sflag:s7] =	ssyncset.done $0x0  }
0xfe: {  	s1 =	rddreg [dreg:$0x5];
	[sflag:s7] =	ssyncadd.s32 $0xFFFFF000  }
0xff: {  	[hbm4b:s1+s2] =	stream.linear.scatter [tilespmem:s4], [sflag:$0x2], $0xD000, $0x38;
	[tilespmem:$0xEA00] =	vst v63  }
0x100: {  	_ =	swait.ge [sflag:s3], $0xD000  }
0x101: {  	s0 =	sld [smem:$0x7FC]  }
0x102: {  	[sflag:s3] =	ssyncset.done $0x0  }
0x103: {  	s1 =	sld [smem:$0x7FD];
	[sflag:s3] =	ssyncadd.s32 $0xFFFF3000  }
0x104: {  	[tilespmem:s4], [sflag:$0x1] =	stream.indirect.gather [hbm4b:s5+s6], $0x20, s0, s6, $0xb8;
	[tilespmem:$0xEA00] =	vst v63  }
0x105: {  	_ = 	snop  }
0x106: {  	[tilespmem:s8], [sflag:$0x1] =	stream.indirect.gather [hbm4b:s5+s6], $0x20, s1, s6, $0xb8;
	[tilespmem:$0xEA00] =	vst v63  }
0x107: {  	s1 =	simm.s32 $0x1480  }
0x108: {  	[tilespmem:s9], [sflag:$0x1] =	stream.indirect.gather [hbm4b:s5+s6], $0x20, s1, s6, $0xb8;
	[tilespmem:$0xEA00] =	vst v63  }
0x109: {  	_ = 	snop  }
0x10a: {  	[tilespmem:s10], [sflag:$0x1] =	stream.indirect.gather [hbm4b:s5+s6], $0x20, s22, s6, $0xb8;
	[tilespmem:$0xEA00] =	vst v63  }
0x10b: {  	_ = 	snop  }
0x10c: {  	[tilespmem:s11], [sflag:$0x1] =	stream.indirect.gather [hbm4b:s5+s6], $0x20, s23, s6, $0xb8;
	[tilespmem:$0xEA00] =	vst v63  }
0x10d: {  	_ = 	snop  }
0x10e: {  	[tilespmem:s12], [sflag:$0x1] =	stream.indirect.gather [hbm4b:s5+s6], $0x20, s24, s6, $0xb8;
	[tilespmem:$0xEA00] =	vst v63  }
0x10f: {  	_ = 	snop  }
0x110: {  	[tilespmem:s13], [sflag:$0x1] =	stream.indirect.gather [hbm4b:s5+s6], $0x20, s25, s6, $0xb8;
	[tilespmem:$0xEA00] =	vst v63  }
0x111: {  	_ = 	snop  }
0x112: {  	[tilespmem:s14], [sflag:$0x1] =	stream.indirect.gather [hbm4b:s5+s6], $0x20, s26, s6, $0xb8;
	[tilespmem:$0xEA00] =	vst v63  }
0x113: {  	_ = 	snop  }
0x114: {  	[tilespmem:s15], [sflag:$0x1] =	stream.indirect.gather [hbm4b:s5+s6], $0x20, s28, s6, $0xb8;
	[tilespmem:$0xEA00] =	vst v63  }
0x115: {  	_ = 	snop  }
0x116: {  	[tilespmem:s16], [sflag:$0x1] =	stream.indirect.gather [hbm4b:s5+s6], $0x20, s29, s6, $0xb8;
	[tilespmem:$0xEA00] =	vst v63  }
0x117: {  	_ = 	snop  }
0x118: {  	[tilespmem:s17], [sflag:$0x1] =	stream.indirect.gather [hbm4b:s5+s6], $0x20, s30, s6, $0xb8;
	[tilespmem:$0xEA00] =	vst v63  }
0x119: {  	_ = 	snop  }
0x11a: {  	[tilespmem:s18], [sflag:$0x1] =	stream.indirect.gather [hbm4b:s5+s6], $0x20, s31, s6, $0xb8;
	[tilespmem:$0xEA00] =	vst v63  }
0x11b: {  	_ = 	snop  }
0x11c: {  	[tilespmem:s19], [sflag:$0x1] =	stream.indirect.gather [hbm4b:s5+s6], $0x20, s21, s6, $0xb8;
	[tilespmem:$0xEA00] =	vst v63  }
0x11d: {  	_ =	swait.ge [sflag:s7], $0x1000  }
0x11e: {  	[sflag:s7] =	ssyncset.done $0x0  }
0x11f: {  	[sflag:s7] =	ssyncadd.s32 $0xFFFFF000  }
0x120: {  	_ =	swait.ge [sflag:s7], $0x1000  }
0x121: {  	[sflag:s7] =	ssyncset.done $0x0  }
0x122: {  	[sflag:s7] =	ssyncadd.s32 $0xFFFFF000  }
0x123: {  	_ =	swait.ge [sflag:s7], $0x1000  }
0x124: {  	[sflag:s7] =	ssyncset.done $0x0  }
0x125: {  	[sflag:s7] =	ssyncadd.s32 $0xFFFFF000  }
0x126: {  	_ =	swait.ge [sflag:s7], $0x1000  }
0x127: {  	[sflag:s7] =	ssyncset.done $0x0  }
0x128: {  	[sflag:s7] =	ssyncadd.s32 $0xFFFFF000  }
0x129: {  	_ =	swait.ge [sflag:s7], $0x1000  }
0x12a: {  	[sflag:s7] =	ssyncset.done $0x0  }
0x12b: {  	[sflag:s7] =	ssyncadd.s32 $0xFFFFF000  }
0x12c: {  	_ =	swait.ge [sflag:s7], $0x1000  }
0x12d: {  	[sflag:s7] =	ssyncset.done $0x0  }
0x12e: {  	[sflag:s7] =	ssyncadd.s32 $0xFFFFF000  }
0x12f: {  	_ =	swait.ge [sflag:s7], $0x1000  }
0x130: {  	[sflag:s7] =	ssyncset.done $0x0  }
0x131: {  	[sflag:s7] =	ssyncadd.s32 $0xFFFFF000  }
0x132: {  	_ =	swait.ge [sflag:s7], $0x1000  }
0x133: {  	[sflag:s7] =	ssyncset.done $0x0  }
0x134: {  	[sflag:s7] =	ssyncadd.s32 $0xFFFFF000  }
0x135: {  	_ =	swait.ge [sflag:s7], $0x1000  }
0x136: {  	[sflag:s7] =	ssyncset.done $0x0  }
0x137: {  	[sflag:s7] =	ssyncadd.s32 $0xFFFFF000  }
0x138: {  	_ =	swait.ge [sflag:s7], $0x1000  }
0x139: {  	[sflag:s7] =	ssyncset.done $0x0  }
0x13a: {  	[sflag:s7] =	ssyncadd.s32 $0xFFFFF000  }
0x13b: {  	_ =	swait.ge [sflag:s7], $0x1000  }
0x13c: {  	[sflag:s7] =	ssyncset.done $0x0  }
0x13d: {  	[sflag:s7] =	ssyncadd.s32 $0xFFFFF000  }
0x13e: {  	_ =	swait.ge [sflag:s7], $0x1000  }
0x13f: {  	[sflag:s7] =	ssyncset.done $0x0  }
0x140: {  	[sflag:s7] =	ssyncadd.s32 $0xFFFFF000  }
0x141: {  	p1 =	sne.s32 s20, $0x1;
	_ =	swait.ge [sflag:s7], $0x1000  }
.Ltmp1:
0x142: {  	[sflag:s7] =	ssyncset.done $0x0;
	(pc) =	sbr.rel @!p1 .LBB2_3-.Ltmp1, $4  }
0x143: {  	s1 =	rddreg [dreg:$0x6];
	[sflag:s7] =	ssyncadd.s32 $0xFFFFF000  }
0x144: {  	[hbm4b:s1+s2] =	stream.linear.scatter [tilespmem:s4], [sflag:$0x2], $0xD000, $0x38;
	[tilespmem:$0xEA00] =	vst v63  }
0x145: {  	p0 =	por $0x1, $0x1;
	_ =	swait.ge [sflag:s3], $0xD000  }
0x146: {  	s1 =	sadd.s32 $0xFFFFFFFF, s20;
	s0 =	rddreg [dreg:$0x2];
	[sflag:s3] =	ssyncset.done $0x0  }
.LBB2_4:
0x147: {  	[sflag:s3] =	ssyncadd.s32 $0xFFFF3000  }
0x148: {  	[tilespmem:s2], [sflag:$0x2] =	stream.linear.gather [hbm4b:s0+s2], $0x1A00, $0x38;
	[tilespmem:$0xEA00] =	vst v63  }
0x149: {  	_ =	swait.ge [sflag:s3], $0x1A00  }
0x14a: {  	[sflag:s3] =	ssyncset.done $0x0  }
0x14b: {  	[sflag:s3] =	ssyncadd.s32 $0xFFFFE600  }
0x14c: {  	[tilespmem:s4], [sflag:$0x1] =	stream.indirect.gather [hbm4b:s5+s6], $0x20, s2, s6, $0xb8;
	[tilespmem:$0xEA00] =	vst v63  }
0x14d: {  	_ = 	snop  }
0x14e: {  	[tilespmem:s8], [sflag:$0x1] =	stream.indirect.gather [hbm4b:s5+s6], $0x20, s6, s6, $0xb8;
	[tilespmem:$0xEA00] =	vst v63  }
0x14f: {  	s0 =	rddreg [dreg:$0x7]  }
0x150: {  	[tilespmem:s9], [sflag:$0x1] =	stream.indirect.gather [hbm4b:s5+s6], $0x20, s0, s6, $0xb8;
	[tilespmem:$0xEA00] =	vst v63  }
0x151: {  	s20 =	rddreg [dreg:$0x8]  }
0x152: {  	[tilespmem:s10], [sflag:$0x1] =	stream.indirect.gather [hbm4b:s5+s6], $0x20, s20, s6, $0xb8;
	[tilespmem:$0xEA00] =	vst v63  }
0x153: {  	s0 =	rddreg [dreg:$0x9]  }
0x154: {  	[tilespmem:s11], [sflag:$0x1] =	stream.indirect.gather [hbm4b:s5+s6], $0x20, s0, s6, $0xb8;
	[tilespmem:$0xEA00] =	vst v63  }
0x155: {  	s20 =	rddreg [dreg:$0xa]  }
0x156: {  	[tilespmem:s12], [sflag:$0x1] =	stream.indirect.gather [hbm4b:s5+s6], $0x20, s20, s6, $0xb8;
	[tilespmem:$0xEA00] =	vst v63  }
0x157: {  	s0 =	rddreg [dreg:$0xb]  }
0x158: {  	[tilespmem:s13], [sflag:$0x1] =	stream.indirect.gather [hbm4b:s5+s6], $0x20, s0, s6, $0xb8;
	[tilespmem:$0xEA00] =	vst v63  }
0x159: {  	s20 =	rddreg [dreg:$0xc]  }
0x15a: {  	[tilespmem:s14], [sflag:$0x1] =	stream.indirect.gather [hbm4b:s5+s6], $0x20, s20, s6, $0xb8;
	[tilespmem:$0xEA00] =	vst v63  }
0x15b: {  	s0 =	rddreg [dreg:$0xd]  }
0x15c: {  	[tilespmem:s15], [sflag:$0x1] =	stream.indirect.gather [hbm4b:s5+s6], $0x20, s0, s6, $0xb8;
	[tilespmem:$0xEA00] =	vst v63  }
0x15d: {  	s20 =	rddreg [dreg:$0xe]  }
0x15e: {  	[tilespmem:s16], [sflag:$0x1] =	stream.indirect.gather [hbm4b:s5+s6], $0x20, s20, s6, $0xb8;
	[tilespmem:$0xEA00] =	vst v63  }
0x15f: {  	s0 =	rddreg [dreg:$0xf]  }
0x160: {  	[tilespmem:s17], [sflag:$0x1] =	stream.indirect.gather [hbm4b:s5+s6], $0x20, s0, s6, $0xb8;
	[tilespmem:$0xEA00] =	vst v63  }
0x161: {  	s20 =	rddreg [dreg:$0x10]  }
0x162: {  	[tilespmem:s18], [sflag:$0x1] =	stream.indirect.gather [hbm4b:s5+s6], $0x20, s20, s6, $0xb8;
	[tilespmem:$0xEA00] =	vst v63  }
0x163: {  	s0 =	rddreg [dreg:$0x11]  }
0x164: {  	[tilespmem:s19], [sflag:$0x1] =	stream.indirect.gather [hbm4b:s5+s6], $0x20, s0, s6, $0xb8;
	[tilespmem:$0xEA00] =	vst v63  }
0x165: {  	_ =	swait.ge [sflag:s7], $0x1000  }
0x166: {  	[sflag:s7] =	ssyncset.done $0x0  }
0x167: {  	[sflag:s7] =	ssyncadd.s32 $0xFFFFF000  }
0x168: {  	_ =	swait.ge [sflag:s7], $0x1000  }
0x169: {  	[sflag:s7] =	ssyncset.done $0x0  }
0x16a: {  	[sflag:s7] =	ssyncadd.s32 $0xFFFFF000  }
0x16b: {  	_ =	swait.ge [sflag:s7], $0x1000  }
0x16c: {  	[sflag:s7] =	ssyncset.done $0x0  }
0x16d: {  	[sflag:s7] =	ssyncadd.s32 $0xFFFFF000  }
0x16e: {  	_ =	swait.ge [sflag:s7], $0x1000  }
0x16f: {  	[sflag:s7] =	ssyncset.done $0x0  }
0x170: {  	[sflag:s7] =	ssyncadd.s32 $0xFFFFF000  }
0x171: {  	_ =	swait.ge [sflag:s7], $0x1000  }
0x172: {  	[sflag:s7] =	ssyncset.done $0x0  }
0x173: {  	[sflag:s7] =	ssyncadd.s32 $0xFFFFF000  }
0x174: {  	_ =	swait.ge [sflag:s7], $0x1000  }
0x175: {  	[sflag:s7] =	ssyncset.done $0x0  }
0x176: {  	[sflag:s7] =	ssyncadd.s32 $0xFFFFF000  }
0x177: {  	_ =	swait.ge [sflag:s7], $0x1000  }
0x178: {  	[sflag:s7] =	ssyncset.done $0x0  }
0x179: {  	[sflag:s7] =	ssyncadd.s32 $0xFFFFF000  }
0x17a: {  	_ =	swait.ge [sflag:s7], $0x1000  }
0x17b: {  	[sflag:s7] =	ssyncset.done $0x0  }
0x17c: {  	[sflag:s7] =	ssyncadd.s32 $0xFFFFF000  }
0x17d: {  	_ =	swait.ge [sflag:s7], $0x1000  }
0x17e: {  	[sflag:s7] =	ssyncset.done $0x0  }
0x17f: {  	[sflag:s7] =	ssyncadd.s32 $0xFFFFF000  }
0x180: {  	_ =	swait.ge [sflag:s7], $0x1000  }
0x181: {  	[sflag:s7] =	ssyncset.done $0x0  }
0x182: {  	[sflag:s7] =	ssyncadd.s32 $0xFFFFF000  }
0x183: {  	_ =	swait.ge [sflag:s7], $0x1000  }
0x184: {  	[sflag:s7] =	ssyncset.done $0x0  }
0x185: {  	[sflag:s7] =	ssyncadd.s32 $0xFFFFF000  }
0x186: {  	_ =	swait.ge [sflag:s7], $0x1000  }
0x187: {  	[sflag:s7] =	ssyncset.done $0x0  }
0x188: {  	[sflag:s7] =	ssyncadd.s32 $0xFFFFF000  }
0x189: {  	_ =	swait.ge [sflag:s7], $0x1000  }
0x18a: {  	[sflag:s7] =	ssyncset.done $0x0  }
0x18b: {  	s20 =	rddreg [dreg:$0x3];
	[sflag:s7] =	ssyncadd.s32 $0xFFFFF000  }
0x18c: {  	[hbm4b:s20+s2] =	stream.linear.scatter [tilespmem:s4], [sflag:$0x2], $0xD000, $0x38;
	[tilespmem:$0xEA00] =	vst v63  }
0x18d: {  	_ =	swait.ge [sflag:s3], $0xD000  }
0x18e: {  	[sflag:s3] =	ssyncset.done $0x0  }
0x18f: {  	s0 =	rddreg [dreg:$0x12];
	[sflag:s3] =	ssyncadd.s32 $0xFFFF3000  }
0x190: {  	[tilespmem:s4], [sflag:$0x1] =	stream.indirect.gather [hbm4b:s5+s6], $0x20, s0, s6, $0xb8;
	[tilespmem:$0xEA00] =	vst v63  }
0x191: {  	s20 =	rddreg [dreg:$0x13]  }
0x192: {  	[tilespmem:s8], [sflag:$0x1] =	stream.indirect.gather [hbm4b:s5+s6], $0x20, s20, s6, $0xb8;
	[tilespmem:$0xEA00] =	vst v63  }
0x193: {  	s0 =	rddreg [dreg:$0x14]  }
0x194: {  	[tilespmem:s9], [sflag:$0x1] =	stream.indirect.gather [hbm4b:s5+s6], $0x20, s0, s6, $0xb8;
	[tilespmem:$0xEA00] =	vst v63  }
0x195: {  	s20 =	rddreg [dreg:$0x15]  }
0x196: {  	[tilespmem:s10], [sflag:$0x1] =	stream.indirect.gather [hbm4b:s5+s6], $0x20, s20, s6, $0xb8;
	[tilespmem:$0xEA00] =	vst v63  }
0x197: {  	s0 =	rddreg [dreg:$0x16]  }
0x198: {  	[tilespmem:s11], [sflag:$0x1] =	stream.indirect.gather [hbm4b:s5+s6], $0x20, s0, s6, $0xb8;
	[tilespmem:$0xEA00] =	vst v63  }
0x199: {  	s20 =	rddreg [dreg:$0x17]  }
0x19a: {  	[tilespmem:s12], [sflag:$0x1] =	stream.indirect.gather [hbm4b:s5+s6], $0x20, s20, s6, $0xb8;
	[tilespmem:$0xEA00] =	vst v63  }
0x19b: {  	s0 =	rddreg [dreg:$0x18]  }
0x19c: {  	[tilespmem:s13], [sflag:$0x1] =	stream.indirect.gather [hbm4b:s5+s6], $0x20, s0, s6, $0xb8;
	[tilespmem:$0xEA00] =	vst v63  }
0x19d: {  	s20 =	rddreg [dreg:$0x19]  }
0x19e: {  	[tilespmem:s14], [sflag:$0x1] =	stream.indirect.gather [hbm4b:s5+s6], $0x20, s20, s6, $0xb8;
	[tilespmem:$0xEA00] =	vst v63  }
0x19f: {  	s0 =	rddreg [dreg:$0x1a]  }
0x1a0: {  	[tilespmem:s15], [sflag:$0x1] =	stream.indirect.gather [hbm4b:s5+s6], $0x20, s0, s6, $0xb8;
	[tilespmem:$0xEA00] =	vst v63  }
0x1a1: {  	s20 =	rddreg [dreg:$0x1b]  }
0x1a2: {  	[tilespmem:s16], [sflag:$0x1] =	stream.indirect.gather [hbm4b:s5+s6], $0x20, s20, s6, $0xb8;
	[tilespmem:$0xEA00] =	vst v63  }
0x1a3: {  	s0 =	rddreg [dreg:$0x1c]  }
0x1a4: {  	[tilespmem:s17], [sflag:$0x1] =	stream.indirect.gather [hbm4b:s5+s6], $0x20, s0, s6, $0xb8;
	[tilespmem:$0xEA00] =	vst v63  }
0x1a5: {  	s20 =	rddreg [dreg:$0x1d]  }
0x1a6: {  	[tilespmem:s18], [sflag:$0x1] =	stream.indirect.gather [hbm4b:s5+s6], $0x20, s20, s6, $0xb8;
	[tilespmem:$0xEA00] =	vst v63  }
0x1a7: {  	s0 =	rddreg [dreg:$0x1e]  }
0x1a8: {  	[tilespmem:s19], [sflag:$0x1] =	stream.indirect.gather [hbm4b:s5+s6], $0x20, s0, s6, $0xb8;
	[tilespmem:$0xEA00] =	vst v63  }
0x1a9: {  	_ =	swait.ge [sflag:s7], $0x1000  }
0x1aa: {  	[sflag:s7] =	ssyncset.done $0x0  }
0x1ab: {  	[sflag:s7] =	ssyncadd.s32 $0xFFFFF000  }
0x1ac: {  	_ =	swait.ge [sflag:s7], $0x1000  }
0x1ad: {  	[sflag:s7] =	ssyncset.done $0x0  }
0x1ae: {  	[sflag:s7] =	ssyncadd.s32 $0xFFFFF000  }
0x1af: {  	_ =	swait.ge [sflag:s7], $0x1000  }
0x1b0: {  	[sflag:s7] =	ssyncset.done $0x0  }
0x1b1: {  	[sflag:s7] =	ssyncadd.s32 $0xFFFFF000  }
0x1b2: {  	_ =	swait.ge [sflag:s7], $0x1000  }
0x1b3: {  	[sflag:s7] =	ssyncset.done $0x0  }
0x1b4: {  	[sflag:s7] =	ssyncadd.s32 $0xFFFFF000  }
0x1b5: {  	_ =	swait.ge [sflag:s7], $0x1000  }
0x1b6: {  	[sflag:s7] =	ssyncset.done $0x0  }
0x1b7: {  	[sflag:s7] =	ssyncadd.s32 $0xFFFFF000  }
0x1b8: {  	_ =	swait.ge [sflag:s7], $0x1000  }
0x1b9: {  	[sflag:s7] =	ssyncset.done $0x0  }
0x1ba: {  	[sflag:s7] =	ssyncadd.s32 $0xFFFFF000  }
0x1bb: {  	_ =	swait.ge [sflag:s7], $0x1000  }
0x1bc: {  	[sflag:s7] =	ssyncset.done $0x0  }
0x1bd: {  	[sflag:s7] =	ssyncadd.s32 $0xFFFFF000  }
0x1be: {  	_ =	swait.ge [sflag:s7], $0x1000  }
0x1bf: {  	[sflag:s7] =	ssyncset.done $0x0  }
0x1c0: {  	[sflag:s7] =	ssyncadd.s32 $0xFFFFF000  }
0x1c1: {  	_ =	swait.ge [sflag:s7], $0x1000  }
0x1c2: {  	[sflag:s7] =	ssyncset.done $0x0  }
0x1c3: {  	[sflag:s7] =	ssyncadd.s32 $0xFFFFF000  }
0x1c4: {  	_ =	swait.ge [sflag:s7], $0x1000  }
0x1c5: {  	[sflag:s7] =	ssyncset.done $0x0  }
0x1c6: {  	[sflag:s7] =	ssyncadd.s32 $0xFFFFF000  }
0x1c7: {  	_ =	swait.ge [sflag:s7], $0x1000  }
0x1c8: {  	[sflag:s7] =	ssyncset.done $0x0  }
0x1c9: {  	[sflag:s7] =	ssyncadd.s32 $0xFFFFF000  }
0x1ca: {  	_ =	swait.ge [sflag:s7], $0x1000  }
0x1cb: {  	[sflag:s7] =	ssyncset.done $0x0  }
0x1cc: {  	[sflag:s7] =	ssyncadd.s32 $0xFFFFF000  }
0x1cd: {  	_ =	swait.ge [sflag:s7], $0x1000  }
0x1ce: {  	[sflag:s7] =	ssyncset.done $0x0  }
0x1cf: {  	s20 =	rddreg [dreg:$0x4];
	[sflag:s7] =	ssyncadd.s32 $0xFFFFF000  }
0x1d0: {  	[hbm4b:s20+s2] =	stream.linear.scatter [tilespmem:s4], [sflag:$0x2], $0xD000, $0x38;
	[tilespmem:$0xEA00] =	vst v63  }
0x1d1: {  	_ =	swait.ge [sflag:s3], $0xD000  }
0x1d2: {  	s0 =	rddreg [dreg:$0x1f];
	[sflag:s3] =	ssyncset.done $0x0  }
0x1d3: {  	s20 =	sld [smem:$0x7F0];
	[sflag:s3] =	ssyncadd.s32 $0xFFFF3000  }
0x1d4: {  	[tilespmem:s4], [sflag:$0x1] =	stream.indirect.gather [hbm4b:s5+s6], $0x20, s0, s6, $0xb8;
	[tilespmem:$0xEA00] =	vst v63  }
0x1d5: {  	s0 =	sld [smem:$0x7F1]  }
0x1d6: {  	[tilespmem:s8], [sflag:$0x1] =	stream.indirect.gather [hbm4b:s5+s6], $0x20, s20, s6, $0xb8;
	[tilespmem:$0xEA00] =	vst v63  }
0x1d7: {  	s20 =	sld [smem:$0x7F2]  }
0x1d8: {  	[tilespmem:s9], [sflag:$0x1] =	stream.indirect.gather [hbm4b:s5+s6], $0x20, s0, s6, $0xb8;
	[tilespmem:$0xEA00] =	vst v63  }
0x1d9: {  	s0 =	sld [smem:$0x7F3]  }
0x1da: {  	[tilespmem:s10], [sflag:$0x1] =	stream.indirect.gather [hbm4b:s5+s6], $0x20, s20, s6, $0xb8;
	[tilespmem:$0xEA00] =	vst v63  }
0x1db: {  	s20 =	sld [smem:$0x7F4]  }
0x1dc: {  	[tilespmem:s11], [sflag:$0x1] =	stream.indirect.gather [hbm4b:s5+s6], $0x20, s0, s6, $0xb8;
	[tilespmem:$0xEA00] =	vst v63  }
0x1dd: {  	s0 =	sld [smem:$0x7F5]  }
0x1de: {  	[tilespmem:s12], [sflag:$0x1] =	stream.indirect.gather [hbm4b:s5+s6], $0x20, s20, s6, $0xb8;
	[tilespmem:$0xEA00] =	vst v63  }
0x1df: {  	s20 =	sld [smem:$0x7F6]  }
0x1e0: {  	[tilespmem:s13], [sflag:$0x1] =	stream.indirect.gather [hbm4b:s5+s6], $0x20, s0, s6, $0xb8;
	[tilespmem:$0xEA00] =	vst v63  }
0x1e1: {  	s0 =	sld [smem:$0x7F7]  }
0x1e2: {  	[tilespmem:s14], [sflag:$0x1] =	stream.indirect.gather [hbm4b:s5+s6], $0x20, s20, s6, $0xb8;
	[tilespmem:$0xEA00] =	vst v63  }
0x1e3: {  	s20 =	sld [smem:$0x7F8]  }
0x1e4: {  	[tilespmem:s15], [sflag:$0x1] =	stream.indirect.gather [hbm4b:s5+s6], $0x20, s0, s6, $0xb8;
	[tilespmem:$0xEA00] =	vst v63  }
0x1e5: {  	s0 =	sld [smem:$0x7F9]  }
0x1e6: {  	[tilespmem:s16], [sflag:$0x1] =	stream.indirect.gather [hbm4b:s5+s6], $0x20, s20, s6, $0xb8;
	[tilespmem:$0xEA00] =	vst v63  }
0x1e7: {  	s20 =	sld [smem:$0x7FA]  }
0x1e8: {  	[tilespmem:s17], [sflag:$0x1] =	stream.indirect.gather [hbm4b:s5+s6], $0x20, s0, s6, $0xb8;
	[tilespmem:$0xEA00] =	vst v63  }
0x1e9: {  	s0 =	sld [smem:$0x7FB]  }
0x1ea: {  	[tilespmem:s18], [sflag:$0x1] =	stream.indirect.gather [hbm4b:s5+s6], $0x20, s20, s6, $0xb8;
	[tilespmem:$0xEA00] =	vst v63  }
0x1eb: {  	_ = 	snop  }
0x1ec: {  	[tilespmem:s19], [sflag:$0x1] =	stream.indirect.gather [hbm4b:s5+s6], $0x20, s0, s6, $0xb8;
	[tilespmem:$0xEA00] =	vst v63  }
0x1ed: {  	_ =	swait.ge [sflag:s7], $0x1000  }
0x1ee: {  	[sflag:s7] =	ssyncset.done $0x0  }
0x1ef: {  	[sflag:s7] =	ssyncadd.s32 $0xFFFFF000  }
0x1f0: {  	_ =	swait.ge [sflag:s7], $0x1000  }
0x1f1: {  	[sflag:s7] =	ssyncset.done $0x0  }
0x1f2: {  	[sflag:s7] =	ssyncadd.s32 $0xFFFFF000  }
0x1f3: {  	_ =	swait.ge [sflag:s7], $0x1000  }
0x1f4: {  	[sflag:s7] =	ssyncset.done $0x0  }
0x1f5: {  	[sflag:s7] =	ssyncadd.s32 $0xFFFFF000  }
0x1f6: {  	_ =	swait.ge [sflag:s7], $0x1000  }
0x1f7: {  	[sflag:s7] =	ssyncset.done $0x0  }
0x1f8: {  	[sflag:s7] =	ssyncadd.s32 $0xFFFFF000  }
0x1f9: {  	_ =	swait.ge [sflag:s7], $0x1000  }
0x1fa: {  	[sflag:s7] =	ssyncset.done $0x0  }
0x1fb: {  	[sflag:s7] =	ssyncadd.s32 $0xFFFFF000  }
0x1fc: {  	_ =	swait.ge [sflag:s7], $0x1000  }
0x1fd: {  	[sflag:s7] =	ssyncset.done $0x0  }
0x1fe: {  	[sflag:s7] =	ssyncadd.s32 $0xFFFFF000  }
0x1ff: {  	_ =	swait.ge [sflag:s7], $0x1000  }
0x200: {  	[sflag:s7] =	ssyncset.done $0x0  }
0x201: {  	[sflag:s7] =	ssyncadd.s32 $0xFFFFF000  }
0x202: {  	_ =	swait.ge [sflag:s7], $0x1000  }
0x203: {  	[sflag:s7] =	ssyncset.done $0x0  }
0x204: {  	[sflag:s7] =	ssyncadd.s32 $0xFFFFF000  }
0x205: {  	_ =	swait.ge [sflag:s7], $0x1000  }
0x206: {  	[sflag:s7] =	ssyncset.done $0x0  }
0x207: {  	[sflag:s7] =	ssyncadd.s32 $0xFFFFF000  }
0x208: {  	_ =	swait.ge [sflag:s7], $0x1000  }
0x209: {  	[sflag:s7] =	ssyncset.done $0x0  }
0x20a: {  	[sflag:s7] =	ssyncadd.s32 $0xFFFFF000  }
0x20b: {  	_ =	swait.ge [sflag:s7], $0x1000  }
0x20c: {  	[sflag:s7] =	ssyncset.done $0x0  }
0x20d: {  	[sflag:s7] =	ssyncadd.s32 $0xFFFFF000  }
0x20e: {  	_ =	swait.ge [sflag:s7], $0x1000  }
0x20f: {  	[sflag:s7] =	ssyncset.done $0x0  }
0x210: {  	[sflag:s7] =	ssyncadd.s32 $0xFFFFF000  }
0x211: {  	_ =	swait.ge [sflag:s7], $0x1000  }
0x212: {  	[sflag:s7] =	ssyncset.done $0x0  }
0x213: {  	s20 =	rddreg [dreg:$0x5];
	[sflag:s7] =	ssyncadd.s32 $0xFFFFF000  }
0x214: {  	[hbm4b:s20+s2] =	stream.linear.scatter [tilespmem:s4], [sflag:$0x2], $0xD000, $0x38;
	[tilespmem:$0xEA00] =	vst v63  }
0x215: {  	_ =	swait.ge [sflag:s3], $0xD000  }
0x216: {  	s0 =	sld [smem:$0x7FC]  }
0x217: {  	[sflag:s3] =	ssyncset.done $0x0  }
0x218: {  	s20 =	sld [smem:$0x7FD];
	[sflag:s3] =	ssyncadd.s32 $0xFFFF3000  }
0x219: {  	[tilespmem:s4], [sflag:$0x1] =	stream.indirect.gather [hbm4b:s5+s6], $0x20, s0, s6, $0xb8;
	[tilespmem:$0xEA00] =	vst v63  }
0x21a: {  	_ = 	snop  }
0x21b: {  	[tilespmem:s8], [sflag:$0x1] =	stream.indirect.gather [hbm4b:s5+s6], $0x20, s20, s6, $0xb8;
	[tilespmem:$0xEA00] =	vst v63  }
0x21c: {  	s20 =	simm.s32 $0x1480  }
0x21d: {  	[tilespmem:s9], [sflag:$0x1] =	stream.indirect.gather [hbm4b:s5+s6], $0x20, s20, s6, $0xb8;
	[tilespmem:$0xEA00] =	vst v63  }
0x21e: {  	_ = 	snop  }
0x21f: {  	[tilespmem:s10], [sflag:$0x1] =	stream.indirect.gather [hbm4b:s5+s6], $0x20, s22, s6, $0xb8;
	[tilespmem:$0xEA00] =	vst v63  }
0x220: {  	_ = 	snop  }
0x221: {  	[tilespmem:s11], [sflag:$0x1] =	stream.indirect.gather [hbm4b:s5+s6], $0x20, s23, s6, $0xb8;
	[tilespmem:$0xEA00] =	vst v63  }
0x222: {  	_ = 	snop  }
0x223: {  	[tilespmem:s12], [sflag:$0x1] =	stream.indirect.gather [hbm4b:s5+s6], $0x20, s24, s6, $0xb8;
	[tilespmem:$0xEA00] =	vst v63  }
0x224: {  	_ = 	snop  }
0x225: {  	[tilespmem:s13], [sflag:$0x1] =	stream.indirect.gather [hbm4b:s5+s6], $0x20, s25, s6, $0xb8;
	[tilespmem:$0xEA00] =	vst v63  }
0x226: {  	_ = 	snop  }
0x227: {  	[tilespmem:s14], [sflag:$0x1] =	stream.indirect.gather [hbm4b:s5+s6], $0x20, s26, s6, $0xb8;
	[tilespmem:$0xEA00] =	vst v63  }
0x228: {  	_ = 	snop  }
0x229: {  	[tilespmem:s15], [sflag:$0x1] =	stream.indirect.gather [hbm4b:s5+s6], $0x20, s28, s6, $0xb8;
	[tilespmem:$0xEA00] =	vst v63  }
0x22a: {  	_ = 	snop  }
0x22b: {  	[tilespmem:s16], [sflag:$0x1] =	stream.indirect.gather [hbm4b:s5+s6], $0x20, s29, s6, $0xb8;
	[tilespmem:$0xEA00] =	vst v63  }
0x22c: {  	_ = 	snop  }
0x22d: {  	[tilespmem:s17], [sflag:$0x1] =	stream.indirect.gather [hbm4b:s5+s6], $0x20, s30, s6, $0xb8;
	[tilespmem:$0xEA00] =	vst v63  }
0x22e: {  	_ = 	snop  }
0x22f: {  	[tilespmem:s18], [sflag:$0x1] =	stream.indirect.gather [hbm4b:s5+s6], $0x20, s31, s6, $0xb8;
	[tilespmem:$0xEA00] =	vst v63  }
0x230: {  	_ = 	snop  }
0x231: {  	[tilespmem:s19], [sflag:$0x1] =	stream.indirect.gather [hbm4b:s5+s6], $0x20, s21, s6, $0xb8;
	[tilespmem:$0xEA00] =	vst v63  }
0x232: {  	_ =	swait.ge [sflag:s7], $0x1000  }
0x233: {  	[sflag:s7] =	ssyncset.done $0x0  }
0x234: {  	[sflag:s7] =	ssyncadd.s32 $0xFFFFF000  }
0x235: {  	_ =	swait.ge [sflag:s7], $0x1000  }
0x236: {  	[sflag:s7] =	ssyncset.done $0x0  }
0x237: {  	[sflag:s7] =	ssyncadd.s32 $0xFFFFF000  }
0x238: {  	_ =	swait.ge [sflag:s7], $0x1000  }
0x239: {  	[sflag:s7] =	ssyncset.done $0x0  }
0x23a: {  	[sflag:s7] =	ssyncadd.s32 $0xFFFFF000  }
0x23b: {  	_ =	swait.ge [sflag:s7], $0x1000  }
0x23c: {  	[sflag:s7] =	ssyncset.done $0x0  }
0x23d: {  	[sflag:s7] =	ssyncadd.s32 $0xFFFFF000  }
0x23e: {  	_ =	swait.ge [sflag:s7], $0x1000  }
0x23f: {  	[sflag:s7] =	ssyncset.done $0x0  }
0x240: {  	[sflag:s7] =	ssyncadd.s32 $0xFFFFF000  }
0x241: {  	_ =	swait.ge [sflag:s7], $0x1000  }
0x242: {  	[sflag:s7] =	ssyncset.done $0x0  }
0x243: {  	[sflag:s7] =	ssyncadd.s32 $0xFFFFF000  }
0x244: {  	_ =	swait.ge [sflag:s7], $0x1000  }
0x245: {  	[sflag:s7] =	ssyncset.done $0x0  }
0x246: {  	[sflag:s7] =	ssyncadd.s32 $0xFFFFF000  }
0x247: {  	_ =	swait.ge [sflag:s7], $0x1000  }
0x248: {  	[sflag:s7] =	ssyncset.done $0x0  }
0x249: {  	[sflag:s7] =	ssyncadd.s32 $0xFFFFF000  }
0x24a: {  	_ =	swait.ge [sflag:s7], $0x1000  }
0x24b: {  	[sflag:s7] =	ssyncset.done $0x0  }
0x24c: {  	[sflag:s7] =	ssyncadd.s32 $0xFFFFF000  }
0x24d: {  	_ =	swait.ge [sflag:s7], $0x1000  }
0x24e: {  	[sflag:s7] =	ssyncset.done $0x0  }
0x24f: {  	[sflag:s7] =	ssyncadd.s32 $0xFFFFF000  }
0x250: {  	_ =	swait.ge [sflag:s7], $0x1000  }
0x251: {  	[sflag:s7] =	ssyncset.done $0x0  }
0x252: {  	[sflag:s7] =	ssyncadd.s32 $0xFFFFF000  }
0x253: {  	_ =	swait.ge [sflag:s7], $0x1000  }
0x254: {  	[sflag:s7] =	ssyncset.done $0x0  }
0x255: {  	[sflag:s7] =	ssyncadd.s32 $0xFFFFF000  }
0x256: {  	p1 =	sne.s32 s1, $0x1;
	_ =	swait.ge [sflag:s7], $0x1000  }
.Ltmp2:
0x257: {  	[sflag:s7] =	ssyncset.done $0x0;
	(pc) =	sbr.rel @p1 .LBB2_4-.Ltmp2, $4  }
0x258: {  	s20 =	rddreg [dreg:$0x6];
	[sflag:s7] =	ssyncadd.s32 $0xFFFFF000  }
0x259: {  	[hbm4b:s20+s2] =	stream.linear.scatter [tilespmem:s4], [sflag:$0x2], $0xD000, $0x38;
	[tilespmem:$0xEA00] =	vst v63  }
0x25a: {  	_ =	swait.ge [sflag:s3], $0xD000  }
0x25b: {  	s1 =	sadd.s32 $0xFFFFFFFF, s1;
	s0 =	rddreg [dreg:$0x2];
	[sflag:s3] =	ssyncset.done $0x0  }
0x25c: {  	s31 =	simm.s32 $0x1900;
	s30 =	simm.s32 $0x1880  }
0x25d: {  	s29 =	simm.s32 $0x1800;
	s28 =	simm.s32 $0x1780;
	s26 =	simm.s32 $0x1700  }
0x25e: {  	s25 =	simm.s32 $0x1680;
	s24 =	simm.s32 $0x1600;
	s23 =	simm.s32 $0x1580  }
0x25f: {  	s22 =	simm.s32 $0x1500;
	s21 =	simm.s32 $0x1480;
	s20 =	stileid.u32  }
.LBB2_6:
0x260: {  	[sflag:s3] =	ssyncadd.s32 @p0 $0xFFFF3000  }
0x261: {  	[tilespmem:s2], [sflag:$0x2] =	stream.linear.gather [hbm4b:s0+s2], $0x1A00, $0x38;
	[tilespmem:$0xEA00] =	vst v63  }
0x262: {  	_ =	swait.ge [sflag:s3], $0x1A00  }
0x263: {  	[sflag:s3] =	ssyncset.done $0x0  }
0x264: {  	[sflag:s3] =	ssyncadd.s32 $0xFFFFE600  }
0x265: {  	[tilespmem:s4], [sflag:$0x1] =	stream.indirect.gather [hbm4b:s5+s6], $0x20, s2, s6, $0xb8;
	[tilespmem:$0xEA00] =	vst v63  }
0x266: {  	_ = 	snop  }
0x267: {  	[tilespmem:s8], [sflag:$0x1] =	stream.indirect.gather [hbm4b:s5+s6], $0x20, s6, s6, $0xb8;
	[tilespmem:$0xEA00] =	vst v63  }
0x268: {  	s0 =	rddreg [dreg:$0x7]  }
0x269: {  	[tilespmem:s9], [sflag:$0x1] =	stream.indirect.gather [hbm4b:s5+s6], $0x20, s0, s6, $0xb8;
	[tilespmem:$0xEA00] =	vst v63  }
0x26a: {  	s1 =	rddreg [dreg:$0x8]  }
0x26b: {  	[tilespmem:s10], [sflag:$0x1] =	stream.indirect.gather [hbm4b:s5+s6], $0x20, s1, s6, $0xb8;
	[tilespmem:$0xEA00] =	vst v63  }
0x26c: {  	s0 =	rddreg [dreg:$0x9]  }
0x26d: {  	[tilespmem:s11], [sflag:$0x1] =	stream.indirect.gather [hbm4b:s5+s6], $0x20, s0, s6, $0xb8;
	[tilespmem:$0xEA00] =	vst v63  }
0x26e: {  	s1 =	rddreg [dreg:$0xa]  }
0x26f: {  	[tilespmem:s12], [sflag:$0x1] =	stream.indirect.gather [hbm4b:s5+s6], $0x20, s1, s6, $0xb8;
	[tilespmem:$0xEA00] =	vst v63  }
0x270: {  	s0 =	rddreg [dreg:$0xb]  }
0x271: {  	[tilespmem:s13], [sflag:$0x1] =	stream.indirect.gather [hbm4b:s5+s6], $0x20, s0, s6, $0xb8;
	[tilespmem:$0xEA00] =	vst v63  }
0x272: {  	s1 =	rddreg [dreg:$0xc]  }
0x273: {  	[tilespmem:s14], [sflag:$0x1] =	stream.indirect.gather [hbm4b:s5+s6], $0x20, s1, s6, $0xb8;
	[tilespmem:$0xEA00] =	vst v63  }
0x274: {  	s0 =	rddreg [dreg:$0xd]  }
0x275: {  	[tilespmem:s15], [sflag:$0x1] =	stream.indirect.gather [hbm4b:s5+s6], $0x20, s0, s6, $0xb8;
	[tilespmem:$0xEA00] =	vst v63  }
0x276: {  	s1 =	rddreg [dreg:$0xe]  }
0x277: {  	[tilespmem:s16], [sflag:$0x1] =	stream.indirect.gather [hbm4b:s5+s6], $0x20, s1, s6, $0xb8;
	[tilespmem:$0xEA00] =	vst v63  }
0x278: {  	s0 =	rddreg [dreg:$0xf]  }
0x279: {  	[tilespmem:s17], [sflag:$0x1] =	stream.indirect.gather [hbm4b:s5+s6], $0x20, s0, s6, $0xb8;
	[tilespmem:$0xEA00] =	vst v63  }
0x27a: {  	s1 =	rddreg [dreg:$0x10]  }
0x27b: {  	[tilespmem:s18], [sflag:$0x1] =	stream.indirect.gather [hbm4b:s5+s6], $0x20, s1, s6, $0xb8;
	[tilespmem:$0xEA00] =	vst v63  }
0x27c: {  	s0 =	rddreg [dreg:$0x11]  }
0x27d: {  	[tilespmem:s19], [sflag:$0x1] =	stream.indirect.gather [hbm4b:s5+s6], $0x20, s0, s6, $0xb8;
	[tilespmem:$0xEA00] =	vst v63  }
0x27e: {  	_ =	swait.ge [sflag:s7], $0x1000  }
0x27f: {  	[sflag:s7] =	ssyncset.done $0x0  }
0x280: {  	[sflag:s7] =	ssyncadd.s32 $0xFFFFF000  }
0x281: {  	_ =	swait.ge [sflag:s7], $0x1000  }
0x282: {  	[sflag:s7] =	ssyncset.done $0x0  }
0x283: {  	[sflag:s7] =	ssyncadd.s32 $0xFFFFF000  }
0x284: {  	_ =	swait.ge [sflag:s7], $0x1000  }
0x285: {  	[sflag:s7] =	ssyncset.done $0x0  }
0x286: {  	[sflag:s7] =	ssyncadd.s32 $0xFFFFF000  }
0x287: {  	_ =	swait.ge [sflag:s7], $0x1000  }
0x288: {  	[sflag:s7] =	ssyncset.done $0x0  }
0x289: {  	[sflag:s7] =	ssyncadd.s32 $0xFFFFF000  }
0x28a: {  	_ =	swait.ge [sflag:s7], $0x1000  }
0x28b: {  	[sflag:s7] =	ssyncset.done $0x0  }
0x28c: {  	[sflag:s7] =	ssyncadd.s32 $0xFFFFF000  }
0x28d: {  	_ =	swait.ge [sflag:s7], $0x1000  }
0x28e: {  	[sflag:s7] =	ssyncset.done $0x0  }
0x28f: {  	[sflag:s7] =	ssyncadd.s32 $0xFFFFF000  }
0x290: {  	_ =	swait.ge [sflag:s7], $0x1000  }
0x291: {  	[sflag:s7] =	ssyncset.done $0x0  }
0x292: {  	[sflag:s7] =	ssyncadd.s32 $0xFFFFF000  }
0x293: {  	_ =	swait.ge [sflag:s7], $0x1000  }
0x294: {  	[sflag:s7] =	ssyncset.done $0x0  }
0x295: {  	[sflag:s7] =	ssyncadd.s32 $0xFFFFF000  }
0x296: {  	_ =	swait.ge [sflag:s7], $0x1000  }
0x297: {  	[sflag:s7] =	ssyncset.done $0x0  }
0x298: {  	[sflag:s7] =	ssyncadd.s32 $0xFFFFF000  }
0x299: {  	_ =	swait.ge [sflag:s7], $0x1000  }
0x29a: {  	[sflag:s7] =	ssyncset.done $0x0  }
0x29b: {  	[sflag:s7] =	ssyncadd.s32 $0xFFFFF000  }
0x29c: {  	_ =	swait.ge [sflag:s7], $0x1000  }
0x29d: {  	[sflag:s7] =	ssyncset.done $0x0  }
0x29e: {  	[sflag:s7] =	ssyncadd.s32 $0xFFFFF000  }
0x29f: {  	_ =	swait.ge [sflag:s7], $0x1000  }
0x2a0: {  	[sflag:s7] =	ssyncset.done $0x0  }
0x2a1: {  	[sflag:s7] =	ssyncadd.s32 $0xFFFFF000  }
0x2a2: {  	_ =	swait.ge [sflag:s7], $0x1000  }
0x2a3: {  	[sflag:s7] =	ssyncset.done $0x0  }
0x2a4: {  	s1 =	rddreg [dreg:$0x3];
	[sflag:s7] =	ssyncadd.s32 $0xFFFFF000  }
0x2a5: {  	[hbm4b:s1+s2] =	stream.linear.scatter [tilespmem:s4], [sflag:$0x2], $0xD000, $0x38;
	[tilespmem:$0xEA00] =	vst v63  }
0x2a6: {  	_ =	swait.ge [sflag:s3], $0xD000  }
0x2a7: {  	[sflag:s3] =	ssyncset.done $0x0  }
0x2a8: {  	s0 =	rddreg [dreg:$0x12];
	[sflag:s3] =	ssyncadd.s32 $0xFFFF3000  }
0x2a9: {  	[tilespmem:s4], [sflag:$0x1] =	stream.indirect.gather [hbm4b:s5+s6], $0x20, s0, s6, $0xb8;
	[tilespmem:$0xEA00] =	vst v63  }
0x2aa: {  	s1 =	rddreg [dreg:$0x13]  }
0x2ab: {  	[tilespmem:s8], [sflag:$0x1] =	stream.indirect.gather [hbm4b:s5+s6], $0x20, s1, s6, $0xb8;
	[tilespmem:$0xEA00] =	vst v63  }
0x2ac: {  	s0 =	rddreg [dreg:$0x14]  }
0x2ad: {  	[tilespmem:s9], [sflag:$0x1] =	stream.indirect.gather [hbm4b:s5+s6], $0x20, s0, s6, $0xb8;
	[tilespmem:$0xEA00] =	vst v63  }
0x2ae: {  	s1 =	rddreg [dreg:$0x15]  }
0x2af: {  	[tilespmem:s10], [sflag:$0x1] =	stream.indirect.gather [hbm4b:s5+s6], $0x20, s1, s6, $0xb8;
	[tilespmem:$0xEA00] =	vst v63  }
0x2b0: {  	s0 =	rddreg [dreg:$0x16]  }
0x2b1: {  	[tilespmem:s11], [sflag:$0x1] =	stream.indirect.gather [hbm4b:s5+s6], $0x20, s0, s6, $0xb8;
	[tilespmem:$0xEA00] =	vst v63  }
0x2b2: {  	s1 =	rddreg [dreg:$0x17]  }
0x2b3: {  	[tilespmem:s12], [sflag:$0x1] =	stream.indirect.gather [hbm4b:s5+s6], $0x20, s1, s6, $0xb8;
	[tilespmem:$0xEA00] =	vst v63  }
0x2b4: {  	s0 =	rddreg [dreg:$0x18]  }
0x2b5: {  	[tilespmem:s13], [sflag:$0x1] =	stream.indirect.gather [hbm4b:s5+s6], $0x20, s0, s6, $0xb8;
	[tilespmem:$0xEA00] =	vst v63  }
0x2b6: {  	s1 =	rddreg [dreg:$0x19]  }
0x2b7: {  	[tilespmem:s14], [sflag:$0x1] =	stream.indirect.gather [hbm4b:s5+s6], $0x20, s1, s6, $0xb8;
	[tilespmem:$0xEA00] =	vst v63  }
0x2b8: {  	s0 =	rddreg [dreg:$0x1a]  }
0x2b9: {  	[tilespmem:s15], [sflag:$0x1] =	stream.indirect.gather [hbm4b:s5+s6], $0x20, s0, s6, $0xb8;
	[tilespmem:$0xEA00] =	vst v63  }
0x2ba: {  	s1 =	rddreg [dreg:$0x1b]  }
0x2bb: {  	[tilespmem:s16], [sflag:$0x1] =	stream.indirect.gather [hbm4b:s5+s6], $0x20, s1, s6, $0xb8;
	[tilespmem:$0xEA00] =	vst v63  }
0x2bc: {  	s0 =	rddreg [dreg:$0x1c]  }
0x2bd: {  	[tilespmem:s17], [sflag:$0x1] =	stream.indirect.gather [hbm4b:s5+s6], $0x20, s0, s6, $0xb8;
	[tilespmem:$0xEA00] =	vst v63  }
0x2be: {  	s1 =	rddreg [dreg:$0x1d]  }
0x2bf: {  	[tilespmem:s18], [sflag:$0x1] =	stream.indirect.gather [hbm4b:s5+s6], $0x20, s1, s6, $0xb8;
	[tilespmem:$0xEA00] =	vst v63  }
0x2c0: {  	s0 =	rddreg [dreg:$0x1e]  }
0x2c1: {  	[tilespmem:s19], [sflag:$0x1] =	stream.indirect.gather [hbm4b:s5+s6], $0x20, s0, s6, $0xb8;
	[tilespmem:$0xEA00] =	vst v63  }
0x2c2: {  	_ =	swait.ge [sflag:s7], $0x1000  }
0x2c3: {  	[sflag:s7] =	ssyncset.done $0x0  }
0x2c4: {  	[sflag:s7] =	ssyncadd.s32 $0xFFFFF000  }
0x2c5: {  	_ =	swait.ge [sflag:s7], $0x1000  }
0x2c6: {  	[sflag:s7] =	ssyncset.done $0x0  }
0x2c7: {  	[sflag:s7] =	ssyncadd.s32 $0xFFFFF000  }
0x2c8: {  	_ =	swait.ge [sflag:s7], $0x1000  }
0x2c9: {  	[sflag:s7] =	ssyncset.done $0x0  }
0x2ca: {  	[sflag:s7] =	ssyncadd.s32 $0xFFFFF000  }
0x2cb: {  	_ =	swait.ge [sflag:s7], $0x1000  }
0x2cc: {  	[sflag:s7] =	ssyncset.done $0x0  }
0x2cd: {  	[sflag:s7] =	ssyncadd.s32 $0xFFFFF000  }
0x2ce: {  	_ =	swait.ge [sflag:s7], $0x1000  }
0x2cf: {  	[sflag:s7] =	ssyncset.done $0x0  }
0x2d0: {  	[sflag:s7] =	ssyncadd.s32 $0xFFFFF000  }
0x2d1: {  	_ =	swait.ge [sflag:s7], $0x1000  }
0x2d2: {  	[sflag:s7] =	ssyncset.done $0x0  }
0x2d3: {  	[sflag:s7] =	ssyncadd.s32 $0xFFFFF000  }
0x2d4: {  	_ =	swait.ge [sflag:s7], $0x1000  }
0x2d5: {  	[sflag:s7] =	ssyncset.done $0x0  }
0x2d6: {  	[sflag:s7] =	ssyncadd.s32 $0xFFFFF000  }
0x2d7: {  	_ =	swait.ge [sflag:s7], $0x1000  }
0x2d8: {  	[sflag:s7] =	ssyncset.done $0x0  }
0x2d9: {  	[sflag:s7] =	ssyncadd.s32 $0xFFFFF000  }
0x2da: {  	_ =	swait.ge [sflag:s7], $0x1000  }
0x2db: {  	[sflag:s7] =	ssyncset.done $0x0  }
0x2dc: {  	[sflag:s7] =	ssyncadd.s32 $0xFFFFF000  }
0x2dd: {  	_ =	swait.ge [sflag:s7], $0x1000  }
0x2de: {  	[sflag:s7] =	ssyncset.done $0x0  }
0x2df: {  	[sflag:s7] =	ssyncadd.s32 $0xFFFFF000  }
0x2e0: {  	_ =	swait.ge [sflag:s7], $0x1000  }
0x2e1: {  	[sflag:s7] =	ssyncset.done $0x0  }
0x2e2: {  	[sflag:s7] =	ssyncadd.s32 $0xFFFFF000  }
0x2e3: {  	_ =	swait.ge [sflag:s7], $0x1000  }
0x2e4: {  	[sflag:s7] =	ssyncset.done $0x0  }
0x2e5: {  	[sflag:s7] =	ssyncadd.s32 $0xFFFFF000  }
0x2e6: {  	_ =	swait.ge [sflag:s7], $0x1000  }
0x2e7: {  	[sflag:s7] =	ssyncset.done $0x0  }
0x2e8: {  	s1 =	rddreg [dreg:$0x4];
	[sflag:s7] =	ssyncadd.s32 $0xFFFFF000  }
0x2e9: {  	[hbm4b:s1+s2] =	stream.linear.scatter [tilespmem:s4], [sflag:$0x2], $0xD000, $0x38;
	[tilespmem:$0xEA00] =	vst v63  }
0x2ea: {  	_ =	swait.ge [sflag:s3], $0xD000  }
0x2eb: {  	s0 =	rddreg [dreg:$0x1f];
	[sflag:s3] =	ssyncset.done $0x0  }
0x2ec: {  	s1 =	sld [smem:$0x7F0];
	[sflag:s3] =	ssyncadd.s32 $0xFFFF3000  }
0x2ed: {  	[tilespmem:s4], [sflag:$0x1] =	stream.indirect.gather [hbm4b:s5+s6], $0x20, s0, s6, $0xb8;
	[tilespmem:$0xEA00] =	vst v63  }
0x2ee: {  	s0 =	sld [smem:$0x7F1]  }
0x2ef: {  	[tilespmem:s8], [sflag:$0x1] =	stream.indirect.gather [hbm4b:s5+s6], $0x20, s1, s6, $0xb8;
	[tilespmem:$0xEA00] =	vst v63  }
0x2f0: {  	s1 =	sld [smem:$0x7F2]  }
0x2f1: {  	[tilespmem:s9], [sflag:$0x1] =	stream.indirect.gather [hbm4b:s5+s6], $0x20, s0, s6, $0xb8;
	[tilespmem:$0xEA00] =	vst v63  }
0x2f2: {  	s0 =	sld [smem:$0x7F3]  }
0x2f3: {  	[tilespmem:s10], [sflag:$0x1] =	stream.indirect.gather [hbm4b:s5+s6], $0x20, s1, s6, $0xb8;
	[tilespmem:$0xEA00] =	vst v63  }
0x2f4: {  	s1 =	sld [smem:$0x7F4]  }
0x2f5: {  	[tilespmem:s11], [sflag:$0x1] =	stream.indirect.gather [hbm4b:s5+s6], $0x20, s0, s6, $0xb8;
	[tilespmem:$0xEA00] =	vst v63  }
0x2f6: {  	s0 =	sld [smem:$0x7F5]  }
0x2f7: {  	[tilespmem:s12], [sflag:$0x1] =	stream.indirect.gather [hbm4b:s5+s6], $0x20, s1, s6, $0xb8;
	[tilespmem:$0xEA00] =	vst v63  }
0x2f8: {  	s1 =	sld [smem:$0x7F6]  }
0x2f9: {  	[tilespmem:s13], [sflag:$0x1] =	stream.indirect.gather [hbm4b:s5+s6], $0x20, s0, s6, $0xb8;
	[tilespmem:$0xEA00] =	vst v63  }
0x2fa: {  	s0 =	sld [smem:$0x7F7]  }
0x2fb: {  	[tilespmem:s14], [sflag:$0x1] =	stream.indirect.gather [hbm4b:s5+s6], $0x20, s1, s6, $0xb8;
	[tilespmem:$0xEA00] =	vst v63  }
0x2fc: {  	s1 =	sld [smem:$0x7F8]  }
0x2fd: {  	[tilespmem:s15], [sflag:$0x1] =	stream.indirect.gather [hbm4b:s5+s6], $0x20, s0, s6, $0xb8;
	[tilespmem:$0xEA00] =	vst v63  }
0x2fe: {  	s0 =	sld [smem:$0x7F9]  }
0x2ff: {  	[tilespmem:s16], [sflag:$0x1] =	stream.indirect.gather [hbm4b:s5+s6], $0x20, s1, s6, $0xb8;
	[tilespmem:$0xEA00] =	vst v63  }
0x300: {  	s1 =	sld [smem:$0x7FA]  }
0x301: {  	[tilespmem:s17], [sflag:$0x1] =	stream.indirect.gather [hbm4b:s5+s6], $0x20, s0, s6, $0xb8;
	[tilespmem:$0xEA00] =	vst v63  }
0x302: {  	s0 =	sld [smem:$0x7FB]  }
0x303: {  	[tilespmem:s18], [sflag:$0x1] =	stream.indirect.gather [hbm4b:s5+s6], $0x20, s1, s6, $0xb8;
	[tilespmem:$0xEA00] =	vst v63  }
0x304: {  	_ = 	snop  }
0x305: {  	[tilespmem:s19], [sflag:$0x1] =	stream.indirect.gather [hbm4b:s5+s6], $0x20, s0, s6, $0xb8;
	[tilespmem:$0xEA00] =	vst v63  }
0x306: {  	_ =	swait.ge [sflag:s7], $0x1000  }
0x307: {  	[sflag:s7] =	ssyncset.done $0x0  }
0x308: {  	[sflag:s7] =	ssyncadd.s32 $0xFFFFF000  }
0x309: {  	_ =	swait.ge [sflag:s7], $0x1000  }
0x30a: {  	[sflag:s7] =	ssyncset.done $0x0  }
0x30b: {  	[sflag:s7] =	ssyncadd.s32 $0xFFFFF000  }
0x30c: {  	_ =	swait.ge [sflag:s7], $0x1000  }
0x30d: {  	[sflag:s7] =	ssyncset.done $0x0  }
0x30e: {  	[sflag:s7] =	ssyncadd.s32 $0xFFFFF000  }
0x30f: {  	_ =	swait.ge [sflag:s7], $0x1000  }
0x310: {  	[sflag:s7] =	ssyncset.done $0x0  }
0x311: {  	[sflag:s7] =	ssyncadd.s32 $0xFFFFF000  }
0x312: {  	_ =	swait.ge [sflag:s7], $0x1000  }
0x313: {  	[sflag:s7] =	ssyncset.done $0x0  }
0x314: {  	[sflag:s7] =	ssyncadd.s32 $0xFFFFF000  }
0x315: {  	_ =	swait.ge [sflag:s7], $0x1000  }
0x316: {  	[sflag:s7] =	ssyncset.done $0x0  }
0x317: {  	[sflag:s7] =	ssyncadd.s32 $0xFFFFF000  }
0x318: {  	_ =	swait.ge [sflag:s7], $0x1000  }
0x319: {  	[sflag:s7] =	ssyncset.done $0x0  }
0x31a: {  	[sflag:s7] =	ssyncadd.s32 $0xFFFFF000  }
0x31b: {  	_ =	swait.ge [sflag:s7], $0x1000  }
0x31c: {  	[sflag:s7] =	ssyncset.done $0x0  }
0x31d: {  	[sflag:s7] =	ssyncadd.s32 $0xFFFFF000  }
0x31e: {  	_ =	swait.ge [sflag:s7], $0x1000  }
0x31f: {  	[sflag:s7] =	ssyncset.done $0x0  }
0x320: {  	[sflag:s7] =	ssyncadd.s32 $0xFFFFF000  }
0x321: {  	_ =	swait.ge [sflag:s7], $0x1000  }
0x322: {  	[sflag:s7] =	ssyncset.done $0x0  }
0x323: {  	[sflag:s7] =	ssyncadd.s32 $0xFFFFF000  }
0x324: {  	_ =	swait.ge [sflag:s7], $0x1000  }
0x325: {  	[sflag:s7] =	ssyncset.done $0x0  }
0x326: {  	[sflag:s7] =	ssyncadd.s32 $0xFFFFF000  }
0x327: {  	_ =	swait.ge [sflag:s7], $0x1000  }
0x328: {  	[sflag:s7] =	ssyncset.done $0x0  }
0x329: {  	[sflag:s7] =	ssyncadd.s32 $0xFFFFF000  }
0x32a: {  	_ =	swait.ge [sflag:s7], $0x1000  }
0x32b: {  	[sflag:s7] =	ssyncset.done $0x0  }
0x32c: {  	s1 =	rddreg [dreg:$0x5];
	[sflag:s7] =	ssyncadd.s32 $0xFFFFF000  }
0x32d: {  	[hbm4b:s1+s2] =	stream.linear.scatter [tilespmem:s4], [sflag:$0x2], $0xD000, $0x38;
	[tilespmem:$0xEA00] =	vst v63  }
0x32e: {  	_ =	swait.ge [sflag:s3], $0xD000  }
0x32f: {  	s0 =	sld [smem:$0x7FC]  }
0x330: {  	[sflag:s3] =	ssyncset.done $0x0  }
0x331: {  	s1 =	sld [smem:$0x7FD];
	[sflag:s3] =	ssyncadd.s32 $0xFFFF3000  }
0x332: {  	[tilespmem:s4], [sflag:$0x1] =	stream.indirect.gather [hbm4b:s5+s6], $0x20, s0, s6, $0xb8;
	[tilespmem:$0xEA00] =	vst v63  }
0x333: {  	_ = 	snop  }
0x334: {  	[tilespmem:s8], [sflag:$0x1] =	stream.indirect.gather [hbm4b:s5+s6], $0x20, s1, s6, $0xb8;
	[tilespmem:$0xEA00] =	vst v63  }
0x335: {  	_ = 	snop  }
0x336: {  	[tilespmem:s9], [sflag:$0x1] =	stream.indirect.gather [hbm4b:s5+s6], $0x20, s21, s6, $0xb8;
	[tilespmem:$0xEA00] =	vst v63  }
0x337: {  	_ = 	snop  }
0x338: {  	[tilespmem:s10], [sflag:$0x1] =	stream.indirect.gather [hbm4b:s5+s6], $0x20, s22, s6, $0xb8;
	[tilespmem:$0xEA00] =	vst v63  }
0x339: {  	_ = 	snop  }
0x33a: {  	[tilespmem:s11], [sflag:$0x1] =	stream.indirect.gather [hbm4b:s5+s6], $0x20, s23, s6, $0xb8;
	[tilespmem:$0xEA00] =	vst v63  }
0x33b: {  	_ = 	snop  }
0x33c: {  	[tilespmem:s12], [sflag:$0x1] =	stream.indirect.gather [hbm4b:s5+s6], $0x20, s24, s6, $0xb8;
	[tilespmem:$0xEA00] =	vst v63  }
0x33d: {  	_ = 	snop  }
0x33e: {  	[tilespmem:s13], [sflag:$0x1] =	stream.indirect.gather [hbm4b:s5+s6], $0x20, s25, s6, $0xb8;
	[tilespmem:$0xEA00] =	vst v63  }
0x33f: {  	_ = 	snop  }
0x340: {  	[tilespmem:s14], [sflag:$0x1] =	stream.indirect.gather [hbm4b:s5+s6], $0x20, s26, s6, $0xb8;
	[tilespmem:$0xEA00] =	vst v63  }
0x341: {  	_ = 	snop  }
0x342: {  	[tilespmem:s15], [sflag:$0x1] =	stream.indirect.gather [hbm4b:s5+s6], $0x20, s28, s6, $0xb8;
	[tilespmem:$0xEA00] =	vst v63  }
0x343: {  	_ = 	snop  }
0x344: {  	[tilespmem:s16], [sflag:$0x1] =	stream.indirect.gather [hbm4b:s5+s6], $0x20, s29, s6, $0xb8;
	[tilespmem:$0xEA00] =	vst v63  }
0x345: {  	_ = 	snop  }
0x346: {  	[tilespmem:s17], [sflag:$0x1] =	stream.indirect.gather [hbm4b:s5+s6], $0x20, s30, s6, $0xb8;
	[tilespmem:$0xEA00] =	vst v63  }
0x347: {  	_ = 	snop  }
0x348: {  	[tilespmem:s18], [sflag:$0x1] =	stream.indirect.gather [hbm4b:s5+s6], $0x20, s31, s6, $0xb8;
	[tilespmem:$0xEA00] =	vst v63  }
0x349: {  	s30 =	simm.s32 $0x1980  }
0x34a: {  	[tilespmem:s19], [sflag:$0x1] =	stream.indirect.gather [hbm4b:s5+s6], $0x20, s30, s6, $0xb8;
	[tilespmem:$0xEA00] =	vst v63  }
0x34b: {  	_ =	swait.ge [sflag:s7], $0x1000  }
0x34c: {  	[sflag:s7] =	ssyncset.done $0x0  }
0x34d: {  	[sflag:s7] =	ssyncadd.s32 $0xFFFFF000  }
0x34e: {  	_ =	swait.ge [sflag:s7], $0x1000  }
0x34f: {  	[sflag:s7] =	ssyncset.done $0x0  }
0x350: {  	[sflag:s7] =	ssyncadd.s32 $0xFFFFF000  }
0x351: {  	_ =	swait.ge [sflag:s7], $0x1000  }
0x352: {  	[sflag:s7] =	ssyncset.done $0x0  }
0x353: {  	[sflag:s7] =	ssyncadd.s32 $0xFFFFF000  }
0x354: {  	_ =	swait.ge [sflag:s7], $0x1000  }
0x355: {  	[sflag:s7] =	ssyncset.done $0x0  }
0x356: {  	[sflag:s7] =	ssyncadd.s32 $0xFFFFF000  }
0x357: {  	_ =	swait.ge [sflag:s7], $0x1000  }
0x358: {  	[sflag:s7] =	ssyncset.done $0x0  }
0x359: {  	[sflag:s7] =	ssyncadd.s32 $0xFFFFF000  }
0x35a: {  	_ =	swait.ge [sflag:s7], $0x1000  }
0x35b: {  	[sflag:s7] =	ssyncset.done $0x0  }
0x35c: {  	[sflag:s7] =	ssyncadd.s32 $0xFFFFF000  }
0x35d: {  	_ =	swait.ge [sflag:s7], $0x1000  }
0x35e: {  	[sflag:s7] =	ssyncset.done $0x0  }
0x35f: {  	[sflag:s7] =	ssyncadd.s32 $0xFFFFF000  }
0x360: {  	_ =	swait.ge [sflag:s7], $0x1000  }
0x361: {  	[sflag:s7] =	ssyncset.done $0x0  }
0x362: {  	[sflag:s7] =	ssyncadd.s32 $0xFFFFF000  }
0x363: {  	_ =	swait.ge [sflag:s7], $0x1000  }
0x364: {  	[sflag:s7] =	ssyncset.done $0x0  }
0x365: {  	[sflag:s7] =	ssyncadd.s32 $0xFFFFF000  }
0x366: {  	_ =	swait.ge [sflag:s7], $0x1000  }
0x367: {  	[sflag:s7] =	ssyncset.done $0x0  }
0x368: {  	[sflag:s7] =	ssyncadd.s32 $0xFFFFF000  }
0x369: {  	_ =	swait.ge [sflag:s7], $0x1000  }
0x36a: {  	[sflag:s7] =	ssyncset.done $0x0  }
0x36b: {  	[sflag:s7] =	ssyncadd.s32 $0xFFFFF000  }
0x36c: {  	_ =	swait.ge [sflag:s7], $0x1000  }
0x36d: {  	[sflag:s7] =	ssyncset.done $0x0  }
0x36e: {  	[sflag:s7] =	ssyncadd.s32 $0xFFFFF000  }
0x36f: {  	_ =	swait.ge [sflag:s7], $0x1000  }
0x370: {  	[sflag:s7] =	ssyncset.done $0x0  }
0x371: {  	s31 =	rddreg [dreg:$0x6];
	[sflag:s7] =	ssyncadd.s32 $0xFFFFF000  }
0x372: {  	[hbm4b:s31+s2] =	stream.linear.scatter [tilespmem:s4], [sflag:$0x2], $0xD000, $0x38;
	[tilespmem:$0xEA00] =	vst v63  }
0x373: {  	_ =	swait.ge [sflag:s3], $0xD000  }
0x374: {  	[sflag:s3] =	ssyncset.done $0x0  }
0x375: {  	[sflag:s3] =	ssyncadd.s32 $0xFFFF3000  }
0x376: {  	_ =	sfence.sel $0x180000  }
0x377: {  	[bflag:$0x0] =	sbarrier.arrive $0xFFFF  }
0x378: {  	_ =	strace $0x90000047  }
0x379: {  	[bflag:$0x2] =	sbarrier.arrive $0xFFFF  }
0x37a: {  	p0 =	sne.s32 s20, $0x0;
	s0 =	rddreg [dreg:$0x1]  }
0x37b: {  	s0 =	sadd.s32 @!p0 $0x100000, s0  }
0x37c: {  	[sflag:s0] =	ssyncadd.tile.s32 @!p0 $0x1;
	_ =	shalt  }
.LBB2_1:
.Ltmp3:
0x37d: {  	(pc) =	sbr.rel .LBB2_6-.Ltmp3, $4  }
0x37e: {  	s31 =	simm.s32 $0x1900  }
0x37f: {  	s30 =	simm.s32 $0x1880;
	s29 =	simm.s32 $0x1800;
	s28 =	simm.s32 $0x1780  }
0x380: {  	s26 =	simm.s32 $0x1700;
	s25 =	simm.s32 $0x1680;
	s24 =	simm.s32 $0x1600  }
0x381: {  	s23 =	simm.s32 $0x1580;
	s22 =	simm.s32 $0x1500;
	s21 =	simm.s32 $0x1480  }
.LBB2_3:
.Ltmp4:
0x382: {  	(pc) =	sbr.rel .LBB2_6-.Ltmp4, $4  }
0x383: {  	s31 =	simm.s32 $0x1900;
	s30 =	simm.s32 $0x1880  }
0x384: {  	s29 =	simm.s32 $0x1800;
	s28 =	simm.s32 $0x1780;
	s26 =	simm.s32 $0x1700  }
0x385: {  	s25 =	simm.s32 $0x1680;
	s24 =	simm.s32 $0x1600;
	s23 =	simm.s32 $0x1580  }
0x386: {  	s22 =	simm.s32 $0x1500;
	s21 =	simm.s32 $0x1480;
	s20 =	stileid.u32  }
.Lfunc_end2:
_tile_overlayer_lowered:
.L_overlay_start_2:
0x387: {  	(tag) =	ssettag $0x2  }
0x388: {  	s0 =	rddreg [dreg:$0x0];
	s2 =	stileid.u32  }
0x389: {  	s1 =	rddreg [dreg:$0x1];
	p0 =	sne.s32 s2, $0x0  }
0x38a: {  	s3 =	rddreg [dreg:$0x2];
	[bflag:$0x3] =	sbarrier.arrive $0xFFFF;
	s2 =	simm.s32 @!p0 $0x1C02  }
0x38b: {  	[timem:s3], [sflag:s2] =	dma.local @!p0 [hbm:s0], s1  }
0x38c: {  	s0 =	simm.s32 @!p0 $0x2  }
0x38d: {  	_ =	swait.ge @!p0 [sflag:s0], s1  }
0x38e: {  	s1 =	ssub.s32 @!p0 $0x0, s1;
	[sflag:s0] =	ssyncset.done @!p0 $0x0  }
0x38f: {  	[sflag:s0] =	ssyncadd.s32 @!p0 s1  }
0x390: {  	[bflag:$0x3] =	sbarrier.arrive $0xFFFF  }
0x391: {  	_ =	shalt  }

</sc_bundles>
